<compile_context>
chip_gen: v7x
topology: tpu7x:2x2x1
jax: 0.10.2.dev20260603
libtpu: 0.0.44.dev20260713+nightly
codegen_flags: <defaults>
</compile_context>

<pallas_src>
import jax
import jax.numpy as jnp
from jax import lax
from jax.experimental import pallas as pl
from jax.experimental.pallas import tpu as pltpu, tpu_sc as plsc

D_MODEL = 1024
BATCH = 4
SEQ = 4096

_info = plsc.get_sparse_core_info()
NC, NS, LANES = _info.num_cores, _info.num_subcores, _info.num_lanes
NW = NC * NS

CHUNK = 8
SEQ_PER_W = SEQ // NW
N_CHUNKS = SEQ_PER_W // CHUNK
DEPTH = 3
RING = DEPTH * BATCH
VPG = 32
N_GROUPS = CHUNK * D_MODEL // (VPG * LANES)


def _body(x_hbm, pos_hbm, out_hbm, xb, posb, in_sems, out_sems, pos_sems):
    cid = lax.axis_index("c")
    sid = lax.axis_index("s")
    wid = sid * NC + cid
    seq0 = wid * SEQ_PER_W

    def sbase(ci):
        return lax.rem(ci, DEPTH) * BATCH

    def in_copy(ci, q):
        s = sbase(ci) + q
        return pltpu.make_async_copy(
            x_hbm.at[q, pl.ds(seq0 + ci * CHUNK, CHUNK), :],
            xb.at[s], in_sems.at[s])

    def out_copy(ci, q):
        s = sbase(ci) + q
        return pltpu.make_async_copy(
            xb.at[s], out_hbm.at[q, pl.ds(seq0 + ci * CHUNK, CHUNK), :],
            out_sems.at[s])

    def pos_copy(ci):
        p = lax.rem(ci, 2)
        return pltpu.make_async_copy(
            pos_hbm.at[pl.ds(seq0 + ci * CHUNK, CHUNK), :],
            posb.at[p], pos_sems.at[p])

    pos_copy(0).start()
    for ci0 in range(min(DEPTH - 1, N_CHUNKS)):
        for q in range(BATCH):
            in_copy(ci0, q).start()

    def chunk_step(ci, _):
        p = lax.rem(ci, 2)
        sb = sbase(ci)

        @pl.when(ci + 1 < N_CHUNKS)
        def _():
            pos_copy(ci + 1).start()

        for q in range(BATCH):
            in_copy(ci, q).wait()
        pos_copy(ci).wait()

        def group(g, _):
            r = g >> 1
            coff = pl.multiple_of((g & 1) << 9, 512)
            vs = [posb[p, r, pl.ds(coff + u * LANES, LANES)]
                  for u in range(VPG)]
            for u in range(VPG):
                for q in range(BATCH):
                    plsc.addupdate(
                        xb.at[sb + q, r, pl.ds(coff + u * LANES, LANES)],
                        vs[u])
            return 0

        lax.fori_loop(0, N_GROUPS, group, 0)

        @pl.when(ci >= 1)
        def _():
            for q in range(BATCH):
                out_copy(ci - 1, q).wait()

        @pl.when(ci + DEPTH - 1 < N_CHUNKS)
        def _():
            for q in range(BATCH):
                in_copy(ci + DEPTH - 1, q).start()

        for q in range(BATCH):
            out_copy(ci, q).start()
        return 0

    lax.fori_loop(0, N_CHUNKS, chunk_step, 0)

    for q in range(BATCH):
        out_copy(N_CHUNKS - 1, q).wait()


@jax.jit
def kernel(x, pos_table):
    mesh = plsc.VectorSubcoreMesh(core_axis_name="c", subcore_axis_name="s")
    return pl.kernel(
        _body,
        out_type=jax.ShapeDtypeStruct((BATCH, SEQ, D_MODEL), jnp.float32),
        mesh=mesh,
        scratch_types=[
            pltpu.VMEM((RING, CHUNK, D_MODEL), jnp.float32),
            pltpu.VMEM((2, CHUNK, D_MODEL), jnp.float32),
            pltpu.SemaphoreType.DMA((RING,)),
            pltpu.SemaphoreType.DMA((RING,)),
            pltpu.SemaphoreType.DMA((2,)),
        ],
        compiler_params=pltpu.CompilerParams(use_tc_tiling_on_sc=True),
    )(x, pos_table)

# --- scband reference (transcript-rebuilt; emitter-appended) ---
"""Pipeline reference for scband-embedding-17841294147587 (READ-ONLY COPY).

The authoritative reference and input builder live on the scoring server;
editing this copy changes nothing except your own understanding.
"""

import jax, jax.numpy as jnp
import numpy as np

D_MODEL = 1024
MAX_LENGTH = 8192

def setup_inputs(seed: int = 0) -> dict:
    key = jax.random.key(seed)
    k1, k2 = jax.random.split(key)
    x = jax.random.normal(k1, (4, 4096, D_MODEL), dtype=jnp.float32)
    # nn.Embedding default init: N(0, 1)
    pos_table = jax.random.normal(k2, (MAX_LENGTH, D_MODEL), dtype=jnp.float32)
    return {"x": x, "pos_table": pos_table}

def reference(x, pos_table):
    length = x.shape[1]
    pos_ids = jnp.arange(0, length)
    pos_emb = jnp.take(pos_table, pos_ids, axis=0)  # [length, d_model]
    return x + pos_emb

if __name__ == "__main__":
    import jax
    _d = setup_inputs()
    print(jax.jit(kernel)(*tuple(_d.values())))

</pallas_src>

<mosaic_0001>
#map = affine_map<(d0, d1) -> (0, 0, 0)>
#map1 = affine_map<(d0, d1) -> (0, 0)>
module attributes {stable_mosaic.version = 14 : i64} {
  func.func @_body(%arg0: i32, %arg1: i32, %arg2: memref<4x4096x1024xf32, #tpu.memory_space<hbm>>, %arg3: memref<8192x1024xf32, #tpu.memory_space<hbm>>, %arg4: memref<4x4096x1024xf32, #tpu.memory_space<hbm>>, %arg5: memref<12x8x1024xf32, #tpu.memory_space<vmem>>, %arg6: memref<2x8x1024xf32, #tpu.memory_space<vmem>>, %arg7: memref<12x!tpu.dma_semaphore, #tpu.memory_space<semaphore_mem>>, %arg8: memref<12x!tpu.dma_semaphore, #tpu.memory_space<semaphore_mem>>, %arg9: memref<2x!tpu.dma_semaphore, #tpu.memory_space<semaphore_mem>>) attributes {dimension_semantics = [#tpu.dimension_semantics<core_parallel>, #tpu.dimension_semantics<subcore_parallel>], iteration_bounds = array<i64: 2, 16>, scalar_prefetch = 0 : i64, scratch_operands = 5 : i64, tpu.core_type = #tpu.core_type<sc_vector_subcore>, window_params = [{transform_indices = #map}, {transform_indices = #map1}, {transform_indices = #map}]} {
    %mul3A = arith.constant 2 : i32
    %mul3A_0 = arith.muli %arg1, %mul3A : i32
    %add3A = arith.addi %mul3A_0, %arg0 : i32
    %mul3A_1 = arith.constant 128 : i32
    %mul3A_2 = arith.muli %add3A, %mul3A_1 : i32
    %rem3A = arith.constant 0 : i32
    %rem3A_3 = arith.constant 2 : i32
    %rem3A_4 = arith.remsi %rem3A, %rem3A_3 : i32
    %add3A_5 = arith.constant 0 : i32
    %add3A_6 = arith.addi %mul3A_2, %add3A_5 : i32
    %dma_start3A = arith.constant 0 : i32
    %dma_start3A_7 = arith.constant 0 : i32
    %dma_start3A_8 = tpu.memref_slice %arg6[%rem3A_4, %dma_start3A, %dma_start3A_7] : memref<2x8x1024xf32, #tpu.memory_space<vmem>> -> memref<1x8x1024xf32, #tpu.memory_space<vmem>>
    %dma_start3A_9 = tpu.memref_squeeze %dma_start3A_8 : memref<1x8x1024xf32, #tpu.memory_space<vmem>> -> memref<8x1024xf32, #tpu.memory_space<vmem>>
    %dma_start3A_10 = arith.constant 0 : i32
    %dma_start3A_11 = tpu.memref_slice %arg3[%add3A_6, %dma_start3A_10] : memref<8192x1024xf32, #tpu.memory_space<hbm>> -> memref<8x1024xf32, #tpu.memory_space<hbm>>
    %dma_start3A_12 = tpu.memref_slice %arg9[%rem3A_4] : memref<2x!tpu.dma_semaphore, #tpu.memory_space<semaphore_mem>> -> memref<1x!tpu.dma_semaphore, #tpu.memory_space<semaphore_mem>>
    %dma_start3A_13 = tpu.memref_squeeze %dma_start3A_12 : memref<1x!tpu.dma_semaphore, #tpu.memory_space<semaphore_mem>> -> memref<!tpu.dma_semaphore, #tpu.memory_space<semaphore_mem>>
    %dma_start3A_14 = arith.constant 0 : i32
    %dma_start3A_15 = arith.constant 0 : i32
    %dma_start3A_16 = tpu.memref_slice %arg6[%rem3A_4, %dma_start3A_14, %dma_start3A_15] : memref<2x8x1024xf32, #tpu.memory_space<vmem>> -> memref<1x8x1024xf32, #tpu.memory_space<vmem>>
    %dma_start3A_17 = tpu.memref_squeeze %dma_start3A_16 : memref<1x8x1024xf32, #tpu.memory_space<vmem>> -> memref<8x1024xf32, #tpu.memory_space<vmem>>
    %dma_start3A_18 = arith.constant 0 : i32
    %dma_start3A_19 = tpu.memref_slice %arg3[%add3A_6, %dma_start3A_18] : memref<8192x1024xf32, #tpu.memory_space<hbm>> -> memref<8x1024xf32, #tpu.memory_space<hbm>>
    tpu.enqueue_dma source(%dma_start3A_19 : memref<8x1024xf32, #tpu.memory_space<hbm>>) target(%dma_start3A_17 : memref<8x1024xf32, #tpu.memory_space<vmem>>) target_semaphore(%dma_start3A_13 : memref<!tpu.dma_semaphore, #tpu.memory_space<semaphore_mem>>)
    %rem3A_20 = arith.constant 0 : i32
    %rem3A_21 = arith.constant 3 : i32
    %rem3A_22 = arith.remsi %rem3A_20, %rem3A_21 : i32
    %mul3A_23 = arith.constant 4 : i32
    %mul3A_24 = arith.muli %rem3A_22, %mul3A_23 : i32
    %add3A_25 = arith.constant 0 : i32
    %add3A_26 = arith.addi %mul3A_24, %add3A_25 : i32
    %add3A_27 = arith.constant 0 : i32
    %add3A_28 = arith.addi %mul3A_2, %add3A_27 : i32
    %dma_start3A_29 = arith.constant 0 : i32
    %dma_start3A_30 = arith.constant 0 : i32
    %dma_start3A_31 = arith.constant 0 : i32
    %dma_start3A_32 = tpu.memref_slice %arg5[%add3A_26, %dma_start3A_30, %dma_start3A_31] : memref<12x8x1024xf32, #tpu.memory_space<vmem>> -> memref<1x8x1024xf32, #tpu.memory_space<vmem>>
    %dma_start3A_33 = tpu.memref_squeeze %dma_start3A_32 : memref<1x8x1024xf32, #tpu.memory_space<vmem>> -> memref<8x1024xf32, #tpu.memory_space<vmem>>
    %dma_start3A_34 = arith.constant 0 : i32
    %dma_start3A_35 = tpu.memref_slice %arg2[%dma_start3A_29, %add3A_28, %dma_start3A_34] : memref<4x4096x1024xf32, #tpu.memory_space<hbm>> -> memref<1x8x1024xf32, #tpu.memory_space<hbm>>
    %dma_start3A_36 = tpu.memref_squeeze %dma_start3A_35 : memref<1x8x1024xf32, #tpu.memory_space<hbm>> -> memref<8x1024xf32, #tpu.memory_space<hbm>>
    %dma_start3A_37 = tpu.memref_slice %arg7[%add3A_26] : memref<12x!tpu.dma_semaphore, #tpu.memory_space<semaphore_mem>> -> memref<1x!tpu.dma_semaphore, #tpu.memory_space<semaphore_mem>>
    %dma_start3A_38 = tpu.memref_squeeze %dma_start3A_37 : memref<1x!tpu.dma_semaphore, #tpu.memory_space<semaphore_mem>> -> memref<!tpu.dma_semaphore, #tpu.memory_space<semaphore_mem>>
    %dma_start3A_39 = arith.constant 0 : i32
    %dma_start3A_40 = arith.constant 0 : i32
    %dma_start3A_41 = tpu.memref_slice %arg5[%add3A_26, %dma_start3A_39, %dma_start3A_40] : memref<12x8x1024xf32, #tpu.memory_space<vmem>> -> memref<1x8x1024xf32, #tpu.memory_space<vmem>>
    %dma_start3A_42 = tpu.memref_squeeze %dma_start3A_41 : memref<1x8x1024xf32, #tpu.memory_space<vmem>> -> memref<8x1024xf32, #tpu.memory_space<vmem>>
    %dma_start3A_43 = arith.constant 0 : i32
    %dma_start3A_44 = tpu.memref_slice %arg2[%dma_start3A_29, %add3A_28, %dma_start3A_43] : memref<4x4096x1024xf32, #tpu.memory_space<hbm>> -> memref<1x8x1024xf32, #tpu.memory_space<hbm>>
    %dma_start3A_45 = tpu.memref_squeeze %dma_start3A_44 : memref<1x8x1024xf32, #tpu.memory_space<hbm>> -> memref<8x1024xf32, #tpu.memory_space<hbm>>
    tpu.enqueue_dma source(%dma_start3A_45 : memref<8x1024xf32, #tpu.memory_space<hbm>>) target(%dma_start3A_42 : memref<8x1024xf32, #tpu.memory_space<vmem>>) target_semaphore(%dma_start3A_38 : memref<!tpu.dma_semaphore, #tpu.memory_space<semaphore_mem>>)
    %rem3A_46 = arith.constant 0 : i32
    %rem3A_47 = arith.constant 3 : i32
    %rem3A_48 = arith.remsi %rem3A_46, %rem3A_47 : i32
    %mul3A_49 = arith.constant 4 : i32
    %mul3A_50 = arith.muli %rem3A_48, %mul3A_49 : i32
    %add3A_51 = arith.constant 1 : i32
    %add3A_52 = arith.addi %mul3A_50, %add3A_51 : i32
    %add3A_53 = arith.constant 0 : i32
    %add3A_54 = arith.addi %mul3A_2, %add3A_53 : i32
    %dma_start3A_55 = arith.constant 1 : i32
    %dma_start3A_56 = arith.constant 0 : i32
    %dma_start3A_57 = arith.constant 0 : i32
    %dma_start3A_58 = tpu.memref_slice %arg5[%add3A_52, %dma_start3A_56, %dma_start3A_57] : memref<12x8x1024xf32, #tpu.memory_space<vmem>> -> memref<1x8x1024xf32, #tpu.memory_space<vmem>>
    %dma_start3A_59 = tpu.memref_squeeze %dma_start3A_58 : memref<1x8x1024xf32, #tpu.memory_space<vmem>> -> memref<8x1024xf32, #tpu.memory_space<vmem>>
    %dma_start3A_60 = arith.constant 0 : i32
    %dma_start3A_61 = tpu.memref_slice %arg2[%dma_start3A_55, %add3A_54, %dma_start3A_60] : memref<4x4096x1024xf32, #tpu.memory_space<hbm>> -> memref<1x8x1024xf32, #tpu.memory_space<hbm>>
    %dma_start3A_62 = tpu.memref_squeeze %dma_start3A_61 : memref<1x8x1024xf32, #tpu.memory_space<hbm>> -> memref<8x1024xf32, #tpu.memory_space<hbm>>
    %dma_start3A_63 = tpu.memref_slice %arg7[%add3A_52] : memref<12x!tpu.dma_semaphore, #tpu.memory_space<semaphore_mem>> -> memref<1x!tpu.dma_semaphore, #tpu.memory_space<semaphore_mem>>
    %dma_start3A_64 = tpu.memref_squeeze %dma_start3A_63 : memref<1x!tpu.dma_semaphore, #tpu.memory_space<semaphore_mem>> -> memref<!tpu.dma_semaphore, #tpu.memory_space<semaphore_mem>>
    %dma_start3A_65 = arith.constant 0 : i32
    %dma_start3A_66 = arith.constant 0 : i32
    %dma_start3A_67 = tpu.memref_slice %arg5[%add3A_52, %dma_start3A_65, %dma_start3A_66] : memref<12x8x1024xf32, #tpu.memory_space<vmem>> -> memref<1x8x1024xf32, #tpu.memory_space<vmem>>
    %dma_start3A_68 = tpu.memref_squeeze %dma_start3A_67 : memref<1x8x1024xf32, #tpu.memory_space<vmem>> -> memref<8x1024xf32, #tpu.memory_space<vmem>>
    %dma_start3A_69 = arith.constant 0 : i32
    %dma_start3A_70 = tpu.memref_slice %arg2[%dma_start3A_55, %add3A_54, %dma_start3A_69] : memref<4x4096x1024xf32, #tpu.memory_space<hbm>> -> memref<1x8x1024xf32, #tpu.memory_space<hbm>>
    %dma_start3A_71 = tpu.memref_squeeze %dma_start3A_70 : memref<1x8x1024xf32, #tpu.memory_space<hbm>> -> memref<8x1024xf32, #tpu.memory_space<hbm>>
    tpu.enqueue_dma source(%dma_start3A_71 : memref<8x1024xf32, #tpu.memory_space<hbm>>) target(%dma_start3A_68 : memref<8x1024xf32, #tpu.memory_space<vmem>>) target_semaphore(%dma_start3A_64 : memref<!tpu.dma_semaphore, #tpu.memory_space<semaphore_mem>>)
    %rem3A_72 = arith.constant 0 : i32
    %rem3A_73 = arith.constant 3 : i32
    %rem3A_74 = arith.remsi %rem3A_72, %rem3A_73 : i32
    %mul3A_75 = arith.constant 4 : i32
    %mul3A_76 = arith.muli %rem3A_74, %mul3A_75 : i32
    %add3A_77 = arith.constant 2 : i32
    %add3A_78 = arith.addi %mul3A_76, %add3A_77 : i32
    %add3A_79 = arith.constant 0 : i32
    %add3A_80 = arith.addi %mul3A_2, %add3A_79 : i32
    %dma_start3A_81 = arith.constant 2 : i32
    %dma_start3A_82 = arith.constant 0 : i32
    %dma_start3A_83 = arith.constant 0 : i32
    %dma_start3A_84 = tpu.memref_slice %arg5[%add3A_78, %dma_start3A_82, %dma_start3A_83] : memref<12x8x1024xf32, #tpu.memory_space<vmem>> -> memref<1x8x1024xf32, #tpu.memory_space<vmem>>
    %dma_start3A_85 = tpu.memref_squeeze %dma_start3A_84 : memref<1x8x1024xf32, #tpu.memory_space<vmem>> -> memref<8x1024xf32, #tpu.memory_space<vmem>>
    %dma_start3A_86 = arith.constant 0 : i32
    %dma_start3A_87 = tpu.memref_slice %arg2[%dma_start3A_81, %add3A_80, %dma_start3A_86] : memref<4x4096x1024xf32, #tpu.memory_space<hbm>> -> memref<1x8x1024xf32, #tpu.memory_space<hbm>>
    %dma_start3A_88 = tpu.memref_squeeze %dma_start3A_87 : memref<1x8x1024xf32, #tpu.memory_space<hbm>> -> memref<8x1024xf32, #tpu.memory_space<hbm>>
    %dma_start3A_89 = tpu.memref_slice %arg7[%add3A_78] : memref<12x!tpu.dma_semaphore, #tpu.memory_space<semaphore_mem>> -> memref<1x!tpu.dma_semaphore, #tpu.memory_space<semaphore_mem>>
    %dma_start3A_90 = tpu.memref_squeeze %dma_start3A_89 : memref<1x!tpu.dma_semaphore, #tpu.memory_space<semaphore_mem>> -> memref<!tpu.dma_semaphore, #tpu.memory_space<semaphore_mem>>
    %dma_start3A_91 = arith.constant 0 : i32
    %dma_start3A_92 = arith.constant 0 : i32
    %dma_start3A_93 = tpu.memref_slice %arg5[%add3A_78, %dma_start3A_91, %dma_start3A_92] : memref<12x8x1024xf32, #tpu.memory_space<vmem>> -> memref<1x8x1024xf32, #tpu.memory_space<vmem>>
    %dma_start3A_94 = tpu.memref_squeeze %dma_start3A_93 : memref<1x8x1024xf32, #tpu.memory_space<vmem>> -> memref<8x1024xf32, #tpu.memory_space<vmem>>
    %dma_start3A_95 = arith.constant 0 : i32
    %dma_start3A_96 = tpu.memref_slice %arg2[%dma_start3A_81, %add3A_80, %dma_start3A_95] : memref<4x4096x1024xf32, #tpu.memory_space<hbm>> -> memref<1x8x1024xf32, #tpu.memory_space<hbm>>
    %dma_start3A_97 = tpu.memref_squeeze %dma_start3A_96 : memref<1x8x1024xf32, #tpu.memory_space<hbm>> -> memref<8x1024xf32, #tpu.memory_space<hbm>>
    tpu.enqueue_dma source(%dma_start3A_97 : memref<8x1024xf32, #tpu.memory_space<hbm>>) target(%dma_start3A_94 : memref<8x1024xf32, #tpu.memory_space<vmem>>) target_semaphore(%dma_start3A_90 : memref<!tpu.dma_semaphore, #tpu.memory_space<semaphore_mem>>)
    %rem3A_98 = arith.constant 0 : i32
    %rem3A_99 = arith.constant 3 : i32
    %rem3A_100 = arith.remsi %rem3A_98, %rem3A_99 : i32
    %mul3A_101 = arith.constant 4 : i32
    %mul3A_102 = arith.muli %rem3A_100, %mul3A_101 : i32
    %add3A_103 = arith.constant 3 : i32
    %add3A_104 = arith.addi %mul3A_102, %add3A_103 : i32
    %add3A_105 = arith.constant 0 : i32
    %add3A_106 = arith.addi %mul3A_2, %add3A_105 : i32
    %dma_start3A_107 = arith.constant 3 : i32
    %dma_start3A_108 = arith.constant 0 : i32
    %dma_start3A_109 = arith.constant 0 : i32
    %dma_start3A_110 = tpu.memref_slice %arg5[%add3A_104, %dma_start3A_108, %dma_start3A_109] : memref<12x8x1024xf32, #tpu.memory_space<vmem>> -> memref<1x8x1024xf32, #tpu.memory_space<vmem>>
    %dma_start3A_111 = tpu.memref_squeeze %dma_start3A_110 : memref<1x8x1024xf32, #tpu.memory_space<vmem>> -> memref<8x1024xf32, #tpu.memory_space<vmem>>
    %dma_start3A_112 = arith.constant 0 : i32
    %dma_start3A_113 = tpu.memref_slice %arg2[%dma_start3A_107, %add3A_106, %dma_start3A_112] : memref<4x4096x1024xf32, #tpu.memory_space<hbm>> -> memref<1x8x1024xf32, #tpu.memory_space<hbm>>
    %dma_start3A_114 = tpu.memref_squeeze %dma_start3A_113 : memref<1x8x1024xf32, #tpu.memory_space<hbm>> -> memref<8x1024xf32, #tpu.memory_space<hbm>>
    %dma_start3A_115 = tpu.memref_slice %arg7[%add3A_104] : memref<12x!tpu.dma_semaphore, #tpu.memory_space<semaphore_mem>> -> memref<1x!tpu.dma_semaphore, #tpu.memory_space<semaphore_mem>>
    %dma_start3A_116 = tpu.memref_squeeze %dma_start3A_115 : memref<1x!tpu.dma_semaphore, #tpu.memory_space<semaphore_mem>> -> memref<!tpu.dma_semaphore, #tpu.memory_space<semaphore_mem>>
    %dma_start3A_117 = arith.constant 0 : i32
    %dma_start3A_118 = arith.constant 0 : i32
    %dma_start3A_119 = tpu.memref_slice %arg5[%add3A_104, %dma_start3A_117, %dma_start3A_118] : memref<12x8x1024xf32, #tpu.memory_space<vmem>> -> memref<1x8x1024xf32, #tpu.memory_space<vmem>>
    %dma_start3A_120 = tpu.memref_squeeze %dma_start3A_119 : memref<1x8x1024xf32, #tpu.memory_space<vmem>> -> memref<8x1024xf32, #tpu.memory_space<vmem>>
    %dma_start3A_121 = arith.constant 0 : i32
    %dma_start3A_122 = tpu.memref_slice %arg2[%dma_start3A_107, %add3A_106, %dma_start3A_121] : memref<4x4096x1024xf32, #tpu.memory_space<hbm>> -> memref<1x8x1024xf32, #tpu.memory_space<hbm>>
    %dma_start3A_123 = tpu.memref_squeeze %dma_start3A_122 : memref<1x8x1024xf32, #tpu.memory_space<hbm>> -> memref<8x1024xf32, #tpu.memory_space<hbm>>
    tpu.enqueue_dma source(%dma_start3A_123 : memref<8x1024xf32, #tpu.memory_space<hbm>>) target(%dma_start3A_120 : memref<8x1024xf32, #tpu.memory_space<vmem>>) target_semaphore(%dma_start3A_116 : memref<!tpu.dma_semaphore, #tpu.memory_space<semaphore_mem>>)
    %rem3A_124 = arith.constant 1 : i32
    %rem3A_125 = arith.constant 3 : i32
    %rem3A_126 = arith.remsi %rem3A_124, %rem3A_125 : i32
    %mul3A_127 = arith.constant 4 : i32
    %mul3A_128 = arith.muli %rem3A_126, %mul3A_127 : i32
    %add3A_129 = arith.constant 0 : i32
    %add3A_130 = arith.addi %mul3A_128, %add3A_129 : i32
    %add3A_131 = arith.constant 8 : i32
    %add3A_132 = arith.addi %mul3A_2, %add3A_131 : i32
    %dma_start3A_133 = arith.constant 0 : i32
    %dma_start3A_134 = arith.constant 0 : i32
    %dma_start3A_135 = arith.constant 0 : i32
    %dma_start3A_136 = tpu.memref_slice %arg5[%add3A_130, %dma_start3A_134, %dma_start3A_135] : memref<12x8x1024xf32, #tpu.memory_space<vmem>> -> memref<1x8x1024xf32, #tpu.memory_space<vmem>>
    %dma_start3A_137 = tpu.memref_squeeze %dma_start3A_136 : memref<1x8x1024xf32, #tpu.memory_space<vmem>> -> memref<8x1024xf32, #tpu.memory_space<vmem>>
    %dma_start3A_138 = arith.constant 0 : i32
    %dma_start3A_139 = tpu.memref_slice %arg2[%dma_start3A_133, %add3A_132, %dma_start3A_138] : memref<4x4096x1024xf32, #tpu.memory_space<hbm>> -> memref<1x8x1024xf32, #tpu.memory_space<hbm>>
    %dma_start3A_140 = tpu.memref_squeeze %dma_start3A_139 : memref<1x8x1024xf32, #tpu.memory_space<hbm>> -> memref<8x1024xf32, #tpu.memory_space<hbm>>
    %dma_start3A_141 = tpu.memref_slice %arg7[%add3A_130] : memref<12x!tpu.dma_semaphore, #tpu.memory_space<semaphore_mem>> -> memref<1x!tpu.dma_semaphore, #tpu.memory_space<semaphore_mem>>
    %dma_start3A_142 = tpu.memref_squeeze %dma_start3A_141 : memref<1x!tpu.dma_semaphore, #tpu.memory_space<semaphore_mem>> -> memref<!tpu.dma_semaphore, #tpu.memory_space<semaphore_mem>>
    %dma_start3A_143 = arith.constant 0 : i32
    %dma_start3A_144 = arith.constant 0 : i32
    %dma_start3A_145 = tpu.memref_slice %arg5[%add3A_130, %dma_start3A_143, %dma_start3A_144] : memref<12x8x1024xf32, #tpu.memory_space<vmem>> -> memref<1x8x1024xf32, #tpu.memory_space<vmem>>
    %dma_start3A_146 = tpu.memref_squeeze %dma_start3A_145 : memref<1x8x1024xf32, #tpu.memory_space<vmem>> -> memref<8x1024xf32, #tpu.memory_space<vmem>>
    %dma_start3A_147 = arith.constant 0 : i32
    %dma_start3A_148 = tpu.memref_slice %arg2[%dma_start3A_133, %add3A_132, %dma_start3A_147] : memref<4x4096x1024xf32, #tpu.memory_space<hbm>> -> memref<1x8x1024xf32, #tpu.memory_space<hbm>>
    %dma_start3A_149 = tpu.memref_squeeze %dma_start3A_148 : memref<1x8x1024xf32, #tpu.memory_space<hbm>> -> memref<8x1024xf32, #tpu.memory_space<hbm>>
    tpu.enqueue_dma source(%dma_start3A_149 : memref<8x1024xf32, #tpu.memory_space<hbm>>) target(%dma_start3A_146 : memref<8x1024xf32, #tpu.memory_space<vmem>>) target_semaphore(%dma_start3A_142 : memref<!tpu.dma_semaphore, #tpu.memory_space<semaphore_mem>>)
    %rem3A_150 = arith.constant 1 : i32
    %rem3A_151 = arith.constant 3 : i32
    %rem3A_152 = arith.remsi %rem3A_150, %rem3A_151 : i32
    %mul3A_153 = arith.constant 4 : i32
    %mul3A_154 = arith.muli %rem3A_152, %mul3A_153 : i32
    %add3A_155 = arith.constant 1 : i32
    %add3A_156 = arith.addi %mul3A_154, %add3A_155 : i32
    %add3A_157 = arith.constant 8 : i32
    %add3A_158 = arith.addi %mul3A_2, %add3A_157 : i32
    %dma_start3A_159 = arith.constant 1 : i32
    %dma_start3A_160 = arith.constant 0 : i32
    %dma_start3A_161 = arith.constant 0 : i32
    %dma_start3A_162 = tpu.memref_slice %arg5[%add3A_156, %dma_start3A_160, %dma_start3A_161] : memref<12x8x1024xf32, #tpu.memory_space<vmem>> -> memref<1x8x1024xf32, #tpu.memory_space<vmem>>
    %dma_start3A_163 = tpu.memref_squeeze %dma_start3A_162 : memref<1x8x1024xf32, #tpu.memory_space<vmem>> -> memref<8x1024xf32, #tpu.memory_space<vmem>>
    %dma_start3A_164 = arith.constant 0 : i32
    %dma_start3A_165 = tpu.memref_slice %arg2[%dma_start3A_159, %add3A_158, %dma_start3A_164] : memref<4x4096x1024xf32, #tpu.memory_space<hbm>> -> memref<1x8x1024xf32, #tpu.memory_space<hbm>>
    %dma_start3A_166 = tpu.memref_squeeze %dma_start3A_165 : memref<1x8x1024xf32, #tpu.memory_space<hbm>> -> memref<8x1024xf32, #tpu.memory_space<hbm>>
    %dma_start3A_167 = tpu.memref_slice %arg7[%add3A_156] : memref<12x!tpu.dma_semaphore, #tpu.memory_space<semaphore_mem>> -> memref<1x!tpu.dma_semaphore, #tpu.memory_space<semaphore_mem>>
    %dma_start3A_168 = tpu.memref_squeeze %dma_start3A_167 : memref<1x!tpu.dma_semaphore, #tpu.memory_space<semaphore_mem>> -> memref<!tpu.dma_semaphore, #tpu.memory_space<semaphore_mem>>
    %dma_start3A_169 = arith.constant 0 : i32
    %dma_start3A_170 = arith.constant 0 : i32
    %dma_start3A_171 = tpu.memref_slice %arg5[%add3A_156, %dma_start3A_169, %dma_start3A_170] : memref<12x8x1024xf32, #tpu.memory_space<vmem>> -> memref<1x8x1024xf32, #tpu.memory_space<vmem>>
    %dma_start3A_172 = tpu.memref_squeeze %dma_start3A_171 : memref<1x8x1024xf32, #tpu.memory_space<vmem>> -> memref<8x1024xf32, #tpu.memory_space<vmem>>
    %dma_start3A_173 = arith.constant 0 : i32
    %dma_start3A_174 = tpu.memref_slice %arg2[%dma_start3A_159, %add3A_158, %dma_start3A_173] : memref<4x4096x1024xf32, #tpu.memory_space<hbm>> -> memref<1x8x1024xf32, #tpu.memory_space<hbm>>
    %dma_start3A_175 = tpu.memref_squeeze %dma_start3A_174 : memref<1x8x1024xf32, #tpu.memory_space<hbm>> -> memref<8x1024xf32, #tpu.memory_space<hbm>>
    tpu.enqueue_dma source(%dma_start3A_175 : memref<8x1024xf32, #tpu.memory_space<hbm>>) target(%dma_start3A_172 : memref<8x1024xf32, #tpu.memory_space<vmem>>) target_semaphore(%dma_start3A_168 : memref<!tpu.dma_semaphore, #tpu.memory_space<semaphore_mem>>)
    %rem3A_176 = arith.constant 1 : i32
    %rem3A_177 = arith.constant 3 : i32
    %rem3A_178 = arith.remsi %rem3A_176, %rem3A_177 : i32
    %mul3A_179 = arith.constant 4 : i32
    %mul3A_180 = arith.muli %rem3A_178, %mul3A_179 : i32
    %add3A_181 = arith.constant 2 : i32
    %add3A_182 = arith.addi %mul3A_180, %add3A_181 : i32
    %add3A_183 = arith.constant 8 : i32
    %add3A_184 = arith.addi %mul3A_2, %add3A_183 : i32
    %dma_start3A_185 = arith.constant 2 : i32
    %dma_start3A_186 = arith.constant 0 : i32
    %dma_start3A_187 = arith.constant 0 : i32
    %dma_start3A_188 = tpu.memref_slice %arg5[%add3A_182, %dma_start3A_186, %dma_start3A_187] : memref<12x8x1024xf32, #tpu.memory_space<vmem>> -> memref<1x8x1024xf32, #tpu.memory_space<vmem>>
    %dma_start3A_189 = tpu.memref_squeeze %dma_start3A_188 : memref<1x8x1024xf32, #tpu.memory_space<vmem>> -> memref<8x1024xf32, #tpu.memory_space<vmem>>
    %dma_start3A_190 = arith.constant 0 : i32
    %dma_start3A_191 = tpu.memref_slice %arg2[%dma_start3A_185, %add3A_184, %dma_start3A_190] : memref<4x4096x1024xf32, #tpu.memory_space<hbm>> -> memref<1x8x1024xf32, #tpu.memory_space<hbm>>
    %dma_start3A_192 = tpu.memref_squeeze %dma_start3A_191 : memref<1x8x1024xf32, #tpu.memory_space<hbm>> -> memref<8x1024xf32, #tpu.memory_space<hbm>>
    %dma_start3A_193 = tpu.memref_slice %arg7[%add3A_182] : memref<12x!tpu.dma_semaphore, #tpu.memory_space<semaphore_mem>> -> memref<1x!tpu.dma_semaphore, #tpu.memory_space<semaphore_mem>>
    %dma_start3A_194 = tpu.memref_squeeze %dma_start3A_193 : memref<1x!tpu.dma_semaphore, #tpu.memory_space<semaphore_mem>> -> memref<!tpu.dma_semaphore, #tpu.memory_space<semaphore_mem>>
    %dma_start3A_195 = arith.constant 0 : i32
    %dma_start3A_196 = arith.constant 0 : i32
    %dma_start3A_197 = tpu.memref_slice %arg5[%add3A_182, %dma_start3A_195, %dma_start3A_196] : memref<12x8x1024xf32, #tpu.memory_space<vmem>> -> memref<1x8x1024xf32, #tpu.memory_space<vmem>>
    %dma_start3A_198 = tpu.memref_squeeze %dma_start3A_197 : memref<1x8x1024xf32, #tpu.memory_space<vmem>> -> memref<8x1024xf32, #tpu.memory_space<vmem>>
    %dma_start3A_199 = arith.constant 0 : i32
    %dma_start3A_200 = tpu.memref_slice %arg2[%dma_start3A_185, %add3A_184, %dma_start3A_199] : memref<4x4096x1024xf32, #tpu.memory_space<hbm>> -> memref<1x8x1024xf32, #tpu.memory_space<hbm>>
    %dma_start3A_201 = tpu.memref_squeeze %dma_start3A_200 : memref<1x8x1024xf32, #tpu.memory_space<hbm>> -> memref<8x1024xf32, #tpu.memory_space<hbm>>
    tpu.enqueue_dma source(%dma_start3A_201 : memref<8x1024xf32, #tpu.memory_space<hbm>>) target(%dma_start3A_198 : memref<8x1024xf32, #tpu.memory_space<vmem>>) target_semaphore(%dma_start3A_194 : memref<!tpu.dma_semaphore, #tpu.memory_space<semaphore_mem>>)
    %rem3A_202 = arith.constant 1 : i32
    %rem3A_203 = arith.constant 3 : i32
    %rem3A_204 = arith.remsi %rem3A_202, %rem3A_203 : i32
    %mul3A_205 = arith.constant 4 : i32
    %mul3A_206 = arith.muli %rem3A_204, %mul3A_205 : i32
    %add3A_207 = arith.constant 3 : i32
    %add3A_208 = arith.addi %mul3A_206, %add3A_207 : i32
    %add3A_209 = arith.constant 8 : i32
    %add3A_210 = arith.addi %mul3A_2, %add3A_209 : i32
    %dma_start3A_211 = arith.constant 3 : i32
    %dma_start3A_212 = arith.constant 0 : i32
    %dma_start3A_213 = arith.constant 0 : i32
    %dma_start3A_214 = tpu.memref_slice %arg5[%add3A_208, %dma_start3A_212, %dma_start3A_213] : memref<12x8x1024xf32, #tpu.memory_space<vmem>> -> memref<1x8x1024xf32, #tpu.memory_space<vmem>>
    %dma_start3A_215 = tpu.memref_squeeze %dma_start3A_214 : memref<1x8x1024xf32, #tpu.memory_space<vmem>> -> memref<8x1024xf32, #tpu.memory_space<vmem>>
    %dma_start3A_216 = arith.constant 0 : i32
    %dma_start3A_217 = tpu.memref_slice %arg2[%dma_start3A_211, %add3A_210, %dma_start3A_216] : memref<4x4096x1024xf32, #tpu.memory_space<hbm>> -> memref<1x8x1024xf32, #tpu.memory_space<hbm>>
    %dma_start3A_218 = tpu.memref_squeeze %dma_start3A_217 : memref<1x8x1024xf32, #tpu.memory_space<hbm>> -> memref<8x1024xf32, #tpu.memory_space<hbm>>
    %dma_start3A_219 = tpu.memref_slice %arg7[%add3A_208] : memref<12x!tpu.dma_semaphore, #tpu.memory_space<semaphore_mem>> -> memref<1x!tpu.dma_semaphore, #tpu.memory_space<semaphore_mem>>
    %dma_start3A_220 = tpu.memref_squeeze %dma_start3A_219 : memref<1x!tpu.dma_semaphore, #tpu.memory_space<semaphore_mem>> -> memref<!tpu.dma_semaphore, #tpu.memory_space<semaphore_mem>>
    %dma_start3A_221 = arith.constant 0 : i32
    %dma_start3A_222 = arith.constant 0 : i32
    %dma_start3A_223 = tpu.memref_slice %arg5[%add3A_208, %dma_start3A_221, %dma_start3A_222] : memref<12x8x1024xf32, #tpu.memory_space<vmem>> -> memref<1x8x1024xf32, #tpu.memory_space<vmem>>
    %dma_start3A_224 = tpu.memref_squeeze %dma_start3A_223 : memref<1x8x1024xf32, #tpu.memory_space<vmem>> -> memref<8x1024xf32, #tpu.memory_space<vmem>>
    %dma_start3A_225 = arith.constant 0 : i32
    %dma_start3A_226 = tpu.memref_slice %arg2[%dma_start3A_211, %add3A_210, %dma_start3A_225] : memref<4x4096x1024xf32, #tpu.memory_space<hbm>> -> memref<1x8x1024xf32, #tpu.memory_space<hbm>>
    %dma_start3A_227 = tpu.memref_squeeze %dma_start3A_226 : memref<1x8x1024xf32, #tpu.memory_space<hbm>> -> memref<8x1024xf32, #tpu.memory_space<hbm>>
    tpu.enqueue_dma source(%dma_start3A_227 : memref<8x1024xf32, #tpu.memory_space<hbm>>) target(%dma_start3A_224 : memref<8x1024xf32, #tpu.memory_space<vmem>>) target_semaphore(%dma_start3A_220 : memref<!tpu.dma_semaphore, #tpu.memory_space<semaphore_mem>>)
    %scan3A = arith.constant 0 : i32
    %scan3A_228 = arith.constant 0 : i32
    %scan3A_229 = arith.constant 16 : i32
    %scan3A_230 = arith.addi %scan3A_228, %scan3A_229 : i32
    %scan3A_231 = arith.constant 1 : i32
    %scan3A_232 = scf.for %scan3A_337 = %scan3A_228 to %scan3A_230 step %scan3A_231 iter_args(%scan3A_338 = %scan3A) -> (i32)  : i32 {
      %rem3A_339 = arith.constant 2 : i32
      %rem3A_340 = arith.remsi %scan3A_337, %rem3A_339 : i32
      %rem3A_341 = arith.constant 3 : i32
      %rem3A_342 = arith.remsi %scan3A_337, %rem3A_341 : i32
      %mul3A_343 = arith.constant 4 : i32
      %mul3A_344 = arith.muli %rem3A_342, %mul3A_343 : i32
      %add3A_345 = arith.constant 1 : i32
      %add3A_346 = arith.addi %scan3A_337, %add3A_345 : i32
      %lt3A = arith.constant 16 : i32
      %lt3A_347 = arith.cmpi slt, %add3A_346, %lt3A : i32
      %convert_element_type3A = arith.extui %lt3A_347 : i1 to i32
      %cond3A = arith.constant 0 : i32
      %cond3A_348 = arith.cmpi ne, %convert_element_type3A, %cond3A : i32
      scf.if %cond3A_348 {
        %add3A_596 = arith.constant 1 : i32
        %add3A_597 = arith.addi %scan3A_337, %add3A_596 : i32
        %rem3A_598 = arith.constant 2 : i32
        %rem3A_599 = arith.remsi %add3A_597, %rem3A_598 : i32
        %mul3A_600 = arith.constant 8 : i32
        %mul3A_601 = arith.muli %add3A_597, %mul3A_600 : i32
        %add3A_602 = arith.addi %mul3A_2, %mul3A_601 : i32
        %dma_start3A_603 = arith.constant 0 : i32
        %dma_start3A_604 = arith.constant 0 : i32
        %dma_start3A_605 = tpu.memref_slice %arg6[%rem3A_599, %dma_start3A_603, %dma_start3A_604] : memref<2x8x1024xf32, #tpu.memory_space<vmem>> -> memref<1x8x1024xf32, #tpu.memory_space<vmem>>
        %dma_start3A_606 = tpu.memref_squeeze %dma_start3A_605 : memref<1x8x1024xf32, #tpu.memory_space<vmem>> -> memref<8x1024xf32, #tpu.memory_space<vmem>>
        %dma_start3A_607 = arith.constant 0 : i32
        %dma_start3A_608 = tpu.memref_slice %arg3[%add3A_602, %dma_start3A_607] : memref<8192x1024xf32, #tpu.memory_space<hbm>> -> memref<8x1024xf32, #tpu.memory_space<hbm>>
        %dma_start3A_609 = tpu.memref_slice %arg9[%rem3A_599] : memref<2x!tpu.dma_semaphore, #tpu.memory_space<semaphore_mem>> -> memref<1x!tpu.dma_semaphore, #tpu.memory_space<semaphore_mem>>
        %dma_start3A_610 = tpu.memref_squeeze %dma_start3A_609 : memref<1x!tpu.dma_semaphore, #tpu.memory_space<semaphore_mem>> -> memref<!tpu.dma_semaphore, #tpu.memory_space<semaphore_mem>>
        %dma_start3A_611 = arith.constant 0 : i32
        %dma_start3A_612 = arith.constant 0 : i32
        %dma_start3A_613 = tpu.memref_slice %arg6[%rem3A_599, %dma_start3A_611, %dma_start3A_612] : memref<2x8x1024xf32, #tpu.memory_space<vmem>> -> memref<1x8x1024xf32, #tpu.memory_space<vmem>>
        %dma_start3A_614 = tpu.memref_squeeze %dma_start3A_613 : memref<1x8x1024xf32, #tpu.memory_space<vmem>> -> memref<8x1024xf32, #tpu.memory_space<vmem>>
        %dma_start3A_615 = arith.constant 0 : i32
        %dma_start3A_616 = tpu.memref_slice %arg3[%add3A_602, %dma_start3A_615] : memref<8192x1024xf32, #tpu.memory_space<hbm>> -> memref<8x1024xf32, #tpu.memory_space<hbm>>
        tpu.enqueue_dma source(%dma_start3A_616 : memref<8x1024xf32, #tpu.memory_space<hbm>>) target(%dma_start3A_614 : memref<8x1024xf32, #tpu.memory_space<vmem>>) target_semaphore(%dma_start3A_610 : memref<!tpu.dma_semaphore, #tpu.memory_space<semaphore_mem>>)
      } else {
      }
      %rem3A_349 = arith.constant 3 : i32
      %rem3A_350 = arith.remsi %scan3A_337, %rem3A_349 : i32
      %mul3A_351 = arith.constant 4 : i32
      %mul3A_352 = arith.muli %rem3A_350, %mul3A_351 : i32
      %add3A_353 = arith.constant 0 : i32
      %add3A_354 = arith.addi %mul3A_352, %add3A_353 : i32
      %mul3A_355 = arith.constant 8 : i32
      %mul3A_356 = arith.muli %scan3A_337, %mul3A_355 : i32
      %add3A_357 = arith.addi %mul3A_2, %mul3A_356 : i32
      %dma_wait3A_358 = arith.constant 0 : i32
      %dma_wait3A_359 = arith.constant 0 : i32
      %dma_wait3A_360 = arith.constant 0 : i32
      %dma_wait3A_361 = tpu.memref_slice %arg5[%add3A_354, %dma_wait3A_359, %dma_wait3A_360] : memref<12x8x1024xf32, #tpu.memory_space<vmem>> -> memref<1x8x1024xf32, #tpu.memory_space<vmem>>
      %dma_wait3A_362 = tpu.memref_squeeze %dma_wait3A_361 : memref<1x8x1024xf32, #tpu.memory_space<vmem>> -> memref<8x1024xf32, #tpu.memory_space<vmem>>
      %dma_wait3A_363 = arith.constant 0 : i32
      %dma_wait3A_364 = tpu.memref_slice %arg2[%dma_wait3A_358, %add3A_357, %dma_wait3A_363] : memref<4x4096x1024xf32, #tpu.memory_space<hbm>> -> memref<1x8x1024xf32, #tpu.memory_space<hbm>>
      %dma_wait3A_365 = tpu.memref_squeeze %dma_wait3A_364 : memref<1x8x1024xf32, #tpu.memory_space<hbm>> -> memref<8x1024xf32, #tpu.memory_space<hbm>>
      %dma_wait3A_366 = tpu.memref_slice %arg7[%add3A_354] : memref<12x!tpu.dma_semaphore, #tpu.memory_space<semaphore_mem>> -> memref<1x!tpu.dma_semaphore, #tpu.memory_space<semaphore_mem>>
      %dma_wait3A_367 = tpu.memref_squeeze %dma_wait3A_366 : memref<1x!tpu.dma_semaphore, #tpu.memory_space<semaphore_mem>> -> memref<!tpu.dma_semaphore, #tpu.memory_space<semaphore_mem>>
      %dma_wait3A_368 = arith.constant 0 : i32
      %dma_wait3A_369 = arith.constant 0 : i32
      %dma_wait3A_370 = tpu.memref_slice %arg5[%add3A_354, %dma_wait3A_368, %dma_wait3A_369] : memref<12x8x1024xf32, #tpu.memory_space<vmem>> -> memref<1x8x1024xf32, #tpu.memory_space<vmem>>
      %dma_wait3A_371 = tpu.memref_squeeze %dma_wait3A_370 : memref<1x8x1024xf32, #tpu.memory_space<vmem>> -> memref<8x1024xf32, #tpu.memory_space<vmem>>
      %dma_wait3A_372 = arith.constant 0 : i32
      %dma_wait3A_373 = tpu.memref_slice %arg2[%dma_wait3A_358, %add3A_357, %dma_wait3A_372] : memref<4x4096x1024xf32, #tpu.memory_space<hbm>> -> memref<1x8x1024xf32, #tpu.memory_space<hbm>>
      %dma_wait3A_374 = tpu.memref_squeeze %dma_wait3A_373 : memref<1x8x1024xf32, #tpu.memory_space<hbm>> -> memref<8x1024xf32, #tpu.memory_space<hbm>>
      tpu.wait_dma2 semaphore(%dma_wait3A_367 : memref<!tpu.dma_semaphore, #tpu.memory_space<semaphore_mem>>) src(%dma_wait3A_374 : memref<8x1024xf32, #tpu.memory_space<hbm>>) dst(%dma_wait3A_371 : memref<8x1024xf32, #tpu.memory_space<vmem>>)
      %rem3A_375 = arith.constant 3 : i32
      %rem3A_376 = arith.remsi %scan3A_337, %rem3A_375 : i32
      %mul3A_377 = arith.constant 4 : i32
      %mul3A_378 = arith.muli %rem3A_376, %mul3A_377 : i32
      %add3A_379 = arith.constant 1 : i32
      %add3A_380 = arith.addi %mul3A_378, %add3A_379 : i32
      %mul3A_381 = arith.constant 8 : i32
      %mul3A_382 = arith.muli %scan3A_337, %mul3A_381 : i32
      %add3A_383 = arith.addi %mul3A_2, %mul3A_382 : i32
      %dma_wait3A_384 = arith.constant 1 : i32
      %dma_wait3A_385 = arith.constant 0 : i32
      %dma_wait3A_386 = arith.constant 0 : i32
      %dma_wait3A_387 = tpu.memref_slice %arg5[%add3A_380, %dma_wait3A_385, %dma_wait3A_386] : memref<12x8x1024xf32, #tpu.memory_space<vmem>> -> memref<1x8x1024xf32, #tpu.memory_space<vmem>>
      %dma_wait3A_388 = tpu.memref_squeeze %dma_wait3A_387 : memref<1x8x1024xf32, #tpu.memory_space<vmem>> -> memref<8x1024xf32, #tpu.memory_space<vmem>>
      %dma_wait3A_389 = arith.constant 0 : i32
      %dma_wait3A_390 = tpu.memref_slice %arg2[%dma_wait3A_384, %add3A_383, %dma_wait3A_389] : memref<4x4096x1024xf32, #tpu.memory_space<hbm>> -> memref<1x8x1024xf32, #tpu.memory_space<hbm>>
      %dma_wait3A_391 = tpu.memref_squeeze %dma_wait3A_390 : memref<1x8x1024xf32, #tpu.memory_space<hbm>> -> memref<8x1024xf32, #tpu.memory_space<hbm>>
      %dma_wait3A_392 = tpu.memref_slice %arg7[%add3A_380] : memref<12x!tpu.dma_semaphore, #tpu.memory_space<semaphore_mem>> -> memref<1x!tpu.dma_semaphore, #tpu.memory_space<semaphore_mem>>
      %dma_wait3A_393 = tpu.memref_squeeze %dma_wait3A_392 : memref<1x!tpu.dma_semaphore, #tpu.memory_space<semaphore_mem>> -> memref<!tpu.dma_semaphore, #tpu.memory_space<semaphore_mem>>
      %dma_wait3A_394 = arith.constant 0 : i32
      %dma_wait3A_395 = arith.constant 0 : i32
      %dma_wait3A_396 = tpu.memref_slice %arg5[%add3A_380, %dma_wait3A_394, %dma_wait3A_395] : memref<12x8x1024xf32, #tpu.memory_space<vmem>> -> memref<1x8x1024xf32, #tpu.memory_space<vmem>>
      %dma_wait3A_397 = tpu.memref_squeeze %dma_wait3A_396 : memref<1x8x1024xf32, #tpu.memory_space<vmem>> -> memref<8x1024xf32, #tpu.memory_space<vmem>>
      %dma_wait3A_398 = arith.constant 0 : i32
      %dma_wait3A_399 = tpu.memref_slice %arg2[%dma_wait3A_384, %add3A_383, %dma_wait3A_398] : memref<4x4096x1024xf32, #tpu.memory_space<hbm>> -> memref<1x8x1024xf32, #tpu.memory_space<hbm>>
      %dma_wait3A_400 = tpu.memref_squeeze %dma_wait3A_399 : memref<1x8x1024xf32, #tpu.memory_space<hbm>> -> memref<8x1024xf32, #tpu.memory_space<hbm>>
      tpu.wait_dma2 semaphore(%dma_wait3A_393 : memref<!tpu.dma_semaphore, #tpu.memory_space<semaphore_mem>>) src(%dma_wait3A_400 : memref<8x1024xf32, #tpu.memory_space<hbm>>) dst(%dma_wait3A_397 : memref<8x1024xf32, #tpu.memory_space<vmem>>)
      %rem3A_401 = arith.constant 3 : i32
      %rem3A_402 = arith.remsi %scan3A_337, %rem3A_401 : i32
      %mul3A_403 = arith.constant 4 : i32
      %mul3A_404 = arith.muli %rem3A_402, %mul3A_403 : i32
      %add3A_405 = arith.constant 2 : i32
      %add3A_406 = arith.addi %mul3A_404, %add3A_405 : i32
      %mul3A_407 = arith.constant 8 : i32
      %mul3A_408 = arith.muli %scan3A_337, %mul3A_407 : i32
      %add3A_409 = arith.addi %mul3A_2, %mul3A_408 : i32
      %dma_wait3A_410 = arith.constant 2 : i32
      %dma_wait3A_411 = arith.constant 0 : i32
      %dma_wait3A_412 = arith.constant 0 : i32
      %dma_wait3A_413 = tpu.memref_slice %arg5[%add3A_406, %dma_wait3A_411, %dma_wait3A_412] : memref<12x8x1024xf32, #tpu.memory_space<vmem>> -> memref<1x8x1024xf32, #tpu.memory_space<vmem>>
      %dma_wait3A_414 = tpu.memref_squeeze %dma_wait3A_413 : memref<1x8x1024xf32, #tpu.memory_space<vmem>> -> memref<8x1024xf32, #tpu.memory_space<vmem>>
      %dma_wait3A_415 = arith.constant 0 : i32
      %dma_wait3A_416 = tpu.memref_slice %arg2[%dma_wait3A_410, %add3A_409, %dma_wait3A_415] : memref<4x4096x1024xf32, #tpu.memory_space<hbm>> -> memref<1x8x1024xf32, #tpu.memory_space<hbm>>
      %dma_wait3A_417 = tpu.memref_squeeze %dma_wait3A_416 : memref<1x8x1024xf32, #tpu.memory_space<hbm>> -> memref<8x1024xf32, #tpu.memory_space<hbm>>
      %dma_wait3A_418 = tpu.memref_slice %arg7[%add3A_406] : memref<12x!tpu.dma_semaphore, #tpu.memory_space<semaphore_mem>> -> memref<1x!tpu.dma_semaphore, #tpu.memory_space<semaphore_mem>>
      %dma_wait3A_419 = tpu.memref_squeeze %dma_wait3A_418 : memref<1x!tpu.dma_semaphore, #tpu.memory_space<semaphore_mem>> -> memref<!tpu.dma_semaphore, #tpu.memory_space<semaphore_mem>>
      %dma_wait3A_420 = arith.constant 0 : i32
      %dma_wait3A_421 = arith.constant 0 : i32
      %dma_wait3A_422 = tpu.memref_slice %arg5[%add3A_406, %dma_wait3A_420, %dma_wait3A_421] : memref<12x8x1024xf32, #tpu.memory_space<vmem>> -> memref<1x8x1024xf32, #tpu.memory_space<vmem>>
      %dma_wait3A_423 = tpu.memref_squeeze %dma_wait3A_422 : memref<1x8x1024xf32, #tpu.memory_space<vmem>> -> memref<8x1024xf32, #tpu.memory_space<vmem>>
      %dma_wait3A_424 = arith.constant 0 : i32
      %dma_wait3A_425 = tpu.memref_slice %arg2[%dma_wait3A_410, %add3A_409, %dma_wait3A_424] : memref<4x4096x1024xf32, #tpu.memory_space<hbm>> -> memref<1x8x1024xf32, #tpu.memory_space<hbm>>
      %dma_wait3A_426 = tpu.memref_squeeze %dma_wait3A_425 : memref<1x8x1024xf32, #tpu.memory_space<hbm>> -> memref<8x1024xf32, #tpu.memory_space<hbm>>
      tpu.wait_dma2 semaphore(%dma_wait3A_419 : memref<!tpu.dma_semaphore, #tpu.memory_space<semaphore_mem>>) src(%dma_wait3A_426 : memref<8x1024xf32, #tpu.memory_space<hbm>>) dst(%dma_wait3A_423 : memref<8x1024xf32, #tpu.memory_space<vmem>>)
      %rem3A_427 = arith.constant 3 : i32
      %rem3A_428 = arith.remsi %scan3A_337, %rem3A_427 : i32
      %mul3A_429 = arith.constant 4 : i32
      %mul3A_430 = arith.muli %rem3A_428, %mul3A_429 : i32
      %add3A_431 = arith.constant 3 : i32
      %add3A_432 = arith.addi %mul3A_430, %add3A_431 : i32
      %mul3A_433 = arith.constant 8 : i32
      %mul3A_434 = arith.muli %scan3A_337, %mul3A_433 : i32
      %add3A_435 = arith.addi %mul3A_2, %mul3A_434 : i32
      %dma_wait3A_436 = arith.constant 3 : i32
      %dma_wait3A_437 = arith.constant 0 : i32
      %dma_wait3A_438 = arith.constant 0 : i32
      %dma_wait3A_439 = tpu.memref_slice %arg5[%add3A_432, %dma_wait3A_437, %dma_wait3A_438] : memref<12x8x1024xf32, #tpu.memory_space<vmem>> -> memref<1x8x1024xf32, #tpu.memory_space<vmem>>
      %dma_wait3A_440 = tpu.memref_squeeze %dma_wait3A_439 : memref<1x8x1024xf32, #tpu.memory_space<vmem>> -> memref<8x1024xf32, #tpu.memory_space<vmem>>
      %dma_wait3A_441 = arith.constant 0 : i32
      %dma_wait3A_442 = tpu.memref_slice %arg2[%dma_wait3A_436, %add3A_435, %dma_wait3A_441] : memref<4x4096x1024xf32, #tpu.memory_space<hbm>> -> memref<1x8x1024xf32, #tpu.memory_space<hbm>>
      %dma_wait3A_443 = tpu.memref_squeeze %dma_wait3A_442 : memref<1x8x1024xf32, #tpu.memory_space<hbm>> -> memref<8x1024xf32, #tpu.memory_space<hbm>>
      %dma_wait3A_444 = tpu.memref_slice %arg7[%add3A_432] : memref<12x!tpu.dma_semaphore, #tpu.memory_space<semaphore_mem>> -> memref<1x!tpu.dma_semaphore, #tpu.memory_space<semaphore_mem>>
      %dma_wait3A_445 = tpu.memref_squeeze %dma_wait3A_444 : memref<1x!tpu.dma_semaphore, #tpu.memory_space<semaphore_mem>> -> memref<!tpu.dma_semaphore, #tpu.memory_space<semaphore_mem>>
      %dma_wait3A_446 = arith.constant 0 : i32
      %dma_wait3A_447 = arith.constant 0 : i32
      %dma_wait3A_448 = tpu.memref_slice %arg5[%add3A_432, %dma_wait3A_446, %dma_wait3A_447] : memref<12x8x1024xf32, #tpu.memory_space<vmem>> -> memref<1x8x1024xf32, #tpu.memory_space<vmem>>
      %dma_wait3A_449 = tpu.memref_squeeze %dma_wait3A_448 : memref<1x8x1024xf32, #tpu.memory_space<vmem>> -> memref<8x1024xf32, #tpu.memory_space<vmem>>
      %dma_wait3A_450 = arith.constant 0 : i32
      %dma_wait3A_451 = tpu.memref_slice %arg2[%dma_wait3A_436, %add3A_435, %dma_wait3A_450] : memref<4x4096x1024xf32, #tpu.memory_space<hbm>> -> memref<1x8x1024xf32, #tpu.memory_space<hbm>>
      %dma_wait3A_452 = tpu.memref_squeeze %dma_wait3A_451 : memref<1x8x1024xf32, #tpu.memory_space<hbm>> -> memref<8x1024xf32, #tpu.memory_space<hbm>>
      tpu.wait_dma2 semaphore(%dma_wait3A_445 : memref<!tpu.dma_semaphore, #tpu.memory_space<semaphore_mem>>) src(%dma_wait3A_452 : memref<8x1024xf32, #tpu.memory_space<hbm>>) dst(%dma_wait3A_449 : memref<8x1024xf32, #tpu.memory_space<vmem>>)
      %rem3A_453 = arith.constant 2 : i32
      %rem3A_454 = arith.remsi %scan3A_337, %rem3A_453 : i32
      %mul3A_455 = arith.constant 8 : i32
      %mul3A_456 = arith.muli %scan3A_337, %mul3A_455 : i32
      %add3A_457 = arith.addi %mul3A_2, %mul3A_456 : i32
      %dma_wait3A_458 = arith.constant 0 : i32
      %dma_wait3A_459 = arith.constant 0 : i32
      %dma_wait3A_460 = tpu.memref_slice %arg6[%rem3A_454, %dma_wait3A_458, %dma_wait3A_459] : memref<2x8x1024xf32, #tpu.memory_space<vmem>> -> memref<1x8x1024xf32, #tpu.memory_space<vmem>>
      %dma_wait3A_461 = tpu.memref_squeeze %dma_wait3A_460 : memref<1x8x1024xf32, #tpu.memory_space<vmem>> -> memref<8x1024xf32, #tpu.memory_space<vmem>>
      %dma_wait3A_462 = arith.constant 0 : i32
      %dma_wait3A_463 = tpu.memref_slice %arg3[%add3A_457, %dma_wait3A_462] : memref<8192x1024xf32, #tpu.memory_space<hbm>> -> memref<8x1024xf32, #tpu.memory_space<hbm>>
      %dma_wait3A_464 = tpu.memref_slice %arg9[%rem3A_454] : memref<2x!tpu.dma_semaphore, #tpu.memory_space<semaphore_mem>> -> memref<1x!tpu.dma_semaphore, #tpu.memory_space<semaphore_mem>>
      %dma_wait3A_465 = tpu.memref_squeeze %dma_wait3A_464 : memref<1x!tpu.dma_semaphore, #tpu.memory_space<semaphore_mem>> -> memref<!tpu.dma_semaphore, #tpu.memory_space<semaphore_mem>>
      %dma_wait3A_466 = arith.constant 0 : i32
      %dma_wait3A_467 = arith.constant 0 : i32
      %dma_wait3A_468 = tpu.memref_slice %arg6[%rem3A_454, %dma_wait3A_466, %dma_wait3A_467] : memref<2x8x1024xf32, #tpu.memory_space<vmem>> -> memref<1x8x1024xf32, #tpu.memory_space<vmem>>
      %dma_wait3A_469 = tpu.memref_squeeze %dma_wait3A_468 : memref<1x8x1024xf32, #tpu.memory_space<vmem>> -> memref<8x1024xf32, #tpu.memory_space<vmem>>
      %dma_wait3A_470 = arith.constant 0 : i32
      %dma_wait3A_471 = tpu.memref_slice %arg3[%add3A_457, %dma_wait3A_470] : memref<8192x1024xf32, #tpu.memory_space<hbm>> -> memref<8x1024xf32, #tpu.memory_space<hbm>>
      tpu.wait_dma2 semaphore(%dma_wait3A_465 : memref<!tpu.dma_semaphore, #tpu.memory_space<semaphore_mem>>) src(%dma_wait3A_471 : memref<8x1024xf32, #tpu.memory_space<hbm>>) dst(%dma_wait3A_469 : memref<8x1024xf32, #tpu.memory_space<vmem>>)
      %scan3A_472 = arith.constant 0 : i32
      %scan3A_473 = arith.constant 0 : i32
      %scan3A_474 = arith.constant 16 : i32
      %scan3A_475 = arith.addi %scan3A_473, %scan3A_474 : i32
      %scan3A_476 = arith.constant 1 : i32
      %scan3A_477 = scf.for %scan3A_596 = %scan3A_473 to %scan3A_475 step %scan3A_476 iter_args(%scan3A_597 = %scan3A_472) -> (i32)  : i32 {
        %shift_right_arithmetic3A = arith.constant 1 : i32
        %shift_right_arithmetic3A_598 = arith.shrsi %scan3A_596, %shift_right_arithmetic3A : i32
        %and3A = arith.constant 1 : i32
        %and3A_599 = arith.andi %scan3A_596, %and3A : i32
        %shift_left3A = arith.constant 9 : i32
        %shift_left3A_600 = arith.shli %and3A_599, %shift_left3A : i32
        %multiple_of3A = tpu.assume_multiple %shift_left3A_600, 512 : i32
        %add3A_601 = arith.constant 0 : i32
        %add3A_602 = arith.addi %multiple_of3A, %add3A_601 : i32
        %get3A = arith.index_cast %rem3A_340 : i32 to index
        %get3A_603 = arith.index_cast %shift_right_arithmetic3A_598 : i32 to index
        %get3A_604 = arith.index_cast %add3A_602 : i32 to index
        %get3A_605 = tpu.vector_load %arg6[%get3A, %get3A_603, %get3A_604] {strides = array<i32>} : memref<2x8x1024xf32, #tpu.memory_space<vmem>>, vector<1x1x16xf32>,
        %get3A_606 = vector.shape_cast %get3A_605 : vector<1x1x16xf32> to vector<16xf32>
        %add3A_607 = arith.constant 16 : i32
        %add3A_608 = arith.addi %multiple_of3A, %add3A_607 : i32
        %get3A_609 = arith.index_cast %rem3A_340 : i32 to index
        %get3A_610 = arith.index_cast %shift_right_arithmetic3A_598 : i32 to index
        %get3A_611 = arith.index_cast %add3A_608 : i32 to index
        %get3A_612 = tpu.vector_load %arg6[%get3A_609, %get3A_610, %get3A_611] {strides = array<i32>} : memref<2x8x1024xf32, #tpu.memory_space<vmem>>, vector<1x1x16xf32>,
        %get3A_613 = vector.shape_cast %get3A_612 : vector<1x1x16xf32> to vector<16xf32>
        %add3A_614 = arith.constant 32 : i32
        %add3A_615 = arith.addi %multiple_of3A, %add3A_614 : i32
        %get3A_616 = arith.index_cast %rem3A_340 : i32 to index
        %get3A_617 = arith.index_cast %shift_right_arithmetic3A_598 : i32 to index
        %get3A_618 = arith.index_cast %add3A_615 : i32 to index
        %get3A_619 = tpu.vector_load %arg6[%get3A_616, %get3A_617, %get3A_618] {strides = array<i32>} : memref<2x8x1024xf32, #tpu.memory_space<vmem>>, vector<1x1x16xf32>,
        %get3A_620 = vector.shape_cast %get3A_619 : vector<1x1x16xf32> to vector<16xf32>
        %add3A_621 = arith.constant 48 : i32
        %add3A_622 = arith.addi %multiple_of3A, %add3A_621 : i32
        %get3A_623 = arith.index_cast %rem3A_340 : i32 to index
        %get3A_624 = arith.index_cast %shift_right_arithmetic3A_598 : i32 to index
        %get3A_625 = arith.index_cast %add3A_622 : i32 to index
        %get3A_626 = tpu.vector_load %arg6[%get3A_623, %get3A_624, %get3A_625] {strides = array<i32>} : memref<2x8x1024xf32, #tpu.memory_space<vmem>>, vector<1x1x16xf32>,
        %get3A_627 = vector.shape_cast %get3A_626 : vector<1x1x16xf32> to vector<16xf32>
        %add3A_628 = arith.constant 64 : i32
        %add3A_629 = arith.addi %multiple_of3A, %add3A_628 : i32
        %get3A_630 = arith.index_cast %rem3A_340 : i32 to index
        %get3A_631 = arith.index_cast %shift_right_arithmetic3A_598 : i32 to index
        %get3A_632 = arith.index_cast %add3A_629 : i32 to index
        %get3A_633 = tpu.vector_load %arg6[%get3A_630, %get3A_631, %get3A_632] {strides = array<i32>} : memref<2x8x1024xf32, #tpu.memory_space<vmem>>, vector<1x1x16xf32>,
        %get3A_634 = vector.shape_cast %get3A_633 : vector<1x1x16xf32> to vector<16xf32>
        %add3A_635 = arith.constant 80 : i32
        %add3A_636 = arith.addi %multiple_of3A, %add3A_635 : i32
        %get3A_637 = arith.index_cast %rem3A_340 : i32 to index
        %get3A_638 = arith.index_cast %shift_right_arithmetic3A_598 : i32 to index
        %get3A_639 = arith.index_cast %add3A_636 : i32 to index
        %get3A_640 = tpu.vector_load %arg6[%get3A_637, %get3A_638, %get3A_639] {strides = array<i32>} : memref<2x8x1024xf32, #tpu.memory_space<vmem>>, vector<1x1x16xf32>,
        %get3A_641 = vector.shape_cast %get3A_640 : vector<1x1x16xf32> to vector<16xf32>
        %add3A_642 = arith.constant 96 : i32
        %add3A_643 = arith.addi %multiple_of3A, %add3A_642 : i32
        %get3A_644 = arith.index_cast %rem3A_340 : i32 to index
        %get3A_645 = arith.index_cast %shift_right_arithmetic3A_598 : i32 to index
        %get3A_646 = arith.index_cast %add3A_643 : i32 to index
        %get3A_647 = tpu.vector_load %arg6[%get3A_644, %get3A_645, %get3A_646] {strides = array<i32>} : memref<2x8x1024xf32, #tpu.memory_space<vmem>>, vector<1x1x16xf32>,
        %get3A_648 = vector.shape_cast %get3A_647 : vector<1x1x16xf32> to vector<16xf32>
        %add3A_649 = arith.constant 112 : i32
        %add3A_650 = arith.addi %multiple_of3A, %add3A_649 : i32
        %get3A_651 = arith.index_cast %rem3A_340 : i32 to index
        %get3A_652 = arith.index_cast %shift_right_arithmetic3A_598 : i32 to index
        %get3A_653 = arith.index_cast %add3A_650 : i32 to index
        %get3A_654 = tpu.vector_load %arg6[%get3A_651, %get3A_652, %get3A_653] {strides = array<i32>} : memref<2x8x1024xf32, #tpu.memory_space<vmem>>, vector<1x1x16xf32>,
        %get3A_655 = vector.shape_cast %get3A_654 : vector<1x1x16xf32> to vector<16xf32>
        %add3A_656 = arith.constant 128 : i32
        %add3A_657 = arith.addi %multiple_of3A, %add3A_656 : i32
        %get3A_658 = arith.index_cast %rem3A_340 : i32 to index
        %get3A_659 = arith.index_cast %shift_right_arithmetic3A_598 : i32 to index
        %get3A_660 = arith.index_cast %add3A_657 : i32 to index
        %get3A_661 = tpu.vector_load %arg6[%get3A_658, %get3A_659, %get3A_660] {strides = array<i32>} : memref<2x8x1024xf32, #tpu.memory_space<vmem>>, vector<1x1x16xf32>,
        %get3A_662 = vector.shape_cast %get3A_661 : vector<1x1x16xf32> to vector<16xf32>
        %add3A_663 = arith.constant 144 : i32
        %add3A_664 = arith.addi %multiple_of3A, %add3A_663 : i32
        %get3A_665 = arith.index_cast %rem3A_340 : i32 to index
        %get3A_666 = arith.index_cast %shift_right_arithmetic3A_598 : i32 to index
        %get3A_667 = arith.index_cast %add3A_664 : i32 to index
        %get3A_668 = tpu.vector_load %arg6[%get3A_665, %get3A_666, %get3A_667] {strides = array<i32>} : memref<2x8x1024xf32, #tpu.memory_space<vmem>>, vector<1x1x16xf32>,
        %get3A_669 = vector.shape_cast %get3A_668 : vector<1x1x16xf32> to vector<16xf32>
        %add3A_670 = arith.constant 160 : i32
        %add3A_671 = arith.addi %multiple_of3A, %add3A_670 : i32
        %get3A_672 = arith.index_cast %rem3A_340 : i32 to index
        %get3A_673 = arith.index_cast %shift_right_arithmetic3A_598 : i32 to index
        %get3A_674 = arith.index_cast %add3A_671 : i32 to index
        %get3A_675 = tpu.vector_load %arg6[%get3A_672, %get3A_673, %get3A_674] {strides = array<i32>} : memref<2x8x1024xf32, #tpu.memory_space<vmem>>, vector<1x1x16xf32>,
        %get3A_676 = vector.shape_cast %get3A_675 : vector<1x1x16xf32> to vector<16xf32>
        %add3A_677 = arith.constant 176 : i32
        %add3A_678 = arith.addi %multiple_of3A, %add3A_677 : i32
        %get3A_679 = arith.index_cast %rem3A_340 : i32 to index
        %get3A_680 = arith.index_cast %shift_right_arithmetic3A_598 : i32 to index
        %get3A_681 = arith.index_cast %add3A_678 : i32 to index
        %get3A_682 = tpu.vector_load %arg6[%get3A_679, %get3A_680, %get3A_681] {strides = array<i32>} : memref<2x8x1024xf32, #tpu.memory_space<vmem>>, vector<1x1x16xf32>,
        %get3A_683 = vector.shape_cast %get3A_682 : vector<1x1x16xf32> to vector<16xf32>
        %add3A_684 = arith.constant 192 : i32
        %add3A_685 = arith.addi %multiple_of3A, %add3A_684 : i32
        %get3A_686 = arith.index_cast %rem3A_340 : i32 to index
        %get3A_687 = arith.index_cast %shift_right_arithmetic3A_598 : i32 to index
        %get3A_688 = arith.index_cast %add3A_685 : i32 to index
        %get3A_689 = tpu.vector_load %arg6[%get3A_686, %get3A_687, %get3A_688] {strides = array<i32>} : memref<2x8x1024xf32, #tpu.memory_space<vmem>>, vector<1x1x16xf32>,
        %get3A_690 = vector.shape_cast %get3A_689 : vector<1x1x16xf32> to vector<16xf32>
        %add3A_691 = arith.constant 208 : i32
        %add3A_692 = arith.addi %multiple_of3A, %add3A_691 : i32
        %get3A_693 = arith.index_cast %rem3A_340 : i32 to index
        %get3A_694 = arith.index_cast %shift_right_arithmetic3A_598 : i32 to index
        %get3A_695 = arith.index_cast %add3A_692 : i32 to index
        %get3A_696 = tpu.vector_load %arg6[%get3A_693, %get3A_694, %get3A_695] {strides = array<i32>} : memref<2x8x1024xf32, #tpu.memory_space<vmem>>, vector<1x1x16xf32>,
        %get3A_697 = vector.shape_cast %get3A_696 : vector<1x1x16xf32> to vector<16xf32>
        %add3A_698 = arith.constant 224 : i32
        %add3A_699 = arith.addi %multiple_of3A, %add3A_698 : i32
        %get3A_700 = arith.index_cast %rem3A_340 : i32 to index
        %get3A_701 = arith.index_cast %shift_right_arithmetic3A_598 : i32 to index
        %get3A_702 = arith.index_cast %add3A_699 : i32 to index
        %get3A_703 = tpu.vector_load %arg6[%get3A_700, %get3A_701, %get3A_702] {strides = array<i32>} : memref<2x8x1024xf32, #tpu.memory_space<vmem>>, vector<1x1x16xf32>,
        %get3A_704 = vector.shape_cast %get3A_703 : vector<1x1x16xf32> to vector<16xf32>
        %add3A_705 = arith.constant 240 : i32
        %add3A_706 = arith.addi %multiple_of3A, %add3A_705 : i32
        %get3A_707 = arith.index_cast %rem3A_340 : i32 to index
        %get3A_708 = arith.index_cast %shift_right_arithmetic3A_598 : i32 to index
        %get3A_709 = arith.index_cast %add3A_706 : i32 to index
        %get3A_710 = tpu.vector_load %arg6[%get3A_707, %get3A_708, %get3A_709] {strides = array<i32>} : memref<2x8x1024xf32, #tpu.memory_space<vmem>>, vector<1x1x16xf32>,
        %get3A_711 = vector.shape_cast %get3A_710 : vector<1x1x16xf32> to vector<16xf32>
        %add3A_712 = arith.constant 256 : i32
        %add3A_713 = arith.addi %multiple_of3A, %add3A_712 : i32
        %get3A_714 = arith.index_cast %rem3A_340 : i32 to index
        %get3A_715 = arith.index_cast %shift_right_arithmetic3A_598 : i32 to index
        %get3A_716 = arith.index_cast %add3A_713 : i32 to index
        %get3A_717 = tpu.vector_load %arg6[%get3A_714, %get3A_715, %get3A_716] {strides = array<i32>} : memref<2x8x1024xf32, #tpu.memory_space<vmem>>, vector<1x1x16xf32>,
        %get3A_718 = vector.shape_cast %get3A_717 : vector<1x1x16xf32> to vector<16xf32>
        %add3A_719 = arith.constant 272 : i32
        %add3A_720 = arith.addi %multiple_of3A, %add3A_719 : i32
        %get3A_721 = arith.index_cast %rem3A_340 : i32 to index
        %get3A_722 = arith.index_cast %shift_right_arithmetic3A_598 : i32 to index
        %get3A_723 = arith.index_cast %add3A_720 : i32 to index
        %get3A_724 = tpu.vector_load %arg6[%get3A_721, %get3A_722, %get3A_723] {strides = array<i32>} : memref<2x8x1024xf32, #tpu.memory_space<vmem>>, vector<1x1x16xf32>,
        %get3A_725 = vector.shape_cast %get3A_724 : vector<1x1x16xf32> to vector<16xf32>
        %add3A_726 = arith.constant 288 : i32
        %add3A_727 = arith.addi %multiple_of3A, %add3A_726 : i32
        %get3A_728 = arith.index_cast %rem3A_340 : i32 to index
        %get3A_729 = arith.index_cast %shift_right_arithmetic3A_598 : i32 to index
        %get3A_730 = arith.index_cast %add3A_727 : i32 to index
        %get3A_731 = tpu.vector_load %arg6[%get3A_728, %get3A_729, %get3A_730] {strides = array<i32>} : memref<2x8x1024xf32, #tpu.memory_space<vmem>>, vector<1x1x16xf32>,
        %get3A_732 = vector.shape_cast %get3A_731 : vector<1x1x16xf32> to vector<16xf32>
        %add3A_733 = arith.constant 304 : i32
        %add3A_734 = arith.addi %multiple_of3A, %add3A_733 : i32
        %get3A_735 = arith.index_cast %rem3A_340 : i32 to index
        %get3A_736 = arith.index_cast %shift_right_arithmetic3A_598 : i32 to index
        %get3A_737 = arith.index_cast %add3A_734 : i32 to index
        %get3A_738 = tpu.vector_load %arg6[%get3A_735, %get3A_736, %get3A_737] {strides = array<i32>} : memref<2x8x1024xf32, #tpu.memory_space<vmem>>, vector<1x1x16xf32>,
        %get3A_739 = vector.shape_cast %get3A_738 : vector<1x1x16xf32> to vector<16xf32>
        %add3A_740 = arith.constant 320 : i32
        %add3A_741 = arith.addi %multiple_of3A, %add3A_740 : i32
        %get3A_742 = arith.index_cast %rem3A_340 : i32 to index
        %get3A_743 = arith.index_cast %shift_right_arithmetic3A_598 : i32 to index
        %get3A_744 = arith.index_cast %add3A_741 : i32 to index
        %get3A_745 = tpu.vector_load %arg6[%get3A_742, %get3A_743, %get3A_744] {strides = array<i32>} : memref<2x8x1024xf32, #tpu.memory_space<vmem>>, vector<1x1x16xf32>,
        %get3A_746 = vector.shape_cast %get3A_745 : vector<1x1x16xf32> to vector<16xf32>
        %add3A_747 = arith.constant 336 : i32
        %add3A_748 = arith.addi %multiple_of3A, %add3A_747 : i32
        %get3A_749 = arith.index_cast %rem3A_340 : i32 to index
        %get3A_750 = arith.index_cast %shift_right_arithmetic3A_598 : i32 to index
        %get3A_751 = arith.index_cast %add3A_748 : i32 to index
        %get3A_752 = tpu.vector_load %arg6[%get3A_749, %get3A_750, %get3A_751] {strides = array<i32>} : memref<2x8x1024xf32, #tpu.memory_space<vmem>>, vector<1x1x16xf32>,
        %get3A_753 = vector.shape_cast %get3A_752 : vector<1x1x16xf32> to vector<16xf32>
        %add3A_754 = arith.constant 352 : i32
        %add3A_755 = arith.addi %multiple_of3A, %add3A_754 : i32
        %get3A_756 = arith.index_cast %rem3A_340 : i32 to index
        %get3A_757 = arith.index_cast %shift_right_arithmetic3A_598 : i32 to index
        %get3A_758 = arith.index_cast %add3A_755 : i32 to index
        %get3A_759 = tpu.vector_load %arg6[%get3A_756, %get3A_757, %get3A_758] {strides = array<i32>} : memref<2x8x1024xf32, #tpu.memory_space<vmem>>, vector<1x1x16xf32>,
        %get3A_760 = vector.shape_cast %get3A_759 : vector<1x1x16xf32> to vector<16xf32>
        %add3A_761 = arith.constant 368 : i32
        %add3A_762 = arith.addi %multiple_of3A, %add3A_761 : i32
        %get3A_763 = arith.index_cast %rem3A_340 : i32 to index
        %get3A_764 = arith.index_cast %shift_right_arithmetic3A_598 : i32 to index
        %get3A_765 = arith.index_cast %add3A_762 : i32 to index
        %get3A_766 = tpu.vector_load %arg6[%get3A_763, %get3A_764, %get3A_765] {strides = array<i32>} : memref<2x8x1024xf32, #tpu.memory_space<vmem>>, vector<1x1x16xf32>,
        %get3A_767 = vector.shape_cast %get3A_766 : vector<1x1x16xf32> to vector<16xf32>
        %add3A_768 = arith.constant 384 : i32
        %add3A_769 = arith.addi %multiple_of3A, %add3A_768 : i32
        %get3A_770 = arith.index_cast %rem3A_340 : i32 to index
        %get3A_771 = arith.index_cast %shift_right_arithmetic3A_598 : i32 to index
        %get3A_772 = arith.index_cast %add3A_769 : i32 to index
        %get3A_773 = tpu.vector_load %arg6[%get3A_770, %get3A_771, %get3A_772] {strides = array<i32>} : memref<2x8x1024xf32, #tpu.memory_space<vmem>>, vector<1x1x16xf32>,
        %get3A_774 = vector.shape_cast %get3A_773 : vector<1x1x16xf32> to vector<16xf32>
        %add3A_775 = arith.constant 400 : i32
        %add3A_776 = arith.addi %multiple_of3A, %add3A_775 : i32
        %get3A_777 = arith.index_cast %rem3A_340 : i32 to index
        %get3A_778 = arith.index_cast %shift_right_arithmetic3A_598 : i32 to index
        %get3A_779 = arith.index_cast %add3A_776 : i32 to index
        %get3A_780 = tpu.vector_load %arg6[%get3A_777, %get3A_778, %get3A_779] {strides = array<i32>} : memref<2x8x1024xf32, #tpu.memory_space<vmem>>, vector<1x1x16xf32>,
        %get3A_781 = vector.shape_cast %get3A_780 : vector<1x1x16xf32> to vector<16xf32>
        %add3A_782 = arith.constant 416 : i32
        %add3A_783 = arith.addi %multiple_of3A, %add3A_782 : i32
        %get3A_784 = arith.index_cast %rem3A_340 : i32 to index
        %get3A_785 = arith.index_cast %shift_right_arithmetic3A_598 : i32 to index
        %get3A_786 = arith.index_cast %add3A_783 : i32 to index
        %get3A_787 = tpu.vector_load %arg6[%get3A_784, %get3A_785, %get3A_786] {strides = array<i32>} : memref<2x8x1024xf32, #tpu.memory_space<vmem>>, vector<1x1x16xf32>,
        %get3A_788 = vector.shape_cast %get3A_787 : vector<1x1x16xf32> to vector<16xf32>
        %add3A_789 = arith.constant 432 : i32
        %add3A_790 = arith.addi %multiple_of3A, %add3A_789 : i32
        %get3A_791 = arith.index_cast %rem3A_340 : i32 to index
        %get3A_792 = arith.index_cast %shift_right_arithmetic3A_598 : i32 to index
        %get3A_793 = arith.index_cast %add3A_790 : i32 to index
        %get3A_794 = tpu.vector_load %arg6[%get3A_791, %get3A_792, %get3A_793] {strides = array<i32>} : memref<2x8x1024xf32, #tpu.memory_space<vmem>>, vector<1x1x16xf32>,
        %get3A_795 = vector.shape_cast %get3A_794 : vector<1x1x16xf32> to vector<16xf32>
        %add3A_796 = arith.constant 448 : i32
        %add3A_797 = arith.addi %multiple_of3A, %add3A_796 : i32
        %get3A_798 = arith.index_cast %rem3A_340 : i32 to index
        %get3A_799 = arith.index_cast %shift_right_arithmetic3A_598 : i32 to index
        %get3A_800 = arith.index_cast %add3A_797 : i32 to index
        %get3A_801 = tpu.vector_load %arg6[%get3A_798, %get3A_799, %get3A_800] {strides = array<i32>} : memref<2x8x1024xf32, #tpu.memory_space<vmem>>, vector<1x1x16xf32>,
        %get3A_802 = vector.shape_cast %get3A_801 : vector<1x1x16xf32> to vector<16xf32>
        %add3A_803 = arith.constant 464 : i32
        %add3A_804 = arith.addi %multiple_of3A, %add3A_803 : i32
        %get3A_805 = arith.index_cast %rem3A_340 : i32 to index
        %get3A_806 = arith.index_cast %shift_right_arithmetic3A_598 : i32 to index
        %get3A_807 = arith.index_cast %add3A_804 : i32 to index
        %get3A_808 = tpu.vector_load %arg6[%get3A_805, %get3A_806, %get3A_807] {strides = array<i32>} : memref<2x8x1024xf32, #tpu.memory_space<vmem>>, vector<1x1x16xf32>,
        %get3A_809 = vector.shape_cast %get3A_808 : vector<1x1x16xf32> to vector<16xf32>
        %add3A_810 = arith.constant 480 : i32
        %add3A_811 = arith.addi %multiple_of3A, %add3A_810 : i32
        %get3A_812 = arith.index_cast %rem3A_340 : i32 to index
        %get3A_813 = arith.index_cast %shift_right_arithmetic3A_598 : i32 to index
        %get3A_814 = arith.index_cast %add3A_811 : i32 to index
        %get3A_815 = tpu.vector_load %arg6[%get3A_812, %get3A_813, %get3A_814] {strides = array<i32>} : memref<2x8x1024xf32, #tpu.memory_space<vmem>>, vector<1x1x16xf32>,
        %get3A_816 = vector.shape_cast %get3A_815 : vector<1x1x16xf32> to vector<16xf32>
        %add3A_817 = arith.constant 496 : i32
        %add3A_818 = arith.addi %multiple_of3A, %add3A_817 : i32
        %get3A_819 = arith.index_cast %rem3A_340 : i32 to index
        %get3A_820 = arith.index_cast %shift_right_arithmetic3A_598 : i32 to index
        %get3A_821 = arith.index_cast %add3A_818 : i32 to index
        %get3A_822 = tpu.vector_load %arg6[%get3A_819, %get3A_820, %get3A_821] {strides = array<i32>} : memref<2x8x1024xf32, #tpu.memory_space<vmem>>, vector<1x1x16xf32>,
        %get3A_823 = vector.shape_cast %get3A_822 : vector<1x1x16xf32> to vector<16xf32>
        %add3A_824 = arith.constant 0 : i32
        %add3A_825 = arith.addi %mul3A_344, %add3A_824 : i32
        %add3A_826 = arith.constant 0 : i32
        %add3A_827 = arith.addi %multiple_of3A, %add3A_826 : i32
        %swap3A = arith.index_cast %add3A_825 : i32 to index
        %swap3A_828 = arith.index_cast %shift_right_arithmetic3A_598 : i32 to index
        %swap3A_829 = arith.index_cast %add3A_827 : i32 to index
        %swap3A_830 = tpu.vector_load %arg5[%swap3A, %swap3A_828, %swap3A_829] {strides = array<i32>} : memref<12x8x1024xf32, #tpu.memory_space<vmem>>, vector<1x1x16xf32>,
        %swap3A_831 = vector.shape_cast %swap3A_830 : vector<1x1x16xf32> to vector<16xf32>
        %swap3A_832 = vector.shape_cast %get3A_606 : vector<16xf32> to vector<1x1x16xf32>
        tpu.vector_store %arg5[%swap3A, %swap3A_828, %swap3A_829], %swap3A_832 {add = true, strides = array<i32>} : memref<12x8x1024xf32, #tpu.memory_space<vmem>>, vector<1x1x16xf32>,
        %add3A_833 = arith.constant 1 : i32
        %add3A_834 = arith.addi %mul3A_344, %add3A_833 : i32
        %add3A_835 = arith.constant 0 : i32
        %add3A_836 = arith.addi %multiple_of3A, %add3A_835 : i32
        %swap3A_837 = arith.index_cast %add3A_834 : i32 to index
        %swap3A_838 = arith.index_cast %shift_right_arithmetic3A_598 : i32 to index
        %swap3A_839 = arith.index_cast %add3A_836 : i32 to index
        %swap3A_840 = tpu.vector_load %arg5[%swap3A_837, %swap3A_838, %swap3A_839] {strides = array<i32>} : memref<12x8x1024xf32, #tpu.memory_space<vmem>>, vector<1x1x16xf32>,
        %swap3A_841 = vector.shape_cast %swap3A_840 : vector<1x1x16xf32> to vector<16xf32>
        %swap3A_842 = vector.shape_cast %get3A_606 : vector<16xf32> to vector<1x1x16xf32>
        tpu.vector_store %arg5[%swap3A_837, %swap3A_838, %swap3A_839], %swap3A_842 {add = true, strides = array<i32>} : memref<12x8x1024xf32, #tpu.memory_space<vmem>>, vector<1x1x16xf32>,
        %add3A_843 = arith.constant 2 : i32
        %add3A_844 = arith.addi %mul3A_344, %add3A_843 : i32
        %add3A_845 = arith.constant 0 : i32
        %add3A_846 = arith.addi %multiple_of3A, %add3A_845 : i32
        %swap3A_847 = arith.index_cast %add3A_844 : i32 to index
        %swap3A_848 = arith.index_cast %shift_right_arithmetic3A_598 : i32 to index
        %swap3A_849 = arith.index_cast %add3A_846 : i32 to index
        %swap3A_850 = tpu.vector_load %arg5[%swap3A_847, %swap3A_848, %swap3A_849] {strides = array<i32>} : memref<12x8x1024xf32, #tpu.memory_space<vmem>>, vector<1x1x16xf32>,
        %swap3A_851 = vector.shape_cast %swap3A_850 : vector<1x1x16xf32> to vector<16xf32>
        %swap3A_852 = vector.shape_cast %get3A_606 : vector<16xf32> to vector<1x1x16xf32>
        tpu.vector_store %arg5[%swap3A_847, %swap3A_848, %swap3A_849], %swap3A_852 {add = true, strides = array<i32>} : memref<12x8x1024xf32, #tpu.memory_space<vmem>>, vector<1x1x16xf32>,
        %add3A_853 = arith.constant 3 : i32
        %add3A_854 = arith.addi %mul3A_344, %add3A_853 : i32
        %add3A_855 = arith.constant 0 : i32
        %add3A_856 = arith.addi %multiple_of3A, %add3A_855 : i32
        %swap3A_857 = arith.index_cast %add3A_854 : i32 to index
        %swap3A_858 = arith.index_cast %shift_right_arithmetic3A_598 : i32 to index
        %swap3A_859 = arith.index_cast %add3A_856 : i32 to index
        %swap3A_860 = tpu.vector_load %arg5[%swap3A_857, %swap3A_858, %swap3A_859] {strides = array<i32>} : memref<12x8x1024xf32, #tpu.memory_space<vmem>>, vector<1x1x16xf32>,
        %swap3A_861 = vector.shape_cast %swap3A_860 : vector<1x1x16xf32> to vector<16xf32>
        %swap3A_862 = vector.shape_cast %get3A_606 : vector<16xf32> to vector<1x1x16xf32>
        tpu.vector_store %arg5[%swap3A_857, %swap3A_858, %swap3A_859], %swap3A_862 {add = true, strides = array<i32>} : memref<12x8x1024xf32, #tpu.memory_space<vmem>>, vector<1x1x16xf32>,
        %add3A_863 = arith.constant 0 : i32
        %add3A_864 = arith.addi %mul3A_344, %add3A_863 : i32
        %add3A_865 = arith.constant 16 : i32
        %add3A_866 = arith.addi %multiple_of3A, %add3A_865 : i32
        %swap3A_867 = arith.index_cast %add3A_864 : i32 to index
        %swap3A_868 = arith.index_cast %shift_right_arithmetic3A_598 : i32 to index
        %swap3A_869 = arith.index_cast %add3A_866 : i32 to index
        %swap3A_870 = tpu.vector_load %arg5[%swap3A_867, %swap3A_868, %swap3A_869] {strides = array<i32>} : memref<12x8x1024xf32, #tpu.memory_space<vmem>>, vector<1x1x16xf32>,
        %swap3A_871 = vector.shape_cast %swap3A_870 : vector<1x1x16xf32> to vector<16xf32>
        %swap3A_872 = vector.shape_cast %get3A_613 : vector<16xf32> to vector<1x1x16xf32>
        tpu.vector_store %arg5[%swap3A_867, %swap3A_868, %swap3A_869], %swap3A_872 {add = true, strides = array<i32>} : memref<12x8x1024xf32, #tpu.memory_space<vmem>>, vector<1x1x16xf32>,
        %add3A_873 = arith.constant 1 : i32
        %add3A_874 = arith.addi %mul3A_344, %add3A_873 : i32
        %add3A_875 = arith.constant 16 : i32
        %add3A_876 = arith.addi %multiple_of3A, %add3A_875 : i32
        %swap3A_877 = arith.index_cast %add3A_874 : i32 to index
        %swap3A_878 = arith.index_cast %shift_right_arithmetic3A_598 : i32 to index
        %swap3A_879 = arith.index_cast %add3A_876 : i32 to index
        %swap3A_880 = tpu.vector_load %arg5[%swap3A_877, %swap3A_878, %swap3A_879] {strides = array<i32>} : memref<12x8x1024xf32, #tpu.memory_space<vmem>>, vector<1x1x16xf32>,
        %swap3A_881 = vector.shape_cast %swap3A_880 : vector<1x1x16xf32> to vector<16xf32>
        %swap3A_882 = vector.shape_cast %get3A_613 : vector<16xf32> to vector<1x1x16xf32>
        tpu.vector_store %arg5[%swap3A_877, %swap3A_878, %swap3A_879], %swap3A_882 {add = true, strides = array<i32>} : memref<12x8x1024xf32, #tpu.memory_space<vmem>>, vector<1x1x16xf32>,
        %add3A_883 = arith.constant 2 : i32
        %add3A_884 = arith.addi %mul3A_344, %add3A_883 : i32
        %add3A_885 = arith.constant 16 : i32
        %add3A_886 = arith.addi %multiple_of3A, %add3A_885 : i32
        %swap3A_887 = arith.index_cast %add3A_884 : i32 to index
        %swap3A_888 = arith.index_cast %shift_right_arithmetic3A_598 : i32 to index
        %swap3A_889 = arith.index_cast %add3A_886 : i32 to index
        %swap3A_890 = tpu.vector_load %arg5[%swap3A_887, %swap3A_888, %swap3A_889] {strides = array<i32>} : memref<12x8x1024xf32, #tpu.memory_space<vmem>>, vector<1x1x16xf32>,
        %swap3A_891 = vector.shape_cast %swap3A_890 : vector<1x1x16xf32> to vector<16xf32>
        %swap3A_892 = vector.shape_cast %get3A_613 : vector<16xf32> to vector<1x1x16xf32>
        tpu.vector_store %arg5[%swap3A_887, %swap3A_888, %swap3A_889], %swap3A_892 {add = true, strides = array<i32>} : memref<12x8x1024xf32, #tpu.memory_space<vmem>>, vector<1x1x16xf32>,
        %add3A_893 = arith.constant 3 : i32
        %add3A_894 = arith.addi %mul3A_344, %add3A_893 : i32
        %add3A_895 = arith.constant 16 : i32
        %add3A_896 = arith.addi %multiple_of3A, %add3A_895 : i32
        %swap3A_897 = arith.index_cast %add3A_894 : i32 to index
        %swap3A_898 = arith.index_cast %shift_right_arithmetic3A_598 : i32 to index
        %swap3A_899 = arith.index_cast %add3A_896 : i32 to index
        %swap3A_900 = tpu.vector_load %arg5[%swap3A_897, %swap3A_898, %swap3A_899] {strides = array<i32>} : memref<12x8x1024xf32, #tpu.memory_space<vmem>>, vector<1x1x16xf32>,
        %swap3A_901 = vector.shape_cast %swap3A_900 : vector<1x1x16xf32> to vector<16xf32>
        %swap3A_902 = vector.shape_cast %get3A_613 : vector<16xf32> to vector<1x1x16xf32>
        tpu.vector_store %arg5[%swap3A_897, %swap3A_898, %swap3A_899], %swap3A_902 {add = true, strides = array<i32>} : memref<12x8x1024xf32, #tpu.memory_space<vmem>>, vector<1x1x16xf32>,
        %add3A_903 = arith.constant 0 : i32
        %add3A_904 = arith.addi %mul3A_344, %add3A_903 : i32
        %add3A_905 = arith.constant 32 : i32
        %add3A_906 = arith.addi %multiple_of3A, %add3A_905 : i32
        %swap3A_907 = arith.index_cast %add3A_904 : i32 to index
        %swap3A_908 = arith.index_cast %shift_right_arithmetic3A_598 : i32 to index
        %swap3A_909 = arith.index_cast %add3A_906 : i32 to index
        %swap3A_910 = tpu.vector_load %arg5[%swap3A_907, %swap3A_908, %swap3A_909] {strides = array<i32>} : memref<12x8x1024xf32, #tpu.memory_space<vmem>>, vector<1x1x16xf32>,
        %swap3A_911 = vector.shape_cast %swap3A_910 : vector<1x1x16xf32> to vector<16xf32>
        %swap3A_912 = vector.shape_cast %get3A_620 : vector<16xf32> to vector<1x1x16xf32>
        tpu.vector_store %arg5[%swap3A_907, %swap3A_908, %swap3A_909], %swap3A_912 {add = true, strides = array<i32>} : memref<12x8x1024xf32, #tpu.memory_space<vmem>>, vector<1x1x16xf32>,
        %add3A_913 = arith.constant 1 : i32
        %add3A_914 = arith.addi %mul3A_344, %add3A_913 : i32
        %add3A_915 = arith.constant 32 : i32
        %add3A_916 = arith.addi %multiple_of3A, %add3A_915 : i32
        %swap3A_917 = arith.index_cast %add3A_914 : i32 to index
        %swap3A_918 = arith.index_cast %shift_right_arithmetic3A_598 : i32 to index
        %swap3A_919 = arith.index_cast %add3A_916 : i32 to index
        %swap3A_920 = tpu.vector_load %arg5[%swap3A_917, %swap3A_918, %swap3A_919] {strides = array<i32>} : memref<12x8x1024xf32, #tpu.memory_space<vmem>>, vector<1x1x16xf32>,
        %swap3A_921 = vector.shape_cast %swap3A_920 : vector<1x1x16xf32> to vector<16xf32>
        %swap3A_922 = vector.shape_cast %get3A_620 : vector<16xf32> to vector<1x1x16xf32>
        tpu.vector_store %arg5[%swap3A_917, %swap3A_918, %swap3A_919], %swap3A_922 {add = true, strides = array<i32>} : memref<12x8x1024xf32, #tpu.memory_space<vmem>>, vector<1x1x16xf32>,
        %add3A_923 = arith.constant 2 : i32
        %add3A_924 = arith.addi %mul3A_344, %add3A_923 : i32
        %add3A_925 = arith.constant 32 : i32
        %add3A_926 = arith.addi %multiple_of3A, %add3A_925 : i32
        %swap3A_927 = arith.index_cast %add3A_924 : i32 to index
        %swap3A_928 = arith.index_cast %shift_right_arithmetic3A_598 : i32 to index
        %swap3A_929 = arith.index_cast %add3A_926 : i32 to index
        %swap3A_930 = tpu.vector_load %arg5[%swap3A_927, %swap3A_928, %swap3A_929] {strides = array<i32>} : memref<12x8x1024xf32, #tpu.memory_space<vmem>>, vector<1x1x16xf32>,
        %swap3A_931 = vector.shape_cast %swap3A_930 : vector<1x1x16xf32> to vector<16xf32>
        %swap3A_932 = vector.shape_cast %get3A_620 : vector<16xf32> to vector<1x1x16xf32>
        tpu.vector_store %arg5[%swap3A_927, %swap3A_928, %swap3A_929], %swap3A_932 {add = true, strides = array<i32>} : memref<12x8x1024xf32, #tpu.memory_space<vmem>>, vector<1x1x16xf32>,
        %add3A_933 = arith.constant 3 : i32
        %add3A_934 = arith.addi %mul3A_344, %add3A_933 : i32
        %add3A_935 = arith.constant 32 : i32
        %add3A_936 = arith.addi %multiple_of3A, %add3A_935 : i32
        %swap3A_937 = arith.index_cast %add3A_934 : i32 to index
        %swap3A_938 = arith.index_cast %shift_right_arithmetic3A_598 : i32 to index
        %swap3A_939 = arith.index_cast %add3A_936 : i32 to index
        %swap3A_940 = tpu.vector_load %arg5[%swap3A_937, %swap3A_938, %swap3A_939] {strides = array<i32>} : memref<12x8x1024xf32, #tpu.memory_space<vmem>>, vector<1x1x16xf32>,
        %swap3A_941 = vector.shape_cast %swap3A_940 : vector<1x1x16xf32> to vector<16xf32>
        %swap3A_942 = vector.shape_cast %get3A_620 : vector<16xf32> to vector<1x1x16xf32>
        tpu.vector_store %arg5[%swap3A_937, %swap3A_938, %swap3A_939], %swap3A_942 {add = true, strides = array<i32>} : memref<12x8x1024xf32, #tpu.memory_space<vmem>>, vector<1x1x16xf32>,
        %add3A_943 = arith.constant 0 : i32
        %add3A_944 = arith.addi %mul3A_344, %add3A_943 : i32
        %add3A_945 = arith.constant 48 : i32
        %add3A_946 = arith.addi %multiple_of3A, %add3A_945 : i32
        %swap3A_947 = arith.index_cast %add3A_944 : i32 to index
        %swap3A_948 = arith.index_cast %shift_right_arithmetic3A_598 : i32 to index
        %swap3A_949 = arith.index_cast %add3A_946 : i32 to index
        %swap3A_950 = tpu.vector_load %arg5[%swap3A_947, %swap3A_948, %swap3A_949] {strides = array<i32>} : memref<12x8x1024xf32, #tpu.memory_space<vmem>>, vector<1x1x16xf32>,
        %swap3A_951 = vector.shape_cast %swap3A_950 : vector<1x1x16xf32> to vector<16xf32>
        %swap3A_952 = vector.shape_cast %get3A_627 : vector<16xf32> to vector<1x1x16xf32>
        tpu.vector_store %arg5[%swap3A_947, %swap3A_948, %swap3A_949], %swap3A_952 {add = true, strides = array<i32>} : memref<12x8x1024xf32, #tpu.memory_space<vmem>>, vector<1x1x16xf32>,
        %add3A_953 = arith.constant 1 : i32
        %add3A_954 = arith.addi %mul3A_344, %add3A_953 : i32
        %add3A_955 = arith.constant 48 : i32
        %add3A_956 = arith.addi %multiple_of3A, %add3A_955 : i32
        %swap3A_957 = arith.index_cast %add3A_954 : i32 to index
        %swap3A_958 = arith.index_cast %shift_right_arithmetic3A_598 : i32 to index
        %swap3A_959 = arith.index_cast %add3A_956 : i32 to index
        %swap3A_960 = tpu.vector_load %arg5[%swap3A_957, %swap3A_958, %swap3A_959] {strides = array<i32>} : memref<12x8x1024xf32, #tpu.memory_space<vmem>>, vector<1x1x16xf32>,
        %swap3A_961 = vector.shape_cast %swap3A_960 : vector<1x1x16xf32> to vector<16xf32>
        %swap3A_962 = vector.shape_cast %get3A_627 : vector<16xf32> to vector<1x1x16xf32>
        tpu.vector_store %arg5[%swap3A_957, %swap3A_958, %swap3A_959], %swap3A_962 {add = true, strides = array<i32>} : memref<12x8x1024xf32, #tpu.memory_space<vmem>>, vector<1x1x16xf32>,
        %add3A_963 = arith.constant 2 : i32
        %add3A_964 = arith.addi %mul3A_344, %add3A_963 : i32
        %add3A_965 = arith.constant 48 : i32
        %add3A_966 = arith.addi %multiple_of3A, %add3A_965 : i32
        %swap3A_967 = arith.index_cast %add3A_964 : i32 to index
        %swap3A_968 = arith.index_cast %shift_right_arithmetic3A_598 : i32 to index
        %swap3A_969 = arith.index_cast %add3A_966 : i32 to index
        %swap3A_970 = tpu.vector_load %arg5[%swap3A_967, %swap3A_968, %swap3A_969] {strides = array<i32>} : memref<12x8x1024xf32, #tpu.memory_space<vmem>>, vector<1x1x16xf32>,
        %swap3A_971 = vector.shape_cast %swap3A_970 : vector<1x1x16xf32> to vector<16xf32>
        %swap3A_972 = vector.shape_cast %get3A_627 : vector<16xf32> to vector<1x1x16xf32>
        tpu.vector_store %arg5[%swap3A_967, %swap3A_968, %swap3A_969], %swap3A_972 {add = true, strides = array<i32>} : memref<12x8x1024xf32, #tpu.memory_space<vmem>>, vector<1x1x16xf32>,
        %add3A_973 = arith.constant 3 : i32
        %add3A_974 = arith.addi %mul3A_344, %add3A_973 : i32
        %add3A_975 = arith.constant 48 : i32
        %add3A_976 = arith.addi %multiple_of3A, %add3A_975 : i32
        %swap3A_977 = arith.index_cast %add3A_974 : i32 to index
        %swap3A_978 = arith.index_cast %shift_right_arithmetic3A_598 : i32 to index
        %swap3A_979 = arith.index_cast %add3A_976 : i32 to index
        %swap3A_980 = tpu.vector_load %arg5[%swap3A_977, %swap3A_978, %swap3A_979] {strides = array<i32>} : memref<12x8x1024xf32, #tpu.memory_space<vmem>>, vector<1x1x16xf32>,
        %swap3A_981 = vector.shape_cast %swap3A_980 : vector<1x1x16xf32> to vector<16xf32>
        %swap3A_982 = vector.shape_cast %get3A_627 : vector<16xf32> to vector<1x1x16xf32>
        tpu.vector_store %arg5[%swap3A_977, %swap3A_978, %swap3A_979], %swap3A_982 {add = true, strides = array<i32>} : memref<12x8x1024xf32, #tpu.memory_space<vmem>>, vector<1x1x16xf32>,
        %add3A_983 = arith.constant 0 : i32
        %add3A_984 = arith.addi %mul3A_344, %add3A_983 : i32
        %add3A_985 = arith.constant 64 : i32
        %add3A_986 = arith.addi %multiple_of3A, %add3A_985 : i32
        %swap3A_987 = arith.index_cast %add3A_984 : i32 to index
        %swap3A_988 = arith.index_cast %shift_right_arithmetic3A_598 : i32 to index
        %swap3A_989 = arith.index_cast %add3A_986 : i32 to index
        %swap3A_990 = tpu.vector_load %arg5[%swap3A_987, %swap3A_988, %swap3A_989] {strides = array<i32>} : memref<12x8x1024xf32, #tpu.memory_space<vmem>>, vector<1x1x16xf32>,
        %swap3A_991 = vector.shape_cast %swap3A_990 : vector<1x1x16xf32> to vector<16xf32>
        %swap3A_992 = vector.shape_cast %get3A_634 : vector<16xf32> to vector<1x1x16xf32>
        tpu.vector_store %arg5[%swap3A_987, %swap3A_988, %swap3A_989], %swap3A_992 {add = true, strides = array<i32>} : memref<12x8x1024xf32, #tpu.memory_space<vmem>>, vector<1x1x16xf32>,
        %add3A_993 = arith.constant 1 : i32
        %add3A_994 = arith.addi %mul3A_344, %add3A_993 : i32
        %add3A_995 = arith.constant 64 : i32
        %add3A_996 = arith.addi %multiple_of3A, %add3A_995 : i32
        %swap3A_997 = arith.index_cast %add3A_994 : i32 to index
        %swap3A_998 = arith.index_cast %shift_right_arithmetic3A_598 : i32 to index
        %swap3A_999 = arith.index_cast %add3A_996 : i32 to index
        %swap3A_1000 = tpu.vector_load %arg5[%swap3A_997, %swap3A_998, %swap3A_999] {strides = array<i32>} : memref<12x8x1024xf32, #tpu.memory_space<vmem>>, vector<1x1x16xf32>,
        %swap3A_1001 = vector.shape_cast %swap3A_1000 : vector<1x1x16xf32> to vector<16xf32>
        %swap3A_1002 = vector.shape_cast %get3A_634 : vector<16xf32> to vector<1x1x16xf32>
        tpu.vector_store %arg5[%swap3A_997, %swap3A_998, %swap3A_999], %swap3A_1002 {add = true, strides = array<i32>} : memref<12x8x1024xf32, #tpu.memory_space<vmem>>, vector<1x1x16xf32>,
        %add3A_1003 = arith.constant 2 : i32
        %add3A_1004 = arith.addi %mul3A_344, %add3A_1003 : i32
        %add3A_1005 = arith.constant 64 : i32
        %add3A_1006 = arith.addi %multiple_of3A, %add3A_1005 : i32
        %swap3A_1007 = arith.index_cast %add3A_1004 : i32 to index
        %swap3A_1008 = arith.index_cast %shift_right_arithmetic3A_598 : i32 to index
        %swap3A_1009 = arith.index_cast %add3A_1006 : i32 to index
        %swap3A_1010 = tpu.vector_load %arg5[%swap3A_1007, %swap3A_1008, %swap3A_1009] {strides = array<i32>} : memref<12x8x1024xf32, #tpu.memory_space<vmem>>, vector<1x1x16xf32>,
        %swap3A_1011 = vector.shape_cast %swap3A_1010 : vector<1x1x16xf32> to vector<16xf32>
        %swap3A_1012 = vector.shape_cast %get3A_634 : vector<16xf32> to vector<1x1x16xf32>
        tpu.vector_store %arg5[%swap3A_1007, %swap3A_1008, %swap3A_1009], %swap3A_1012 {add = true, strides = array<i32>} : memref<12x8x1024xf32, #tpu.memory_space<vmem>>, vector<1x1x16xf32>,
        %add3A_1013 = arith.constant 3 : i32
        %add3A_1014 = arith.addi %mul3A_344, %add3A_1013 : i32
        %add3A_1015 = arith.constant 64 : i32
        %add3A_1016 = arith.addi %multiple_of3A, %add3A_1015 : i32
        %swap3A_1017 = arith.index_cast %add3A_1014 : i32 to index
        %swap3A_1018 = arith.index_cast %shift_right_arithmetic3A_598 : i32 to index
        %swap3A_1019 = arith.index_cast %add3A_1016 : i32 to index
        %swap3A_1020 = tpu.vector_load %arg5[%swap3A_1017, %swap3A_1018, %swap3A_1019] {strides = array<i32>} : memref<12x8x1024xf32, #tpu.memory_space<vmem>>, vector<1x1x16xf32>,
        %swap3A_1021 = vector.shape_cast %swap3A_1020 : vector<1x1x16xf32> to vector<16xf32>
        %swap3A_1022 = vector.shape_cast %get3A_634 : vector<16xf32> to vector<1x1x16xf32>
        tpu.vector_store %arg5[%swap3A_1017, %swap3A_1018, %swap3A_1019], %swap3A_1022 {add = true, strides = array<i32>} : memref<12x8x1024xf32, #tpu.memory_space<vmem>>, vector<1x1x16xf32>,
        %add3A_1023 = arith.constant 0 : i32
        %add3A_1024 = arith.addi %mul3A_344, %add3A_1023 : i32
        %add3A_1025 = arith.constant 80 : i32
        %add3A_1026 = arith.addi %multiple_of3A, %add3A_1025 : i32
        %swap3A_1027 = arith.index_cast %add3A_1024 : i32 to index
        %swap3A_1028 = arith.index_cast %shift_right_arithmetic3A_598 : i32 to index
        %swap3A_1029 = arith.index_cast %add3A_1026 : i32 to index
        %swap3A_1030 = tpu.vector_load %arg5[%swap3A_1027, %swap3A_1028, %swap3A_1029] {strides = array<i32>} : memref<12x8x1024xf32, #tpu.memory_space<vmem>>, vector<1x1x16xf32>,
        %swap3A_1031 = vector.shape_cast %swap3A_1030 : vector<1x1x16xf32> to vector<16xf32>
        %swap3A_1032 = vector.shape_cast %get3A_641 : vector<16xf32> to vector<1x1x16xf32>
        tpu.vector_store %arg5[%swap3A_1027, %swap3A_1028, %swap3A_1029], %swap3A_1032 {add = true, strides = array<i32>} : memref<12x8x1024xf32, #tpu.memory_space<vmem>>, vector<1x1x16xf32>,
        %add3A_1033 = arith.constant 1 : i32
        %add3A_1034 = arith.addi %mul3A_344, %add3A_1033 : i32
        %add3A_1035 = arith.constant 80 : i32
        %add3A_1036 = arith.addi %multiple_of3A, %add3A_1035 : i32
        %swap3A_1037 = arith.index_cast %add3A_1034 : i32 to index
        %swap3A_1038 = arith.index_cast %shift_right_arithmetic3A_598 : i32 to index
        %swap3A_1039 = arith.index_cast %add3A_1036 : i32 to index
        %swap3A_1040 = tpu.vector_load %arg5[%swap3A_1037, %swap3A_1038, %swap3A_1039] {strides = array<i32>} : memref<12x8x1024xf32, #tpu.memory_space<vmem>>, vector<1x1x16xf32>,
        %swap3A_1041 = vector.shape_cast %swap3A_1040 : vector<1x1x16xf32> to vector<16xf32>
        %swap3A_1042 = vector.shape_cast %get3A_641 : vector<16xf32> to vector<1x1x16xf32>
        tpu.vector_store %arg5[%swap3A_1037, %swap3A_1038, %swap3A_1039], %swap3A_1042 {add = true, strides = array<i32>} : memref<12x8x1024xf32, #tpu.memory_space<vmem>>, vector<1x1x16xf32>,
        %add3A_1043 = arith.constant 2 : i32
        %add3A_1044 = arith.addi %mul3A_344, %add3A_1043 : i32
        %add3A_1045 = arith.constant 80 : i32
        %add3A_1046 = arith.addi %multiple_of3A, %add3A_1045 : i32
        %swap3A_1047 = arith.index_cast %add3A_1044 : i32 to index
        %swap3A_1048 = arith.index_cast %shift_right_arithmetic3A_598 : i32 to index
        %swap3A_1049 = arith.index_cast %add3A_1046 : i32 to index
        %swap3A_1050 = tpu.vector_load %arg5[%swap3A_1047, %swap3A_1048, %swap3A_1049] {strides = array<i32>} : memref<12x8x1024xf32, #tpu.memory_space<vmem>>, vector<1x1x16xf32>,
        %swap3A_1051 = vector.shape_cast %swap3A_1050 : vector<1x1x16xf32> to vector<16xf32>
        %swap3A_1052 = vector.shape_cast %get3A_641 : vector<16xf32> to vector<1x1x16xf32>
        tpu.vector_store %arg5[%swap3A_1047, %swap3A_1048, %swap3A_1049], %swap3A_1052 {add = true, strides = array<i32>} : memref<12x8x1024xf32, #tpu.memory_space<vmem>>, vector<1x1x16xf32>,
        %add3A_1053 = arith.constant 3 : i32
        %add3A_1054 = arith.addi %mul3A_344, %add3A_1053 : i32
        %add3A_1055 = arith.constant 80 : i32
        %add3A_1056 = arith.addi %multiple_of3A, %add3A_1055 : i32
        %swap3A_1057 = arith.index_cast %add3A_1054 : i32 to index
        %swap3A_1058 = arith.index_cast %shift_right_arithmetic3A_598 : i32 to index
        %swap3A_1059 = arith.index_cast %add3A_1056 : i32 to index
        %swap3A_1060 = tpu.vector_load %arg5[%swap3A_1057, %swap3A_1058, %swap3A_1059] {strides = array<i32>} : memref<12x8x1024xf32, #tpu.memory_space<vmem>>, vector<1x1x16xf32>,
        %swap3A_1061 = vector.shape_cast %swap3A_1060 : vector<1x1x16xf32> to vector<16xf32>
        %swap3A_1062 = vector.shape_cast %get3A_641 : vector<16xf32> to vector<1x1x16xf32>
        tpu.vector_store %arg5[%swap3A_1057, %swap3A_1058, %swap3A_1059], %swap3A_1062 {add = true, strides = array<i32>} : memref<12x8x1024xf32, #tpu.memory_space<vmem>>, vector<1x1x16xf32>,
        %add3A_1063 = arith.constant 0 : i32
        %add3A_1064 = arith.addi %mul3A_344, %add3A_1063 : i32
        %add3A_1065 = arith.constant 96 : i32
        %add3A_1066 = arith.addi %multiple_of3A, %add3A_1065 : i32
        %swap3A_1067 = arith.index_cast %add3A_1064 : i32 to index
        %swap3A_1068 = arith.index_cast %shift_right_arithmetic3A_598 : i32 to index
        %swap3A_1069 = arith.index_cast %add3A_1066 : i32 to index
        %swap3A_1070 = tpu.vector_load %arg5[%swap3A_1067, %swap3A_1068, %swap3A_1069] {strides = array<i32>} : memref<12x8x1024xf32, #tpu.memory_space<vmem>>, vector<1x1x16xf32>,
        %swap3A_1071 = vector.shape_cast %swap3A_1070 : vector<1x1x16xf32> to vector<16xf32>
        %swap3A_1072 = vector.shape_cast %get3A_648 : vector<16xf32> to vector<1x1x16xf32>
        tpu.vector_store %arg5[%swap3A_1067, %swap3A_1068, %swap3A_1069], %swap3A_1072 {add = true, strides = array<i32>} : memref<12x8x1024xf32, #tpu.memory_space<vmem>>, vector<1x1x16xf32>,
        %add3A_1073 = arith.constant 1 : i32
        %add3A_1074 = arith.addi %mul3A_344, %add3A_1073 : i32
        %add3A_1075 = arith.constant 96 : i32
        %add3A_1076 = arith.addi %multiple_of3A, %add3A_1075 : i32
        %swap3A_1077 = arith.index_cast %add3A_1074 : i32 to index
        %swap3A_1078 = arith.index_cast %shift_right_arithmetic3A_598 : i32 to index
        %swap3A_1079 = arith.index_cast %add3A_1076 : i32 to index
        %swap3A_1080 = tpu.vector_load %arg5[%swap3A_1077, %swap3A_1078, %swap3A_1079] {strides = array<i32>} : memref<12x8x1024xf32, #tpu.memory_space<vmem>>, vector<1x1x16xf32>,
        %swap3A_1081 = vector.shape_cast %swap3A_1080 : vector<1x1x16xf32> to vector<16xf32>
        %swap3A_1082 = vector.shape_cast %get3A_648 : vector<16xf32> to vector<1x1x16xf32>
        tpu.vector_store %arg5[%swap3A_1077, %swap3A_1078, %swap3A_1079], %swap3A_1082 {add = true, strides = array<i32>} : memref<12x8x1024xf32, #tpu.memory_space<vmem>>, vector<1x1x16xf32>,
        %add3A_1083 = arith.constant 2 : i32
        %add3A_1084 = arith.addi %mul3A_344, %add3A_1083 : i32
        %add3A_1085 = arith.constant 96 : i32
        %add3A_1086 = arith.addi %multiple_of3A, %add3A_1085 : i32
        %swap3A_1087 = arith.index_cast %add3A_1084 : i32 to index
        %swap3A_1088 = arith.index_cast %shift_right_arithmetic3A_598 : i32 to index
        %swap3A_1089 = arith.index_cast %add3A_1086 : i32 to index
        %swap3A_1090 = tpu.vector_load %arg5[%swap3A_1087, %swap3A_1088, %swap3A_1089] {strides = array<i32>} : memref<12x8x1024xf32, #tpu.memory_space<vmem>>, vector<1x1x16xf32>,
        %swap3A_1091 = vector.shape_cast %swap3A_1090 : vector<1x1x16xf32> to vector<16xf32>
        %swap3A_1092 = vector.shape_cast %get3A_648 : vector<16xf32> to vector<1x1x16xf32>
        tpu.vector_store %arg5[%swap3A_1087, %swap3A_1088, %swap3A_1089], %swap3A_1092 {add = true, strides = array<i32>} : memref<12x8x1024xf32, #tpu.memory_space<vmem>>, vector<1x1x16xf32>,
        %add3A_1093 = arith.constant 3 : i32
        %add3A_1094 = arith.addi %mul3A_344, %add3A_1093 : i32
        %add3A_1095 = arith.constant 96 : i32
        %add3A_1096 = arith.addi %multiple_of3A, %add3A_1095 : i32
        %swap3A_1097 = arith.index_cast %add3A_1094 : i32 to index
        %swap3A_1098 = arith.index_cast %shift_right_arithmetic3A_598 : i32 to index
        %swap3A_1099 = arith.index_cast %add3A_1096 : i32 to index
        %swap3A_1100 = tpu.vector_load %arg5[%swap3A_1097, %swap3A_1098, %swap3A_1099] {strides = array<i32>} : memref<12x8x1024xf32, #tpu.memory_space<vmem>>, vector<1x1x16xf32>,
        %swap3A_1101 = vector.shape_cast %swap3A_1100 : vector<1x1x16xf32> to vector<16xf32>
        %swap3A_1102 = vector.shape_cast %get3A_648 : vector<16xf32> to vector<1x1x16xf32>
        tpu.vector_store %arg5[%swap3A_1097, %swap3A_1098, %swap3A_1099], %swap3A_1102 {add = true, strides = array<i32>} : memref<12x8x1024xf32, #tpu.memory_space<vmem>>, vector<1x1x16xf32>,
        %add3A_1103 = arith.constant 0 : i32
        %add3A_1104 = arith.addi %mul3A_344, %add3A_1103 : i32
        %add3A_1105 = arith.constant 112 : i32
        %add3A_1106 = arith.addi %multiple_of3A, %add3A_1105 : i32
        %swap3A_1107 = arith.index_cast %add3A_1104 : i32 to index
        %swap3A_1108 = arith.index_cast %shift_right_arithmetic3A_598 : i32 to index
        %swap3A_1109 = arith.index_cast %add3A_1106 : i32 to index
        %swap3A_1110 = tpu.vector_load %arg5[%swap3A_1107, %swap3A_1108, %swap3A_1109] {strides = array<i32>} : memref<12x8x1024xf32, #tpu.memory_space<vmem>>, vector<1x1x16xf32>,
        %swap3A_1111 = vector.shape_cast %swap3A_1110 : vector<1x1x16xf32> to vector<16xf32>
        %swap3A_1112 = vector.shape_cast %get3A_655 : vector<16xf32> to vector<1x1x16xf32>
        tpu.vector_store %arg5[%swap3A_1107, %swap3A_1108, %swap3A_1109], %swap3A_1112 {add = true, strides = array<i32>} : memref<12x8x1024xf32, #tpu.memory_space<vmem>>, vector<1x1x16xf32>,
        %add3A_1113 = arith.constant 1 : i32
        %add3A_1114 = arith.addi %mul3A_344, %add3A_1113 : i32
        %add3A_1115 = arith.constant 112 : i32
        %add3A_1116 = arith.addi %multiple_of3A, %add3A_1115 : i32
        %swap3A_1117 = arith.index_cast %add3A_1114 : i32 to index
        %swap3A_1118 = arith.index_cast %shift_right_arithmetic3A_598 : i32 to index
        %swap3A_1119 = arith.index_cast %add3A_1116 : i32 to index
        %swap3A_1120 = tpu.vector_load %arg5[%swap3A_1117, %swap3A_1118, %swap3A_1119] {strides = array<i32>} : memref<12x8x1024xf32, #tpu.memory_space<vmem>>, vector<1x1x16xf32>,
        %swap3A_1121 = vector.shape_cast %swap3A_1120 : vector<1x1x16xf32> to vector<16xf32>
        %swap3A_1122 = vector.shape_cast %get3A_655 : vector<16xf32> to vector<1x1x16xf32>
        tpu.vector_store %arg5[%swap3A_1117, %swap3A_1118, %swap3A_1119], %swap3A_1122 {add = true, strides = array<i32>} : memref<12x8x1024xf32, #tpu.memory_space<vmem>>, vector<1x1x16xf32>,
        %add3A_1123 = arith.constant 2 : i32
        %add3A_1124 = arith.addi %mul3A_344, %add3A_1123 : i32
        %add3A_1125 = arith.constant 112 : i32
        %add3A_1126 = arith.addi %multiple_of3A, %add3A_1125 : i32
        %swap3A_1127 = arith.index_cast %add3A_1124 : i32 to index
        %swap3A_1128 = arith.index_cast %shift_right_arithmetic3A_598 : i32 to index
        %swap3A_1129 = arith.index_cast %add3A_1126 : i32 to index
        %swap3A_1130 = tpu.vector_load %arg5[%swap3A_1127, %swap3A_1128, %swap3A_1129] {strides = array<i32>} : memref<12x8x1024xf32, #tpu.memory_space<vmem>>, vector<1x1x16xf32>,
        %swap3A_1131 = vector.shape_cast %swap3A_1130 : vector<1x1x16xf32> to vector<16xf32>
        %swap3A_1132 = vector.shape_cast %get3A_655 : vector<16xf32> to vector<1x1x16xf32>
        tpu.vector_store %arg5[%swap3A_1127, %swap3A_1128, %swap3A_1129], %swap3A_1132 {add = true, strides = array<i32>} : memref<12x8x1024xf32, #tpu.memory_space<vmem>>, vector<1x1x16xf32>,
        %add3A_1133 = arith.constant 3 : i32
        %add3A_1134 = arith.addi %mul3A_344, %add3A_1133 : i32
        %add3A_1135 = arith.constant 112 : i32
        %add3A_1136 = arith.addi %multiple_of3A, %add3A_1135 : i32
        %swap3A_1137 = arith.index_cast %add3A_1134 : i32 to index
        %swap3A_1138 = arith.index_cast %shift_right_arithmetic3A_598 : i32 to index
        %swap3A_1139 = arith.index_cast %add3A_1136 : i32 to index
        %swap3A_1140 = tpu.vector_load %arg5[%swap3A_1137, %swap3A_1138, %swap3A_1139] {strides = array<i32>} : memref<12x8x1024xf32, #tpu.memory_space<vmem>>, vector<1x1x16xf32>,
        %swap3A_1141 = vector.shape_cast %swap3A_1140 : vector<1x1x16xf32> to vector<16xf32>
        %swap3A_1142 = vector.shape_cast %get3A_655 : vector<16xf32> to vector<1x1x16xf32>
        tpu.vector_store %arg5[%swap3A_1137, %swap3A_1138, %swap3A_1139], %swap3A_1142 {add = true, strides = array<i32>} : memref<12x8x1024xf32, #tpu.memory_space<vmem>>, vector<1x1x16xf32>,
        %add3A_1143 = arith.constant 0 : i32
        %add3A_1144 = arith.addi %mul3A_344, %add3A_1143 : i32
        %add3A_1145 = arith.constant 128 : i32
        %add3A_1146 = arith.addi %multiple_of3A, %add3A_1145 : i32
        %swap3A_1147 = arith.index_cast %add3A_1144 : i32 to index
        %swap3A_1148 = arith.index_cast %shift_right_arithmetic3A_598 : i32 to index
        %swap3A_1149 = arith.index_cast %add3A_1146 : i32 to index
        %swap3A_1150 = tpu.vector_load %arg5[%swap3A_1147, %swap3A_1148, %swap3A_1149] {strides = array<i32>} : memref<12x8x1024xf32, #tpu.memory_space<vmem>>, vector<1x1x16xf32>,
        %swap3A_1151 = vector.shape_cast %swap3A_1150 : vector<1x1x16xf32> to vector<16xf32>
        %swap3A_1152 = vector.shape_cast %get3A_662 : vector<16xf32> to vector<1x1x16xf32>
        tpu.vector_store %arg5[%swap3A_1147, %swap3A_1148, %swap3A_1149], %swap3A_1152 {add = true, strides = array<i32>} : memref<12x8x1024xf32, #tpu.memory_space<vmem>>, vector<1x1x16xf32>,
        %add3A_1153 = arith.constant 1 : i32
        %add3A_1154 = arith.addi %mul3A_344, %add3A_1153 : i32
        %add3A_1155 = arith.constant 128 : i32
        %add3A_1156 = arith.addi %multiple_of3A, %add3A_1155 : i32
        %swap3A_1157 = arith.index_cast %add3A_1154 : i32 to index
        %swap3A_1158 = arith.index_cast %shift_right_arithmetic3A_598 : i32 to index
        %swap3A_1159 = arith.index_cast %add3A_1156 : i32 to index
        %swap3A_1160 = tpu.vector_load %arg5[%swap3A_1157, %swap3A_1158, %swap3A_1159] {strides = array<i32>} : memref<12x8x1024xf32, #tpu.memory_space<vmem>>, vector<1x1x16xf32>,
        %swap3A_1161 = vector.shape_cast %swap3A_1160 : vector<1x1x16xf32> to vector<16xf32>
        %swap3A_1162 = vector.shape_cast %get3A_662 : vector<16xf32> to vector<1x1x16xf32>
        tpu.vector_store %arg5[%swap3A_1157, %swap3A_1158, %swap3A_1159], %swap3A_1162 {add = true, strides = array<i32>} : memref<12x8x1024xf32, #tpu.memory_space<vmem>>, vector<1x1x16xf32>,
        %add3A_1163 = arith.constant 2 : i32
        %add3A_1164 = arith.addi %mul3A_344, %add3A_1163 : i32
        %add3A_1165 = arith.constant 128 : i32
        %add3A_1166 = arith.addi %multiple_of3A, %add3A_1165 : i32
        %swap3A_1167 = arith.index_cast %add3A_1164 : i32 to index
        %swap3A_1168 = arith.index_cast %shift_right_arithmetic3A_598 : i32 to index
        %swap3A_1169 = arith.index_cast %add3A_1166 : i32 to index
        %swap3A_1170 = tpu.vector_load %arg5[%swap3A_1167, %swap3A_1168, %swap3A_1169] {strides = array<i32>} : memref<12x8x1024xf32, #tpu.memory_space<vmem>>, vector<1x1x16xf32>,
        %swap3A_1171 = vector.shape_cast %swap3A_1170 : vector<1x1x16xf32> to vector<16xf32>
        %swap3A_1172 = vector.shape_cast %get3A_662 : vector<16xf32> to vector<1x1x16xf32>
        tpu.vector_store %arg5[%swap3A_1167, %swap3A_1168, %swap3A_1169], %swap3A_1172 {add = true, strides = array<i32>} : memref<12x8x1024xf32, #tpu.memory_space<vmem>>, vector<1x1x16xf32>,
        %add3A_1173 = arith.constant 3 : i32
        %add3A_1174 = arith.addi %mul3A_344, %add3A_1173 : i32
        %add3A_1175 = arith.constant 128 : i32
        %add3A_1176 = arith.addi %multiple_of3A, %add3A_1175 : i32
        %swap3A_1177 = arith.index_cast %add3A_1174 : i32 to index
        %swap3A_1178 = arith.index_cast %shift_right_arithmetic3A_598 : i32 to index
        %swap3A_1179 = arith.index_cast %add3A_1176 : i32 to index
        %swap3A_1180 = tpu.vector_load %arg5[%swap3A_1177, %swap3A_1178, %swap3A_1179] {strides = array<i32>} : memref<12x8x1024xf32, #tpu.memory_space<vmem>>, vector<1x1x16xf32>,
        %swap3A_1181 = vector.shape_cast %swap3A_1180 : vector<1x1x16xf32> to vector<16xf32>
        %swap3A_1182 = vector.shape_cast %get3A_662 : vector<16xf32> to vector<1x1x16xf32>
        tpu.vector_store %arg5[%swap3A_1177, %swap3A_1178, %swap3A_1179], %swap3A_1182 {add = true, strides = array<i32>} : memref<12x8x1024xf32, #tpu.memory_space<vmem>>, vector<1x1x16xf32>,
        %add3A_1183 = arith.constant 0 : i32
        %add3A_1184 = arith.addi %mul3A_344, %add3A_1183 : i32
        %add3A_1185 = arith.constant 144 : i32
        %add3A_1186 = arith.addi %multiple_of3A, %add3A_1185 : i32
        %swap3A_1187 = arith.index_cast %add3A_1184 : i32 to index
        %swap3A_1188 = arith.index_cast %shift_right_arithmetic3A_598 : i32 to index
        %swap3A_1189 = arith.index_cast %add3A_1186 : i32 to index
        %swap3A_1190 = tpu.vector_load %arg5[%swap3A_1187, %swap3A_1188, %swap3A_1189] {strides = array<i32>} : memref<12x8x1024xf32, #tpu.memory_space<vmem>>, vector<1x1x16xf32>,
        %swap3A_1191 = vector.shape_cast %swap3A_1190 : vector<1x1x16xf32> to vector<16xf32>
        %swap3A_1192 = vector.shape_cast %get3A_669 : vector<16xf32> to vector<1x1x16xf32>
        tpu.vector_store %arg5[%swap3A_1187, %swap3A_1188, %swap3A_1189], %swap3A_1192 {add = true, strides = array<i32>} : memref<12x8x1024xf32, #tpu.memory_space<vmem>>, vector<1x1x16xf32>,
        %add3A_1193 = arith.constant 1 : i32
        %add3A_1194 = arith.addi %mul3A_344, %add3A_1193 : i32
        %add3A_1195 = arith.constant 144 : i32
        %add3A_1196 = arith.addi %multiple_of3A, %add3A_1195 : i32
        %swap3A_1197 = arith.index_cast %add3A_1194 : i32 to index
        %swap3A_1198 = arith.index_cast %shift_right_arithmetic3A_598 : i32 to index
        %swap3A_1199 = arith.index_cast %add3A_1196 : i32 to index
        %swap3A_1200 = tpu.vector_load %arg5[%swap3A_1197, %swap3A_1198, %swap3A_1199] {strides = array<i32>} : memref<12x8x1024xf32, #tpu.memory_space<vmem>>, vector<1x1x16xf32>,
        %swap3A_1201 = vector.shape_cast %swap3A_1200 : vector<1x1x16xf32> to vector<16xf32>
        %swap3A_1202 = vector.shape_cast %get3A_669 : vector<16xf32> to vector<1x1x16xf32>
        tpu.vector_store %arg5[%swap3A_1197, %swap3A_1198, %swap3A_1199], %swap3A_1202 {add = true, strides = array<i32>} : memref<12x8x1024xf32, #tpu.memory_space<vmem>>, vector<1x1x16xf32>,
        %add3A_1203 = arith.constant 2 : i32
        %add3A_1204 = arith.addi %mul3A_344, %add3A_1203 : i32
        %add3A_1205 = arith.constant 144 : i32
        %add3A_1206 = arith.addi %multiple_of3A, %add3A_1205 : i32
        %swap3A_1207 = arith.index_cast %add3A_1204 : i32 to index
        %swap3A_1208 = arith.index_cast %shift_right_arithmetic3A_598 : i32 to index
        %swap3A_1209 = arith.index_cast %add3A_1206 : i32 to index
        %swap3A_1210 = tpu.vector_load %arg5[%swap3A_1207, %swap3A_1208, %swap3A_1209] {strides = array<i32>} : memref<12x8x1024xf32, #tpu.memory_space<vmem>>, vector<1x1x16xf32>,
        %swap3A_1211 = vector.shape_cast %swap3A_1210 : vector<1x1x16xf32> to vector<16xf32>
        %swap3A_1212 = vector.shape_cast %get3A_669 : vector<16xf32> to vector<1x1x16xf32>
        tpu.vector_store %arg5[%swap3A_1207, %swap3A_1208, %swap3A_1209], %swap3A_1212 {add = true, strides = array<i32>} : memref<12x8x1024xf32, #tpu.memory_space<vmem>>, vector<1x1x16xf32>,
        %add3A_1213 = arith.constant 3 : i32
        %add3A_1214 = arith.addi %mul3A_344, %add3A_1213 : i32
        %add3A_1215 = arith.constant 144 : i32
        %add3A_1216 = arith.addi %multiple_of3A, %add3A_1215 : i32
        %swap3A_1217 = arith.index_cast %add3A_1214 : i32 to index
        %swap3A_1218 = arith.index_cast %shift_right_arithmetic3A_598 : i32 to index
        %swap3A_1219 = arith.index_cast %add3A_1216 : i32 to index
        %swap3A_1220 = tpu.vector_load %arg5[%swap3A_1217, %swap3A_1218, %swap3A_1219] {strides = array<i32>} : memref<12x8x1024xf32, #tpu.memory_space<vmem>>, vector<1x1x16xf32>,
        %swap3A_1221 = vector.shape_cast %swap3A_1220 : vector<1x1x16xf32> to vector<16xf32>
        %swap3A_1222 = vector.shape_cast %get3A_669 : vector<16xf32> to vector<1x1x16xf32>
        tpu.vector_store %arg5[%swap3A_1217, %swap3A_1218, %swap3A_1219], %swap3A_1222 {add = true, strides = array<i32>} : memref<12x8x1024xf32, #tpu.memory_space<vmem>>, vector<1x1x16xf32>,
        %add3A_1223 = arith.constant 0 : i32
        %add3A_1224 = arith.addi %mul3A_344, %add3A_1223 : i32
        %add3A_1225 = arith.constant 160 : i32
        %add3A_1226 = arith.addi %multiple_of3A, %add3A_1225 : i32
        %swap3A_1227 = arith.index_cast %add3A_1224 : i32 to index
        %swap3A_1228 = arith.index_cast %shift_right_arithmetic3A_598 : i32 to index
        %swap3A_1229 = arith.index_cast %add3A_1226 : i32 to index
        %swap3A_1230 = tpu.vector_load %arg5[%swap3A_1227, %swap3A_1228, %swap3A_1229] {strides = array<i32>} : memref<12x8x1024xf32, #tpu.memory_space<vmem>>, vector<1x1x16xf32>,
        %swap3A_1231 = vector.shape_cast %swap3A_1230 : vector<1x1x16xf32> to vector<16xf32>
        %swap3A_1232 = vector.shape_cast %get3A_676 : vector<16xf32> to vector<1x1x16xf32>
        tpu.vector_store %arg5[%swap3A_1227, %swap3A_1228, %swap3A_1229], %swap3A_1232 {add = true, strides = array<i32>} : memref<12x8x1024xf32, #tpu.memory_space<vmem>>, vector<1x1x16xf32>,
        %add3A_1233 = arith.constant 1 : i32
        %add3A_1234 = arith.addi %mul3A_344, %add3A_1233 : i32
        %add3A_1235 = arith.constant 160 : i32
        %add3A_1236 = arith.addi %multiple_of3A, %add3A_1235 : i32
        %swap3A_1237 = arith.index_cast %add3A_1234 : i32 to index
        %swap3A_1238 = arith.index_cast %shift_right_arithmetic3A_598 : i32 to index
        %swap3A_1239 = arith.index_cast %add3A_1236 : i32 to index
        %swap3A_1240 = tpu.vector_load %arg5[%swap3A_1237, %swap3A_1238, %swap3A_1239] {strides = array<i32>} : memref<12x8x1024xf32, #tpu.memory_space<vmem>>, vector<1x1x16xf32>,
        %swap3A_1241 = vector.shape_cast %swap3A_1240 : vector<1x1x16xf32> to vector<16xf32>
        %swap3A_1242 = vector.shape_cast %get3A_676 : vector<16xf32> to vector<1x1x16xf32>
        tpu.vector_store %arg5[%swap3A_1237, %swap3A_1238, %swap3A_1239], %swap3A_1242 {add = true, strides = array<i32>} : memref<12x8x1024xf32, #tpu.memory_space<vmem>>, vector<1x1x16xf32>,
        %add3A_1243 = arith.constant 2 : i32
        %add3A_1244 = arith.addi %mul3A_344, %add3A_1243 : i32
        %add3A_1245 = arith.constant 160 : i32
        %add3A_1246 = arith.addi %multiple_of3A, %add3A_1245 : i32
        %swap3A_1247 = arith.index_cast %add3A_1244 : i32 to index
        %swap3A_1248 = arith.index_cast %shift_right_arithmetic3A_598 : i32 to index
        %swap3A_1249 = arith.index_cast %add3A_1246 : i32 to index
        %swap3A_1250 = tpu.vector_load %arg5[%swap3A_1247, %swap3A_1248, %swap3A_1249] {strides = array<i32>} : memref<12x8x1024xf32, #tpu.memory_space<vmem>>, vector<1x1x16xf32>,
        %swap3A_1251 = vector.shape_cast %swap3A_1250 : vector<1x1x16xf32> to vector<16xf32>
        %swap3A_1252 = vector.shape_cast %get3A_676 : vector<16xf32> to vector<1x1x16xf32>
        tpu.vector_store %arg5[%swap3A_1247, %swap3A_1248, %swap3A_1249], %swap3A_1252 {add = true, strides = array<i32>} : memref<12x8x1024xf32, #tpu.memory_space<vmem>>, vector<1x1x16xf32>,
        %add3A_1253 = arith.constant 3 : i32
        %add3A_1254 = arith.addi %mul3A_344, %add3A_1253 : i32
        %add3A_1255 = arith.constant 160 : i32
        %add3A_1256 = arith.addi %multiple_of3A, %add3A_1255 : i32
        %swap3A_1257 = arith.index_cast %add3A_1254 : i32 to index
        %swap3A_1258 = arith.index_cast %shift_right_arithmetic3A_598 : i32 to index
        %swap3A_1259 = arith.index_cast %add3A_1256 : i32 to index
        %swap3A_1260 = tpu.vector_load %arg5[%swap3A_1257, %swap3A_1258, %swap3A_1259] {strides = array<i32>} : memref<12x8x1024xf32, #tpu.memory_space<vmem>>, vector<1x1x16xf32>,
        %swap3A_1261 = vector.shape_cast %swap3A_1260 : vector<1x1x16xf32> to vector<16xf32>
        %swap3A_1262 = vector.shape_cast %get3A_676 : vector<16xf32> to vector<1x1x16xf32>
        tpu.vector_store %arg5[%swap3A_1257, %swap3A_1258, %swap3A_1259], %swap3A_1262 {add = true, strides = array<i32>} : memref<12x8x1024xf32, #tpu.memory_space<vmem>>, vector<1x1x16xf32>,
        %add3A_1263 = arith.constant 0 : i32
        %add3A_1264 = arith.addi %mul3A_344, %add3A_1263 : i32
        %add3A_1265 = arith.constant 176 : i32
        %add3A_1266 = arith.addi %multiple_of3A, %add3A_1265 : i32
        %swap3A_1267 = arith.index_cast %add3A_1264 : i32 to index
        %swap3A_1268 = arith.index_cast %shift_right_arithmetic3A_598 : i32 to index
        %swap3A_1269 = arith.index_cast %add3A_1266 : i32 to index
        %swap3A_1270 = tpu.vector_load %arg5[%swap3A_1267, %swap3A_1268, %swap3A_1269] {strides = array<i32>} : memref<12x8x1024xf32, #tpu.memory_space<vmem>>, vector<1x1x16xf32>,
        %swap3A_1271 = vector.shape_cast %swap3A_1270 : vector<1x1x16xf32> to vector<16xf32>
        %swap3A_1272 = vector.shape_cast %get3A_683 : vector<16xf32> to vector<1x1x16xf32>
        tpu.vector_store %arg5[%swap3A_1267, %swap3A_1268, %swap3A_1269], %swap3A_1272 {add = true, strides = array<i32>} : memref<12x8x1024xf32, #tpu.memory_space<vmem>>, vector<1x1x16xf32>,
        %add3A_1273 = arith.constant 1 : i32
        %add3A_1274 = arith.addi %mul3A_344, %add3A_1273 : i32
        %add3A_1275 = arith.constant 176 : i32
        %add3A_1276 = arith.addi %multiple_of3A, %add3A_1275 : i32
        %swap3A_1277 = arith.index_cast %add3A_1274 : i32 to index
        %swap3A_1278 = arith.index_cast %shift_right_arithmetic3A_598 : i32 to index
        %swap3A_1279 = arith.index_cast %add3A_1276 : i32 to index
        %swap3A_1280 = tpu.vector_load %arg5[%swap3A_1277, %swap3A_1278, %swap3A_1279] {strides = array<i32>} : memref<12x8x1024xf32, #tpu.memory_space<vmem>>, vector<1x1x16xf32>,
        %swap3A_1281 = vector.shape_cast %swap3A_1280 : vector<1x1x16xf32> to vector<16xf32>
        %swap3A_1282 = vector.shape_cast %get3A_683 : vector<16xf32> to vector<1x1x16xf32>
        tpu.vector_store %arg5[%swap3A_1277, %swap3A_1278, %swap3A_1279], %swap3A_1282 {add = true, strides = array<i32>} : memref<12x8x1024xf32, #tpu.memory_space<vmem>>, vector<1x1x16xf32>,
        %add3A_1283 = arith.constant 2 : i32
        %add3A_1284 = arith.addi %mul3A_344, %add3A_1283 : i32
        %add3A_1285 = arith.constant 176 : i32
        %add3A_1286 = arith.addi %multiple_of3A, %add3A_1285 : i32
        %swap3A_1287 = arith.index_cast %add3A_1284 : i32 to index
        %swap3A_1288 = arith.index_cast %shift_right_arithmetic3A_598 : i32 to index
        %swap3A_1289 = arith.index_cast %add3A_1286 : i32 to index
        %swap3A_1290 = tpu.vector_load %arg5[%swap3A_1287, %swap3A_1288, %swap3A_1289] {strides = array<i32>} : memref<12x8x1024xf32, #tpu.memory_space<vmem>>, vector<1x1x16xf32>,
        %swap3A_1291 = vector.shape_cast %swap3A_1290 : vector<1x1x16xf32> to vector<16xf32>
        %swap3A_1292 = vector.shape_cast %get3A_683 : vector<16xf32> to vector<1x1x16xf32>
        tpu.vector_store %arg5[%swap3A_1287, %swap3A_1288, %swap3A_1289], %swap3A_1292 {add = true, strides = array<i32>} : memref<12x8x1024xf32, #tpu.memory_space<vmem>>, vector<1x1x16xf32>,
        %add3A_1293 = arith.constant 3 : i32
        %add3A_1294 = arith.addi %mul3A_344, %add3A_1293 : i32
        %add3A_1295 = arith.constant 176 : i32
        %add3A_1296 = arith.addi %multiple_of3A, %add3A_1295 : i32
        %swap3A_1297 = arith.index_cast %add3A_1294 : i32 to index
        %swap3A_1298 = arith.index_cast %shift_right_arithmetic3A_598 : i32 to index
        %swap3A_1299 = arith.index_cast %add3A_1296 : i32 to index
        %swap3A_1300 = tpu.vector_load %arg5[%swap3A_1297, %swap3A_1298, %swap3A_1299] {strides = array<i32>} : memref<12x8x1024xf32, #tpu.memory_space<vmem>>, vector<1x1x16xf32>,
        %swap3A_1301 = vector.shape_cast %swap3A_1300 : vector<1x1x16xf32> to vector<16xf32>
        %swap3A_1302 = vector.shape_cast %get3A_683 : vector<16xf32> to vector<1x1x16xf32>
        tpu.vector_store %arg5[%swap3A_1297, %swap3A_1298, %swap3A_1299], %swap3A_1302 {add = true, strides = array<i32>} : memref<12x8x1024xf32, #tpu.memory_space<vmem>>, vector<1x1x16xf32>,
        %add3A_1303 = arith.constant 0 : i32
        %add3A_1304 = arith.addi %mul3A_344, %add3A_1303 : i32
        %add3A_1305 = arith.constant 192 : i32
        %add3A_1306 = arith.addi %multiple_of3A, %add3A_1305 : i32
        %swap3A_1307 = arith.index_cast %add3A_1304 : i32 to index
        %swap3A_1308 = arith.index_cast %shift_right_arithmetic3A_598 : i32 to index
        %swap3A_1309 = arith.index_cast %add3A_1306 : i32 to index
        %swap3A_1310 = tpu.vector_load %arg5[%swap3A_1307, %swap3A_1308, %swap3A_1309] {strides = array<i32>} : memref<12x8x1024xf32, #tpu.memory_space<vmem>>, vector<1x1x16xf32>,
        %swap3A_1311 = vector.shape_cast %swap3A_1310 : vector<1x1x16xf32> to vector<16xf32>
        %swap3A_1312 = vector.shape_cast %get3A_690 : vector<16xf32> to vector<1x1x16xf32>
        tpu.vector_store %arg5[%swap3A_1307, %swap3A_1308, %swap3A_1309], %swap3A_1312 {add = true, strides = array<i32>} : memref<12x8x1024xf32, #tpu.memory_space<vmem>>, vector<1x1x16xf32>,
        %add3A_1313 = arith.constant 1 : i32
        %add3A_1314 = arith.addi %mul3A_344, %add3A_1313 : i32
        %add3A_1315 = arith.constant 192 : i32
        %add3A_1316 = arith.addi %multiple_of3A, %add3A_1315 : i32
        %swap3A_1317 = arith.index_cast %add3A_1314 : i32 to index
        %swap3A_1318 = arith.index_cast %shift_right_arithmetic3A_598 : i32 to index
        %swap3A_1319 = arith.index_cast %add3A_1316 : i32 to index
        %swap3A_1320 = tpu.vector_load %arg5[%swap3A_1317, %swap3A_1318, %swap3A_1319] {strides = array<i32>} : memref<12x8x1024xf32, #tpu.memory_space<vmem>>, vector<1x1x16xf32>,
        %swap3A_1321 = vector.shape_cast %swap3A_1320 : vector<1x1x16xf32> to vector<16xf32>
        %swap3A_1322 = vector.shape_cast %get3A_690 : vector<16xf32> to vector<1x1x16xf32>
        tpu.vector_store %arg5[%swap3A_1317, %swap3A_1318, %swap3A_1319], %swap3A_1322 {add = true, strides = array<i32>} : memref<12x8x1024xf32, #tpu.memory_space<vmem>>, vector<1x1x16xf32>,
        %add3A_1323 = arith.constant 2 : i32
        %add3A_1324 = arith.addi %mul3A_344, %add3A_1323 : i32
        %add3A_1325 = arith.constant 192 : i32
        %add3A_1326 = arith.addi %multiple_of3A, %add3A_1325 : i32
        %swap3A_1327 = arith.index_cast %add3A_1324 : i32 to index
        %swap3A_1328 = arith.index_cast %shift_right_arithmetic3A_598 : i32 to index
        %swap3A_1329 = arith.index_cast %add3A_1326 : i32 to index
        %swap3A_1330 = tpu.vector_load %arg5[%swap3A_1327, %swap3A_1328, %swap3A_1329] {strides = array<i32>} : memref<12x8x1024xf32, #tpu.memory_space<vmem>>, vector<1x1x16xf32>,
        %swap3A_1331 = vector.shape_cast %swap3A_1330 : vector<1x1x16xf32> to vector<16xf32>
        %swap3A_1332 = vector.shape_cast %get3A_690 : vector<16xf32> to vector<1x1x16xf32>
        tpu.vector_store %arg5[%swap3A_1327, %swap3A_1328, %swap3A_1329], %swap3A_1332 {add = true, strides = array<i32>} : memref<12x8x1024xf32, #tpu.memory_space<vmem>>, vector<1x1x16xf32>,
        %add3A_1333 = arith.constant 3 : i32
        %add3A_1334 = arith.addi %mul3A_344, %add3A_1333 : i32
        %add3A_1335 = arith.constant 192 : i32
        %add3A_1336 = arith.addi %multiple_of3A, %add3A_1335 : i32
        %swap3A_1337 = arith.index_cast %add3A_1334 : i32 to index
        %swap3A_1338 = arith.index_cast %shift_right_arithmetic3A_598 : i32 to index
        %swap3A_1339 = arith.index_cast %add3A_1336 : i32 to index
        %swap3A_1340 = tpu.vector_load %arg5[%swap3A_1337, %swap3A_1338, %swap3A_1339] {strides = array<i32>} : memref<12x8x1024xf32, #tpu.memory_space<vmem>>, vector<1x1x16xf32>,
        %swap3A_1341 = vector.shape_cast %swap3A_1340 : vector<1x1x16xf32> to vector<16xf32>
        %swap3A_1342 = vector.shape_cast %get3A_690 : vector<16xf32> to vector<1x1x16xf32>
        tpu.vector_store %arg5[%swap3A_1337, %swap3A_1338, %swap3A_1339], %swap3A_1342 {add = true, strides = array<i32>} : memref<12x8x1024xf32, #tpu.memory_space<vmem>>, vector<1x1x16xf32>,
        %add3A_1343 = arith.constant 0 : i32
        %add3A_1344 = arith.addi %mul3A_344, %add3A_1343 : i32
        %add3A_1345 = arith.constant 208 : i32
        %add3A_1346 = arith.addi %multiple_of3A, %add3A_1345 : i32
        %swap3A_1347 = arith.index_cast %add3A_1344 : i32 to index
        %swap3A_1348 = arith.index_cast %shift_right_arithmetic3A_598 : i32 to index
        %swap3A_1349 = arith.index_cast %add3A_1346 : i32 to index
        %swap3A_1350 = tpu.vector_load %arg5[%swap3A_1347, %swap3A_1348, %swap3A_1349] {strides = array<i32>} : memref<12x8x1024xf32, #tpu.memory_space<vmem>>, vector<1x1x16xf32>,
        %swap3A_1351 = vector.shape_cast %swap3A_1350 : vector<1x1x16xf32> to vector<16xf32>
        %swap3A_1352 = vector.shape_cast %get3A_697 : vector<16xf32> to vector<1x1x16xf32>
        tpu.vector_store %arg5[%swap3A_1347, %swap3A_1348, %swap3A_1349], %swap3A_1352 {add = true, strides = array<i32>} : memref<12x8x1024xf32, #tpu.memory_space<vmem>>, vector<1x1x16xf32>,
        %add3A_1353 = arith.constant 1 : i32
        %add3A_1354 = arith.addi %mul3A_344, %add3A_1353 : i32
        %add3A_1355 = arith.constant 208 : i32
        %add3A_1356 = arith.addi %multiple_of3A, %add3A_1355 : i32
        %swap3A_1357 = arith.index_cast %add3A_1354 : i32 to index
        %swap3A_1358 = arith.index_cast %shift_right_arithmetic3A_598 : i32 to index
        %swap3A_1359 = arith.index_cast %add3A_1356 : i32 to index
        %swap3A_1360 = tpu.vector_load %arg5[%swap3A_1357, %swap3A_1358, %swap3A_1359] {strides = array<i32>} : memref<12x8x1024xf32, #tpu.memory_space<vmem>>, vector<1x1x16xf32>,
        %swap3A_1361 = vector.shape_cast %swap3A_1360 : vector<1x1x16xf32> to vector<16xf32>
        %swap3A_1362 = vector.shape_cast %get3A_697 : vector<16xf32> to vector<1x1x16xf32>
        tpu.vector_store %arg5[%swap3A_1357, %swap3A_1358, %swap3A_1359], %swap3A_1362 {add = true, strides = array<i32>} : memref<12x8x1024xf32, #tpu.memory_space<vmem>>, vector<1x1x16xf32>,
        %add3A_1363 = arith.constant 2 : i32
        %add3A_1364 = arith.addi %mul3A_344, %add3A_1363 : i32
        %add3A_1365 = arith.constant 208 : i32
        %add3A_1366 = arith.addi %multiple_of3A, %add3A_1365 : i32
        %swap3A_1367 = arith.index_cast %add3A_1364 : i32 to index
        %swap3A_1368 = arith.index_cast %shift_right_arithmetic3A_598 : i32 to index
        %swap3A_1369 = arith.index_cast %add3A_1366 : i32 to index
        %swap3A_1370 = tpu.vector_load %arg5[%swap3A_1367, %swap3A_1368, %swap3A_1369] {strides = array<i32>} : memref<12x8x1024xf32, #tpu.memory_space<vmem>>, vector<1x1x16xf32>,
        %swap3A_1371 = vector.shape_cast %swap3A_1370 : vector<1x1x16xf32> to vector<16xf32>
        %swap3A_1372 = vector.shape_cast %get3A_697 : vector<16xf32> to vector<1x1x16xf32>
        tpu.vector_store %arg5[%swap3A_1367, %swap3A_1368, %swap3A_1369], %swap3A_1372 {add = true, strides = array<i32>} : memref<12x8x1024xf32, #tpu.memory_space<vmem>>, vector<1x1x16xf32>,
        %add3A_1373 = arith.constant 3 : i32
        %add3A_1374 = arith.addi %mul3A_344, %add3A_1373 : i32
        %add3A_1375 = arith.constant 208 : i32
        %add3A_1376 = arith.addi %multiple_of3A, %add3A_1375 : i32
        %swap3A_1377 = arith.index_cast %add3A_1374 : i32 to index
        %swap3A_1378 = arith.index_cast %shift_right_arithmetic3A_598 : i32 to index
        %swap3A_1379 = arith.index_cast %add3A_1376 : i32 to index
        %swap3A_1380 = tpu.vector_load %arg5[%swap3A_1377, %swap3A_1378, %swap3A_1379] {strides = array<i32>} : memref<12x8x1024xf32, #tpu.memory_space<vmem>>, vector<1x1x16xf32>,
        %swap3A_1381 = vector.shape_cast %swap3A_1380 : vector<1x1x16xf32> to vector<16xf32>
        %swap3A_1382 = vector.shape_cast %get3A_697 : vector<16xf32> to vector<1x1x16xf32>
        tpu.vector_store %arg5[%swap3A_1377, %swap3A_1378, %swap3A_1379], %swap3A_1382 {add = true, strides = array<i32>} : memref<12x8x1024xf32, #tpu.memory_space<vmem>>, vector<1x1x16xf32>,
        %add3A_1383 = arith.constant 0 : i32
        %add3A_1384 = arith.addi %mul3A_344, %add3A_1383 : i32
        %add3A_1385 = arith.constant 224 : i32
        %add3A_1386 = arith.addi %multiple_of3A, %add3A_1385 : i32
        %swap3A_1387 = arith.index_cast %add3A_1384 : i32 to index
        %swap3A_1388 = arith.index_cast %shift_right_arithmetic3A_598 : i32 to index
        %swap3A_1389 = arith.index_cast %add3A_1386 : i32 to index
        %swap3A_1390 = tpu.vector_load %arg5[%swap3A_1387, %swap3A_1388, %swap3A_1389] {strides = array<i32>} : memref<12x8x1024xf32, #tpu.memory_space<vmem>>, vector<1x1x16xf32>,
        %swap3A_1391 = vector.shape_cast %swap3A_1390 : vector<1x1x16xf32> to vector<16xf32>
        %swap3A_1392 = vector.shape_cast %get3A_704 : vector<16xf32> to vector<1x1x16xf32>
        tpu.vector_store %arg5[%swap3A_1387, %swap3A_1388, %swap3A_1389], %swap3A_1392 {add = true, strides = array<i32>} : memref<12x8x1024xf32, #tpu.memory_space<vmem>>, vector<1x1x16xf32>,
        %add3A_1393 = arith.constant 1 : i32
        %add3A_1394 = arith.addi %mul3A_344, %add3A_1393 : i32
        %add3A_1395 = arith.constant 224 : i32
        %add3A_1396 = arith.addi %multiple_of3A, %add3A_1395 : i32
        %swap3A_1397 = arith.index_cast %add3A_1394 : i32 to index
        %swap3A_1398 = arith.index_cast %shift_right_arithmetic3A_598 : i32 to index
        %swap3A_1399 = arith.index_cast %add3A_1396 : i32 to index
        %swap3A_1400 = tpu.vector_load %arg5[%swap3A_1397, %swap3A_1398, %swap3A_1399] {strides = array<i32>} : memref<12x8x1024xf32, #tpu.memory_space<vmem>>, vector<1x1x16xf32>,
        %swap3A_1401 = vector.shape_cast %swap3A_1400 : vector<1x1x16xf32> to vector<16xf32>
        %swap3A_1402 = vector.shape_cast %get3A_704 : vector<16xf32> to vector<1x1x16xf32>
        tpu.vector_store %arg5[%swap3A_1397, %swap3A_1398, %swap3A_1399], %swap3A_1402 {add = true, strides = array<i32>} : memref<12x8x1024xf32, #tpu.memory_space<vmem>>, vector<1x1x16xf32>,
        %add3A_1403 = arith.constant 2 : i32
        %add3A_1404 = arith.addi %mul3A_344, %add3A_1403 : i32
        %add3A_1405 = arith.constant 224 : i32
        %add3A_1406 = arith.addi %multiple_of3A, %add3A_1405 : i32
        %swap3A_1407 = arith.index_cast %add3A_1404 : i32 to index
        %swap3A_1408 = arith.index_cast %shift_right_arithmetic3A_598 : i32 to index
        %swap3A_1409 = arith.index_cast %add3A_1406 : i32 to index
        %swap3A_1410 = tpu.vector_load %arg5[%swap3A_1407, %swap3A_1408, %swap3A_1409] {strides = array<i32>} : memref<12x8x1024xf32, #tpu.memory_space<vmem>>, vector<1x1x16xf32>,
        %swap3A_1411 = vector.shape_cast %swap3A_1410 : vector<1x1x16xf32> to vector<16xf32>
        %swap3A_1412 = vector.shape_cast %get3A_704 : vector<16xf32> to vector<1x1x16xf32>
        tpu.vector_store %arg5[%swap3A_1407, %swap3A_1408, %swap3A_1409], %swap3A_1412 {add = true, strides = array<i32>} : memref<12x8x1024xf32, #tpu.memory_space<vmem>>, vector<1x1x16xf32>,
        %add3A_1413 = arith.constant 3 : i32
        %add3A_1414 = arith.addi %mul3A_344, %add3A_1413 : i32
        %add3A_1415 = arith.constant 224 : i32
        %add3A_1416 = arith.addi %multiple_of3A, %add3A_1415 : i32
        %swap3A_1417 = arith.index_cast %add3A_1414 : i32 to index
        %swap3A_1418 = arith.index_cast %shift_right_arithmetic3A_598 : i32 to index
        %swap3A_1419 = arith.index_cast %add3A_1416 : i32 to index
        %swap3A_1420 = tpu.vector_load %arg5[%swap3A_1417, %swap3A_1418, %swap3A_1419] {strides = array<i32>} : memref<12x8x1024xf32, #tpu.memory_space<vmem>>, vector<1x1x16xf32>,
        %swap3A_1421 = vector.shape_cast %swap3A_1420 : vector<1x1x16xf32> to vector<16xf32>
        %swap3A_1422 = vector.shape_cast %get3A_704 : vector<16xf32> to vector<1x1x16xf32>
        tpu.vector_store %arg5[%swap3A_1417, %swap3A_1418, %swap3A_1419], %swap3A_1422 {add = true, strides = array<i32>} : memref<12x8x1024xf32, #tpu.memory_space<vmem>>, vector<1x1x16xf32>,
        %add3A_1423 = arith.constant 0 : i32
        %add3A_1424 = arith.addi %mul3A_344, %add3A_1423 : i32
        %add3A_1425 = arith.constant 240 : i32
        %add3A_1426 = arith.addi %multiple_of3A, %add3A_1425 : i32
        %swap3A_1427 = arith.index_cast %add3A_1424 : i32 to index
        %swap3A_1428 = arith.index_cast %shift_right_arithmetic3A_598 : i32 to index
        %swap3A_1429 = arith.index_cast %add3A_1426 : i32 to index
        %swap3A_1430 = tpu.vector_load %arg5[%swap3A_1427, %swap3A_1428, %swap3A_1429] {strides = array<i32>} : memref<12x8x1024xf32, #tpu.memory_space<vmem>>, vector<1x1x16xf32>,
        %swap3A_1431 = vector.shape_cast %swap3A_1430 : vector<1x1x16xf32> to vector<16xf32>
        %swap3A_1432 = vector.shape_cast %get3A_711 : vector<16xf32> to vector<1x1x16xf32>
        tpu.vector_store %arg5[%swap3A_1427, %swap3A_1428, %swap3A_1429], %swap3A_1432 {add = true, strides = array<i32>} : memref<12x8x1024xf32, #tpu.memory_space<vmem>>, vector<1x1x16xf32>,
        %add3A_1433 = arith.constant 1 : i32
        %add3A_1434 = arith.addi %mul3A_344, %add3A_1433 : i32
        %add3A_1435 = arith.constant 240 : i32
        %add3A_1436 = arith.addi %multiple_of3A, %add3A_1435 : i32
        %swap3A_1437 = arith.index_cast %add3A_1434 : i32 to index
        %swap3A_1438 = arith.index_cast %shift_right_arithmetic3A_598 : i32 to index
        %swap3A_1439 = arith.index_cast %add3A_1436 : i32 to index
        %swap3A_1440 = tpu.vector_load %arg5[%swap3A_1437, %swap3A_1438, %swap3A_1439] {strides = array<i32>} : memref<12x8x1024xf32, #tpu.memory_space<vmem>>, vector<1x1x16xf32>,
        %swap3A_1441 = vector.shape_cast %swap3A_1440 : vector<1x1x16xf32> to vector<16xf32>
        %swap3A_1442 = vector.shape_cast %get3A_711 : vector<16xf32> to vector<1x1x16xf32>
        tpu.vector_store %arg5[%swap3A_1437, %swap3A_1438, %swap3A_1439], %swap3A_1442 {add = true, strides = array<i32>} : memref<12x8x1024xf32, #tpu.memory_space<vmem>>, vector<1x1x16xf32>,
        %add3A_1443 = arith.constant 2 : i32
        %add3A_1444 = arith.addi %mul3A_344, %add3A_1443 : i32
        %add3A_1445 = arith.constant 240 : i32
        %add3A_1446 = arith.addi %multiple_of3A, %add3A_1445 : i32
        %swap3A_1447 = arith.index_cast %add3A_1444 : i32 to index
        %swap3A_1448 = arith.index_cast %shift_right_arithmetic3A_598 : i32 to index
        %swap3A_1449 = arith.index_cast %add3A_1446 : i32 to index
        %swap3A_1450 = tpu.vector_load %arg5[%swap3A_1447, %swap3A_1448, %swap3A_1449] {strides = array<i32>} : memref<12x8x1024xf32, #tpu.memory_space<vmem>>, vector<1x1x16xf32>,
        %swap3A_1451 = vector.shape_cast %swap3A_1450 : vector<1x1x16xf32> to vector<16xf32>
        %swap3A_1452 = vector.shape_cast %get3A_711 : vector<16xf32> to vector<1x1x16xf32>
        tpu.vector_store %arg5[%swap3A_1447, %swap3A_1448, %swap3A_1449], %swap3A_1452 {add = true, strides = array<i32>} : memref<12x8x1024xf32, #tpu.memory_space<vmem>>, vector<1x1x16xf32>,
        %add3A_1453 = arith.constant 3 : i32
        %add3A_1454 = arith.addi %mul3A_344, %add3A_1453 : i32
        %add3A_1455 = arith.constant 240 : i32
        %add3A_1456 = arith.addi %multiple_of3A, %add3A_1455 : i32
        %swap3A_1457 = arith.index_cast %add3A_1454 : i32 to index
        %swap3A_1458 = arith.index_cast %shift_right_arithmetic3A_598 : i32 to index
        %swap3A_1459 = arith.index_cast %add3A_1456 : i32 to index
        %swap3A_1460 = tpu.vector_load %arg5[%swap3A_1457, %swap3A_1458, %swap3A_1459] {strides = array<i32>} : memref<12x8x1024xf32, #tpu.memory_space<vmem>>, vector<1x1x16xf32>,
        %swap3A_1461 = vector.shape_cast %swap3A_1460 : vector<1x1x16xf32> to vector<16xf32>
        %swap3A_1462 = vector.shape_cast %get3A_711 : vector<16xf32> to vector<1x1x16xf32>
        tpu.vector_store %arg5[%swap3A_1457, %swap3A_1458, %swap3A_1459], %swap3A_1462 {add = true, strides = array<i32>} : memref<12x8x1024xf32, #tpu.memory_space<vmem>>, vector<1x1x16xf32>,
        %add3A_1463 = arith.constant 0 : i32
        %add3A_1464 = arith.addi %mul3A_344, %add3A_1463 : i32
        %add3A_1465 = arith.constant 256 : i32
        %add3A_1466 = arith.addi %multiple_of3A, %add3A_1465 : i32
        %swap3A_1467 = arith.index_cast %add3A_1464 : i32 to index
        %swap3A_1468 = arith.index_cast %shift_right_arithmetic3A_598 : i32 to index
        %swap3A_1469 = arith.index_cast %add3A_1466 : i32 to index
        %swap3A_1470 = tpu.vector_load %arg5[%swap3A_1467, %swap3A_1468, %swap3A_1469] {strides = array<i32>} : memref<12x8x1024xf32, #tpu.memory_space<vmem>>, vector<1x1x16xf32>,
        %swap3A_1471 = vector.shape_cast %swap3A_1470 : vector<1x1x16xf32> to vector<16xf32>
        %swap3A_1472 = vector.shape_cast %get3A_718 : vector<16xf32> to vector<1x1x16xf32>
        tpu.vector_store %arg5[%swap3A_1467, %swap3A_1468, %swap3A_1469], %swap3A_1472 {add = true, strides = array<i32>} : memref<12x8x1024xf32, #tpu.memory_space<vmem>>, vector<1x1x16xf32>,
        %add3A_1473 = arith.constant 1 : i32
        %add3A_1474 = arith.addi %mul3A_344, %add3A_1473 : i32
        %add3A_1475 = arith.constant 256 : i32
        %add3A_1476 = arith.addi %multiple_of3A, %add3A_1475 : i32
        %swap3A_1477 = arith.index_cast %add3A_1474 : i32 to index
        %swap3A_1478 = arith.index_cast %shift_right_arithmetic3A_598 : i32 to index
        %swap3A_1479 = arith.index_cast %add3A_1476 : i32 to index
        %swap3A_1480 = tpu.vector_load %arg5[%swap3A_1477, %swap3A_1478, %swap3A_1479] {strides = array<i32>} : memref<12x8x1024xf32, #tpu.memory_space<vmem>>, vector<1x1x16xf32>,
        %swap3A_1481 = vector.shape_cast %swap3A_1480 : vector<1x1x16xf32> to vector<16xf32>
        %swap3A_1482 = vector.shape_cast %get3A_718 : vector<16xf32> to vector<1x1x16xf32>
        tpu.vector_store %arg5[%swap3A_1477, %swap3A_1478, %swap3A_1479], %swap3A_1482 {add = true, strides = array<i32>} : memref<12x8x1024xf32, #tpu.memory_space<vmem>>, vector<1x1x16xf32>,
        %add3A_1483 = arith.constant 2 : i32
        %add3A_1484 = arith.addi %mul3A_344, %add3A_1483 : i32
        %add3A_1485 = arith.constant 256 : i32
        %add3A_1486 = arith.addi %multiple_of3A, %add3A_1485 : i32
        %swap3A_1487 = arith.index_cast %add3A_1484 : i32 to index
        %swap3A_1488 = arith.index_cast %shift_right_arithmetic3A_598 : i32 to index
        %swap3A_1489 = arith.index_cast %add3A_1486 : i32 to index
        %swap3A_1490 = tpu.vector_load %arg5[%swap3A_1487, %swap3A_1488, %swap3A_1489] {strides = array<i32>} : memref<12x8x1024xf32, #tpu.memory_space<vmem>>, vector<1x1x16xf32>,
        %swap3A_1491 = vector.shape_cast %swap3A_1490 : vector<1x1x16xf32> to vector<16xf32>
        %swap3A_1492 = vector.shape_cast %get3A_718 : vector<16xf32> to vector<1x1x16xf32>
        tpu.vector_store %arg5[%swap3A_1487, %swap3A_1488, %swap3A_1489], %swap3A_1492 {add = true, strides = array<i32>} : memref<12x8x1024xf32, #tpu.memory_space<vmem>>, vector<1x1x16xf32>,
        %add3A_1493 = arith.constant 3 : i32
        %add3A_1494 = arith.addi %mul3A_344, %add3A_1493 : i32
        %add3A_1495 = arith.constant 256 : i32
        %add3A_1496 = arith.addi %multiple_of3A, %add3A_1495 : i32
        %swap3A_1497 = arith.index_cast %add3A_1494 : i32 to index
        %swap3A_1498 = arith.index_cast %shift_right_arithmetic3A_598 : i32 to index
        %swap3A_1499 = arith.index_cast %add3A_1496 : i32 to index
        %swap3A_1500 = tpu.vector_load %arg5[%swap3A_1497, %swap3A_1498, %swap3A_1499] {strides = array<i32>} : memref<12x8x1024xf32, #tpu.memory_space<vmem>>, vector<1x1x16xf32>,
        %swap3A_1501 = vector.shape_cast %swap3A_1500 : vector<1x1x16xf32> to vector<16xf32>
        %swap3A_1502 = vector.shape_cast %get3A_718 : vector<16xf32> to vector<1x1x16xf32>
        tpu.vector_store %arg5[%swap3A_1497, %swap3A_1498, %swap3A_1499], %swap3A_1502 {add = true, strides = array<i32>} : memref<12x8x1024xf32, #tpu.memory_space<vmem>>, vector<1x1x16xf32>,
        %add3A_1503 = arith.constant 0 : i32
        %add3A_1504 = arith.addi %mul3A_344, %add3A_1503 : i32
        %add3A_1505 = arith.constant 272 : i32
        %add3A_1506 = arith.addi %multiple_of3A, %add3A_1505 : i32
        %swap3A_1507 = arith.index_cast %add3A_1504 : i32 to index
        %swap3A_1508 = arith.index_cast %shift_right_arithmetic3A_598 : i32 to index
        %swap3A_1509 = arith.index_cast %add3A_1506 : i32 to index
        %swap3A_1510 = tpu.vector_load %arg5[%swap3A_1507, %swap3A_1508, %swap3A_1509] {strides = array<i32>} : memref<12x8x1024xf32, #tpu.memory_space<vmem>>, vector<1x1x16xf32>,
        %swap3A_1511 = vector.shape_cast %swap3A_1510 : vector<1x1x16xf32> to vector<16xf32>
        %swap3A_1512 = vector.shape_cast %get3A_725 : vector<16xf32> to vector<1x1x16xf32>
        tpu.vector_store %arg5[%swap3A_1507, %swap3A_1508, %swap3A_1509], %swap3A_1512 {add = true, strides = array<i32>} : memref<12x8x1024xf32, #tpu.memory_space<vmem>>, vector<1x1x16xf32>,
        %add3A_1513 = arith.constant 1 : i32
        %add3A_1514 = arith.addi %mul3A_344, %add3A_1513 : i32
        %add3A_1515 = arith.constant 272 : i32
        %add3A_1516 = arith.addi %multiple_of3A, %add3A_1515 : i32
        %swap3A_1517 = arith.index_cast %add3A_1514 : i32 to index
        %swap3A_1518 = arith.index_cast %shift_right_arithmetic3A_598 : i32 to index
        %swap3A_1519 = arith.index_cast %add3A_1516 : i32 to index
        %swap3A_1520 = tpu.vector_load %arg5[%swap3A_1517, %swap3A_1518, %swap3A_1519] {strides = array<i32>} : memref<12x8x1024xf32, #tpu.memory_space<vmem>>, vector<1x1x16xf32>,
        %swap3A_1521 = vector.shape_cast %swap3A_1520 : vector<1x1x16xf32> to vector<16xf32>
        %swap3A_1522 = vector.shape_cast %get3A_725 : vector<16xf32> to vector<1x1x16xf32>
        tpu.vector_store %arg5[%swap3A_1517, %swap3A_1518, %swap3A_1519], %swap3A_1522 {add = true, strides = array<i32>} : memref<12x8x1024xf32, #tpu.memory_space<vmem>>, vector<1x1x16xf32>,
        %add3A_1523 = arith.constant 2 : i32
        %add3A_1524 = arith.addi %mul3A_344, %add3A_1523 : i32
        %add3A_1525 = arith.constant 272 : i32
        %add3A_1526 = arith.addi %multiple_of3A, %add3A_1525 : i32
        %swap3A_1527 = arith.index_cast %add3A_1524 : i32 to index
        %swap3A_1528 = arith.index_cast %shift_right_arithmetic3A_598 : i32 to index
        %swap3A_1529 = arith.index_cast %add3A_1526 : i32 to index
        %swap3A_1530 = tpu.vector_load %arg5[%swap3A_1527, %swap3A_1528, %swap3A_1529] {strides = array<i32>} : memref<12x8x1024xf32, #tpu.memory_space<vmem>>, vector<1x1x16xf32>,
        %swap3A_1531 = vector.shape_cast %swap3A_1530 : vector<1x1x16xf32> to vector<16xf32>
        %swap3A_1532 = vector.shape_cast %get3A_725 : vector<16xf32> to vector<1x1x16xf32>
        tpu.vector_store %arg5[%swap3A_1527, %swap3A_1528, %swap3A_1529], %swap3A_1532 {add = true, strides = array<i32>} : memref<12x8x1024xf32, #tpu.memory_space<vmem>>, vector<1x1x16xf32>,
        %add3A_1533 = arith.constant 3 : i32
        %add3A_1534 = arith.addi %mul3A_344, %add3A_1533 : i32
        %add3A_1535 = arith.constant 272 : i32
        %add3A_1536 = arith.addi %multiple_of3A, %add3A_1535 : i32
        %swap3A_1537 = arith.index_cast %add3A_1534 : i32 to index
        %swap3A_1538 = arith.index_cast %shift_right_arithmetic3A_598 : i32 to index
        %swap3A_1539 = arith.index_cast %add3A_1536 : i32 to index
        %swap3A_1540 = tpu.vector_load %arg5[%swap3A_1537, %swap3A_1538, %swap3A_1539] {strides = array<i32>} : memref<12x8x1024xf32, #tpu.memory_space<vmem>>, vector<1x1x16xf32>,
        %swap3A_1541 = vector.shape_cast %swap3A_1540 : vector<1x1x16xf32> to vector<16xf32>
        %swap3A_1542 = vector.shape_cast %get3A_725 : vector<16xf32> to vector<1x1x16xf32>
        tpu.vector_store %arg5[%swap3A_1537, %swap3A_1538, %swap3A_1539], %swap3A_1542 {add = true, strides = array<i32>} : memref<12x8x1024xf32, #tpu.memory_space<vmem>>, vector<1x1x16xf32>,
        %add3A_1543 = arith.constant 0 : i32
        %add3A_1544 = arith.addi %mul3A_344, %add3A_1543 : i32
        %add3A_1545 = arith.constant 288 : i32
        %add3A_1546 = arith.addi %multiple_of3A, %add3A_1545 : i32
        %swap3A_1547 = arith.index_cast %add3A_1544 : i32 to index
        %swap3A_1548 = arith.index_cast %shift_right_arithmetic3A_598 : i32 to index
        %swap3A_1549 = arith.index_cast %add3A_1546 : i32 to index
        %swap3A_1550 = tpu.vector_load %arg5[%swap3A_1547, %swap3A_1548, %swap3A_1549] {strides = array<i32>} : memref<12x8x1024xf32, #tpu.memory_space<vmem>>, vector<1x1x16xf32>,
        %swap3A_1551 = vector.shape_cast %swap3A_1550 : vector<1x1x16xf32> to vector<16xf32>
        %swap3A_1552 = vector.shape_cast %get3A_732 : vector<16xf32> to vector<1x1x16xf32>
        tpu.vector_store %arg5[%swap3A_1547, %swap3A_1548, %swap3A_1549], %swap3A_1552 {add = true, strides = array<i32>} : memref<12x8x1024xf32, #tpu.memory_space<vmem>>, vector<1x1x16xf32>,
        %add3A_1553 = arith.constant 1 : i32
        %add3A_1554 = arith.addi %mul3A_344, %add3A_1553 : i32
        %add3A_1555 = arith.constant 288 : i32
        %add3A_1556 = arith.addi %multiple_of3A, %add3A_1555 : i32
        %swap3A_1557 = arith.index_cast %add3A_1554 : i32 to index
        %swap3A_1558 = arith.index_cast %shift_right_arithmetic3A_598 : i32 to index
        %swap3A_1559 = arith.index_cast %add3A_1556 : i32 to index
        %swap3A_1560 = tpu.vector_load %arg5[%swap3A_1557, %swap3A_1558, %swap3A_1559] {strides = array<i32>} : memref<12x8x1024xf32, #tpu.memory_space<vmem>>, vector<1x1x16xf32>,
        %swap3A_1561 = vector.shape_cast %swap3A_1560 : vector<1x1x16xf32> to vector<16xf32>
        %swap3A_1562 = vector.shape_cast %get3A_732 : vector<16xf32> to vector<1x1x16xf32>
        tpu.vector_store %arg5[%swap3A_1557, %swap3A_1558, %swap3A_1559], %swap3A_1562 {add = true, strides = array<i32>} : memref<12x8x1024xf32, #tpu.memory_space<vmem>>, vector<1x1x16xf32>,
        %add3A_1563 = arith.constant 2 : i32
        %add3A_1564 = arith.addi %mul3A_344, %add3A_1563 : i32
        %add3A_1565 = arith.constant 288 : i32
        %add3A_1566 = arith.addi %multiple_of3A, %add3A_1565 : i32
        %swap3A_1567 = arith.index_cast %add3A_1564 : i32 to index
        %swap3A_1568 = arith.index_cast %shift_right_arithmetic3A_598 : i32 to index
        %swap3A_1569 = arith.index_cast %add3A_1566 : i32 to index
        %swap3A_1570 = tpu.vector_load %arg5[%swap3A_1567, %swap3A_1568, %swap3A_1569] {strides = array<i32>} : memref<12x8x1024xf32, #tpu.memory_space<vmem>>, vector<1x1x16xf32>,
        %swap3A_1571 = vector.shape_cast %swap3A_1570 : vector<1x1x16xf32> to vector<16xf32>
        %swap3A_1572 = vector.shape_cast %get3A_732 : vector<16xf32> to vector<1x1x16xf32>
        tpu.vector_store %arg5[%swap3A_1567, %swap3A_1568, %swap3A_1569], %swap3A_1572 {add = true, strides = array<i32>} : memref<12x8x1024xf32, #tpu.memory_space<vmem>>, vector<1x1x16xf32>,
        %add3A_1573 = arith.constant 3 : i32
        %add3A_1574 = arith.addi %mul3A_344, %add3A_1573 : i32
        %add3A_1575 = arith.constant 288 : i32
        %add3A_1576 = arith.addi %multiple_of3A, %add3A_1575 : i32
        %swap3A_1577 = arith.index_cast %add3A_1574 : i32 to index
        %swap3A_1578 = arith.index_cast %shift_right_arithmetic3A_598 : i32 to index
        %swap3A_1579 = arith.index_cast %add3A_1576 : i32 to index
        %swap3A_1580 = tpu.vector_load %arg5[%swap3A_1577, %swap3A_1578, %swap3A_1579] {strides = array<i32>} : memref<12x8x1024xf32, #tpu.memory_space<vmem>>, vector<1x1x16xf32>,
        %swap3A_1581 = vector.shape_cast %swap3A_1580 : vector<1x1x16xf32> to vector<16xf32>
        %swap3A_1582 = vector.shape_cast %get3A_732 : vector<16xf32> to vector<1x1x16xf32>
        tpu.vector_store %arg5[%swap3A_1577, %swap3A_1578, %swap3A_1579], %swap3A_1582 {add = true, strides = array<i32>} : memref<12x8x1024xf32, #tpu.memory_space<vmem>>, vector<1x1x16xf32>,
        %add3A_1583 = arith.constant 0 : i32
        %add3A_1584 = arith.addi %mul3A_344, %add3A_1583 : i32
        %add3A_1585 = arith.constant 304 : i32
        %add3A_1586 = arith.addi %multiple_of3A, %add3A_1585 : i32
        %swap3A_1587 = arith.index_cast %add3A_1584 : i32 to index
        %swap3A_1588 = arith.index_cast %shift_right_arithmetic3A_598 : i32 to index
        %swap3A_1589 = arith.index_cast %add3A_1586 : i32 to index
        %swap3A_1590 = tpu.vector_load %arg5[%swap3A_1587, %swap3A_1588, %swap3A_1589] {strides = array<i32>} : memref<12x8x1024xf32, #tpu.memory_space<vmem>>, vector<1x1x16xf32>,
        %swap3A_1591 = vector.shape_cast %swap3A_1590 : vector<1x1x16xf32> to vector<16xf32>
        %swap3A_1592 = vector.shape_cast %get3A_739 : vector<16xf32> to vector<1x1x16xf32>
        tpu.vector_store %arg5[%swap3A_1587, %swap3A_1588, %swap3A_1589], %swap3A_1592 {add = true, strides = array<i32>} : memref<12x8x1024xf32, #tpu.memory_space<vmem>>, vector<1x1x16xf32>,
        %add3A_1593 = arith.constant 1 : i32
        %add3A_1594 = arith.addi %mul3A_344, %add3A_1593 : i32
        %add3A_1595 = arith.constant 304 : i32
        %add3A_1596 = arith.addi %multiple_of3A, %add3A_1595 : i32
        %swap3A_1597 = arith.index_cast %add3A_1594 : i32 to index
        %swap3A_1598 = arith.index_cast %shift_right_arithmetic3A_598 : i32 to index
        %swap3A_1599 = arith.index_cast %add3A_1596 : i32 to index
        %swap3A_1600 = tpu.vector_load %arg5[%swap3A_1597, %swap3A_1598, %swap3A_1599] {strides = array<i32>} : memref<12x8x1024xf32, #tpu.memory_space<vmem>>, vector<1x1x16xf32>,
        %swap3A_1601 = vector.shape_cast %swap3A_1600 : vector<1x1x16xf32> to vector<16xf32>
        %swap3A_1602 = vector.shape_cast %get3A_739 : vector<16xf32> to vector<1x1x16xf32>
        tpu.vector_store %arg5[%swap3A_1597, %swap3A_1598, %swap3A_1599], %swap3A_1602 {add = true, strides = array<i32>} : memref<12x8x1024xf32, #tpu.memory_space<vmem>>, vector<1x1x16xf32>,
        %add3A_1603 = arith.constant 2 : i32
        %add3A_1604 = arith.addi %mul3A_344, %add3A_1603 : i32
        %add3A_1605 = arith.constant 304 : i32
        %add3A_1606 = arith.addi %multiple_of3A, %add3A_1605 : i32
        %swap3A_1607 = arith.index_cast %add3A_1604 : i32 to index
        %swap3A_1608 = arith.index_cast %shift_right_arithmetic3A_598 : i32 to index
        %swap3A_1609 = arith.index_cast %add3A_1606 : i32 to index
        %swap3A_1610 = tpu.vector_load %arg5[%swap3A_1607, %swap3A_1608, %swap3A_1609] {strides = array<i32>} : memref<12x8x1024xf32, #tpu.memory_space<vmem>>, vector<1x1x16xf32>,
        %swap3A_1611 = vector.shape_cast %swap3A_1610 : vector<1x1x16xf32> to vector<16xf32>
        %swap3A_1612 = vector.shape_cast %get3A_739 : vector<16xf32> to vector<1x1x16xf32>
        tpu.vector_store %arg5[%swap3A_1607, %swap3A_1608, %swap3A_1609], %swap3A_1612 {add = true, strides = array<i32>} : memref<12x8x1024xf32, #tpu.memory_space<vmem>>, vector<1x1x16xf32>,
        %add3A_1613 = arith.constant 3 : i32
        %add3A_1614 = arith.addi %mul3A_344, %add3A_1613 : i32
        %add3A_1615 = arith.constant 304 : i32
        %add3A_1616 = arith.addi %multiple_of3A, %add3A_1615 : i32
        %swap3A_1617 = arith.index_cast %add3A_1614 : i32 to index
        %swap3A_1618 = arith.index_cast %shift_right_arithmetic3A_598 : i32 to index
        %swap3A_1619 = arith.index_cast %add3A_1616 : i32 to index
        %swap3A_1620 = tpu.vector_load %arg5[%swap3A_1617, %swap3A_1618, %swap3A_1619] {strides = array<i32>} : memref<12x8x1024xf32, #tpu.memory_space<vmem>>, vector<1x1x16xf32>,
        %swap3A_1621 = vector.shape_cast %swap3A_1620 : vector<1x1x16xf32> to vector<16xf32>
        %swap3A_1622 = vector.shape_cast %get3A_739 : vector<16xf32> to vector<1x1x16xf32>
        tpu.vector_store %arg5[%swap3A_1617, %swap3A_1618, %swap3A_1619], %swap3A_1622 {add = true, strides = array<i32>} : memref<12x8x1024xf32, #tpu.memory_space<vmem>>, vector<1x1x16xf32>,
        %add3A_1623 = arith.constant 0 : i32
        %add3A_1624 = arith.addi %mul3A_344, %add3A_1623 : i32
        %add3A_1625 = arith.constant 320 : i32
        %add3A_1626 = arith.addi %multiple_of3A, %add3A_1625 : i32
        %swap3A_1627 = arith.index_cast %add3A_1624 : i32 to index
        %swap3A_1628 = arith.index_cast %shift_right_arithmetic3A_598 : i32 to index
        %swap3A_1629 = arith.index_cast %add3A_1626 : i32 to index
        %swap3A_1630 = tpu.vector_load %arg5[%swap3A_1627, %swap3A_1628, %swap3A_1629] {strides = array<i32>} : memref<12x8x1024xf32, #tpu.memory_space<vmem>>, vector<1x1x16xf32>,
        %swap3A_1631 = vector.shape_cast %swap3A_1630 : vector<1x1x16xf32> to vector<16xf32>
        %swap3A_1632 = vector.shape_cast %get3A_746 : vector<16xf32> to vector<1x1x16xf32>
        tpu.vector_store %arg5[%swap3A_1627, %swap3A_1628, %swap3A_1629], %swap3A_1632 {add = true, strides = array<i32>} : memref<12x8x1024xf32, #tpu.memory_space<vmem>>, vector<1x1x16xf32>,
        %add3A_1633 = arith.constant 1 : i32
        %add3A_1634 = arith.addi %mul3A_344, %add3A_1633 : i32
        %add3A_1635 = arith.constant 320 : i32
        %add3A_1636 = arith.addi %multiple_of3A, %add3A_1635 : i32
        %swap3A_1637 = arith.index_cast %add3A_1634 : i32 to index
        %swap3A_1638 = arith.index_cast %shift_right_arithmetic3A_598 : i32 to index
        %swap3A_1639 = arith.index_cast %add3A_1636 : i32 to index
        %swap3A_1640 = tpu.vector_load %arg5[%swap3A_1637, %swap3A_1638, %swap3A_1639] {strides = array<i32>} : memref<12x8x1024xf32, #tpu.memory_space<vmem>>, vector<1x1x16xf32>,
        %swap3A_1641 = vector.shape_cast %swap3A_1640 : vector<1x1x16xf32> to vector<16xf32>
        %swap3A_1642 = vector.shape_cast %get3A_746 : vector<16xf32> to vector<1x1x16xf32>
        tpu.vector_store %arg5[%swap3A_1637, %swap3A_1638, %swap3A_1639], %swap3A_1642 {add = true, strides = array<i32>} : memref<12x8x1024xf32, #tpu.memory_space<vmem>>, vector<1x1x16xf32>,
        %add3A_1643 = arith.constant 2 : i32
        %add3A_1644 = arith.addi %mul3A_344, %add3A_1643 : i32
        %add3A_1645 = arith.constant 320 : i32
        %add3A_1646 = arith.addi %multiple_of3A, %add3A_1645 : i32
        %swap3A_1647 = arith.index_cast %add3A_1644 : i32 to index
        %swap3A_1648 = arith.index_cast %shift_right_arithmetic3A_598 : i32 to index
        %swap3A_1649 = arith.index_cast %add3A_1646 : i32 to index
        %swap3A_1650 = tpu.vector_load %arg5[%swap3A_1647, %swap3A_1648, %swap3A_1649] {strides = array<i32>} : memref<12x8x1024xf32, #tpu.memory_space<vmem>>, vector<1x1x16xf32>,
        %swap3A_1651 = vector.shape_cast %swap3A_1650 : vector<1x1x16xf32> to vector<16xf32>
        %swap3A_1652 = vector.shape_cast %get3A_746 : vector<16xf32> to vector<1x1x16xf32>
        tpu.vector_store %arg5[%swap3A_1647, %swap3A_1648, %swap3A_1649], %swap3A_1652 {add = true, strides = array<i32>} : memref<12x8x1024xf32, #tpu.memory_space<vmem>>, vector<1x1x16xf32>,
        %add3A_1653 = arith.constant 3 : i32
        %add3A_1654 = arith.addi %mul3A_344, %add3A_1653 : i32
        %add3A_1655 = arith.constant 320 : i32
        %add3A_1656 = arith.addi %multiple_of3A, %add3A_1655 : i32
        %swap3A_1657 = arith.index_cast %add3A_1654 : i32 to index
        %swap3A_1658 = arith.index_cast %shift_right_arithmetic3A_598 : i32 to index
        %swap3A_1659 = arith.index_cast %add3A_1656 : i32 to index
        %swap3A_1660 = tpu.vector_load %arg5[%swap3A_1657, %swap3A_1658, %swap3A_1659] {strides = array<i32>} : memref<12x8x1024xf32, #tpu.memory_space<vmem>>, vector<1x1x16xf32>,
        %swap3A_1661 = vector.shape_cast %swap3A_1660 : vector<1x1x16xf32> to vector<16xf32>
        %swap3A_1662 = vector.shape_cast %get3A_746 : vector<16xf32> to vector<1x1x16xf32>
        tpu.vector_store %arg5[%swap3A_1657, %swap3A_1658, %swap3A_1659], %swap3A_1662 {add = true, strides = array<i32>} : memref<12x8x1024xf32, #tpu.memory_space<vmem>>, vector<1x1x16xf32>,
        %add3A_1663 = arith.constant 0 : i32
        %add3A_1664 = arith.addi %mul3A_344, %add3A_1663 : i32
        %add3A_1665 = arith.constant 336 : i32
        %add3A_1666 = arith.addi %multiple_of3A, %add3A_1665 : i32
        %swap3A_1667 = arith.index_cast %add3A_1664 : i32 to index
        %swap3A_1668 = arith.index_cast %shift_right_arithmetic3A_598 : i32 to index
        %swap3A_1669 = arith.index_cast %add3A_1666 : i32 to index
        %swap3A_1670 = tpu.vector_load %arg5[%swap3A_1667, %swap3A_1668, %swap3A_1669] {strides = array<i32>} : memref<12x8x1024xf32, #tpu.memory_space<vmem>>, vector<1x1x16xf32>,
        %swap3A_1671 = vector.shape_cast %swap3A_1670 : vector<1x1x16xf32> to vector<16xf32>
        %swap3A_1672 = vector.shape_cast %get3A_753 : vector<16xf32> to vector<1x1x16xf32>
        tpu.vector_store %arg5[%swap3A_1667, %swap3A_1668, %swap3A_1669], %swap3A_1672 {add = true, strides = array<i32>} : memref<12x8x1024xf32, #tpu.memory_space<vmem>>, vector<1x1x16xf32>,
        %add3A_1673 = arith.constant 1 : i32
        %add3A_1674 = arith.addi %mul3A_344, %add3A_1673 : i32
        %add3A_1675 = arith.constant 336 : i32
        %add3A_1676 = arith.addi %multiple_of3A, %add3A_1675 : i32
        %swap3A_1677 = arith.index_cast %add3A_1674 : i32 to index
        %swap3A_1678 = arith.index_cast %shift_right_arithmetic3A_598 : i32 to index
        %swap3A_1679 = arith.index_cast %add3A_1676 : i32 to index
        %swap3A_1680 = tpu.vector_load %arg5[%swap3A_1677, %swap3A_1678, %swap3A_1679] {strides = array<i32>} : memref<12x8x1024xf32, #tpu.memory_space<vmem>>, vector<1x1x16xf32>,
        %swap3A_1681 = vector.shape_cast %swap3A_1680 : vector<1x1x16xf32> to vector<16xf32>
        %swap3A_1682 = vector.shape_cast %get3A_753 : vector<16xf32> to vector<1x1x16xf32>
        tpu.vector_store %arg5[%swap3A_1677, %swap3A_1678, %swap3A_1679], %swap3A_1682 {add = true, strides = array<i32>} : memref<12x8x1024xf32, #tpu.memory_space<vmem>>, vector<1x1x16xf32>,
        %add3A_1683 = arith.constant 2 : i32
        %add3A_1684 = arith.addi %mul3A_344, %add3A_1683 : i32
        %add3A_1685 = arith.constant 336 : i32
        %add3A_1686 = arith.addi %multiple_of3A, %add3A_1685 : i32
        %swap3A_1687 = arith.index_cast %add3A_1684 : i32 to index
        %swap3A_1688 = arith.index_cast %shift_right_arithmetic3A_598 : i32 to index
        %swap3A_1689 = arith.index_cast %add3A_1686 : i32 to index
        %swap3A_1690 = tpu.vector_load %arg5[%swap3A_1687, %swap3A_1688, %swap3A_1689] {strides = array<i32>} : memref<12x8x1024xf32, #tpu.memory_space<vmem>>, vector<1x1x16xf32>,
        %swap3A_1691 = vector.shape_cast %swap3A_1690 : vector<1x1x16xf32> to vector<16xf32>
        %swap3A_1692 = vector.shape_cast %get3A_753 : vector<16xf32> to vector<1x1x16xf32>
        tpu.vector_store %arg5[%swap3A_1687, %swap3A_1688, %swap3A_1689], %swap3A_1692 {add = true, strides = array<i32>} : memref<12x8x1024xf32, #tpu.memory_space<vmem>>, vector<1x1x16xf32>,
        %add3A_1693 = arith.constant 3 : i32
        %add3A_1694 = arith.addi %mul3A_344, %add3A_1693 : i32
        %add3A_1695 = arith.constant 336 : i32
        %add3A_1696 = arith.addi %multiple_of3A, %add3A_1695 : i32
        %swap3A_1697 = arith.index_cast %add3A_1694 : i32 to index
        %swap3A_1698 = arith.index_cast %shift_right_arithmetic3A_598 : i32 to index
        %swap3A_1699 = arith.index_cast %add3A_1696 : i32 to index
        %swap3A_1700 = tpu.vector_load %arg5[%swap3A_1697, %swap3A_1698, %swap3A_1699] {strides = array<i32>} : memref<12x8x1024xf32, #tpu.memory_space<vmem>>, vector<1x1x16xf32>,
        %swap3A_1701 = vector.shape_cast %swap3A_1700 : vector<1x1x16xf32> to vector<16xf32>
        %swap3A_1702 = vector.shape_cast %get3A_753 : vector<16xf32> to vector<1x1x16xf32>
        tpu.vector_store %arg5[%swap3A_1697, %swap3A_1698, %swap3A_1699], %swap3A_1702 {add = true, strides = array<i32>} : memref<12x8x1024xf32, #tpu.memory_space<vmem>>, vector<1x1x16xf32>,
        %add3A_1703 = arith.constant 0 : i32
        %add3A_1704 = arith.addi %mul3A_344, %add3A_1703 : i32
        %add3A_1705 = arith.constant 352 : i32
        %add3A_1706 = arith.addi %multiple_of3A, %add3A_1705 : i32
        %swap3A_1707 = arith.index_cast %add3A_1704 : i32 to index
        %swap3A_1708 = arith.index_cast %shift_right_arithmetic3A_598 : i32 to index
        %swap3A_1709 = arith.index_cast %add3A_1706 : i32 to index
        %swap3A_1710 = tpu.vector_load %arg5[%swap3A_1707, %swap3A_1708, %swap3A_1709] {strides = array<i32>} : memref<12x8x1024xf32, #tpu.memory_space<vmem>>, vector<1x1x16xf32>,
        %swap3A_1711 = vector.shape_cast %swap3A_1710 : vector<1x1x16xf32> to vector<16xf32>
        %swap3A_1712 = vector.shape_cast %get3A_760 : vector<16xf32> to vector<1x1x16xf32>
        tpu.vector_store %arg5[%swap3A_1707, %swap3A_1708, %swap3A_1709], %swap3A_1712 {add = true, strides = array<i32>} : memref<12x8x1024xf32, #tpu.memory_space<vmem>>, vector<1x1x16xf32>,
        %add3A_1713 = arith.constant 1 : i32
        %add3A_1714 = arith.addi %mul3A_344, %add3A_1713 : i32
        %add3A_1715 = arith.constant 352 : i32
        %add3A_1716 = arith.addi %multiple_of3A, %add3A_1715 : i32
        %swap3A_1717 = arith.index_cast %add3A_1714 : i32 to index
        %swap3A_1718 = arith.index_cast %shift_right_arithmetic3A_598 : i32 to index
        %swap3A_1719 = arith.index_cast %add3A_1716 : i32 to index
        %swap3A_1720 = tpu.vector_load %arg5[%swap3A_1717, %swap3A_1718, %swap3A_1719] {strides = array<i32>} : memref<12x8x1024xf32, #tpu.memory_space<vmem>>, vector<1x1x16xf32>,
        %swap3A_1721 = vector.shape_cast %swap3A_1720 : vector<1x1x16xf32> to vector<16xf32>
        %swap3A_1722 = vector.shape_cast %get3A_760 : vector<16xf32> to vector<1x1x16xf32>
        tpu.vector_store %arg5[%swap3A_1717, %swap3A_1718, %swap3A_1719], %swap3A_1722 {add = true, strides = array<i32>} : memref<12x8x1024xf32, #tpu.memory_space<vmem>>, vector<1x1x16xf32>,
        %add3A_1723 = arith.constant 2 : i32
        %add3A_1724 = arith.addi %mul3A_344, %add3A_1723 : i32
        %add3A_1725 = arith.constant 352 : i32
        %add3A_1726 = arith.addi %multiple_of3A, %add3A_1725 : i32
        %swap3A_1727 = arith.index_cast %add3A_1724 : i32 to index
        %swap3A_1728 = arith.index_cast %shift_right_arithmetic3A_598 : i32 to index
        %swap3A_1729 = arith.index_cast %add3A_1726 : i32 to index
        %swap3A_1730 = tpu.vector_load %arg5[%swap3A_1727, %swap3A_1728, %swap3A_1729] {strides = array<i32>} : memref<12x8x1024xf32, #tpu.memory_space<vmem>>, vector<1x1x16xf32>,
        %swap3A_1731 = vector.shape_cast %swap3A_1730 : vector<1x1x16xf32> to vector<16xf32>
        %swap3A_1732 = vector.shape_cast %get3A_760 : vector<16xf32> to vector<1x1x16xf32>
        tpu.vector_store %arg5[%swap3A_1727, %swap3A_1728, %swap3A_1729], %swap3A_1732 {add = true, strides = array<i32>} : memref<12x8x1024xf32, #tpu.memory_space<vmem>>, vector<1x1x16xf32>,
        %add3A_1733 = arith.constant 3 : i32
        %add3A_1734 = arith.addi %mul3A_344, %add3A_1733 : i32
        %add3A_1735 = arith.constant 352 : i32
        %add3A_1736 = arith.addi %multiple_of3A, %add3A_1735 : i32
        %swap3A_1737 = arith.index_cast %add3A_1734 : i32 to index
        %swap3A_1738 = arith.index_cast %shift_right_arithmetic3A_598 : i32 to index
        %swap3A_1739 = arith.index_cast %add3A_1736 : i32 to index
        %swap3A_1740 = tpu.vector_load %arg5[%swap3A_1737, %swap3A_1738, %swap3A_1739] {strides = array<i32>} : memref<12x8x1024xf32, #tpu.memory_space<vmem>>, vector<1x1x16xf32>,
        %swap3A_1741 = vector.shape_cast %swap3A_1740 : vector<1x1x16xf32> to vector<16xf32>
        %swap3A_1742 = vector.shape_cast %get3A_760 : vector<16xf32> to vector<1x1x16xf32>
        tpu.vector_store %arg5[%swap3A_1737, %swap3A_1738, %swap3A_1739], %swap3A_1742 {add = true, strides = array<i32>} : memref<12x8x1024xf32, #tpu.memory_space<vmem>>, vector<1x1x16xf32>,
        %add3A_1743 = arith.constant 0 : i32
        %add3A_1744 = arith.addi %mul3A_344, %add3A_1743 : i32
        %add3A_1745 = arith.constant 368 : i32
        %add3A_1746 = arith.addi %multiple_of3A, %add3A_1745 : i32
        %swap3A_1747 = arith.index_cast %add3A_1744 : i32 to index
        %swap3A_1748 = arith.index_cast %shift_right_arithmetic3A_598 : i32 to index
        %swap3A_1749 = arith.index_cast %add3A_1746 : i32 to index
        %swap3A_1750 = tpu.vector_load %arg5[%swap3A_1747, %swap3A_1748, %swap3A_1749] {strides = array<i32>} : memref<12x8x1024xf32, #tpu.memory_space<vmem>>, vector<1x1x16xf32>,
        %swap3A_1751 = vector.shape_cast %swap3A_1750 : vector<1x1x16xf32> to vector<16xf32>
        %swap3A_1752 = vector.shape_cast %get3A_767 : vector<16xf32> to vector<1x1x16xf32>
        tpu.vector_store %arg5[%swap3A_1747, %swap3A_1748, %swap3A_1749], %swap3A_1752 {add = true, strides = array<i32>} : memref<12x8x1024xf32, #tpu.memory_space<vmem>>, vector<1x1x16xf32>,
        %add3A_1753 = arith.constant 1 : i32
        %add3A_1754 = arith.addi %mul3A_344, %add3A_1753 : i32
        %add3A_1755 = arith.constant 368 : i32
        %add3A_1756 = arith.addi %multiple_of3A, %add3A_1755 : i32
        %swap3A_1757 = arith.index_cast %add3A_1754 : i32 to index
        %swap3A_1758 = arith.index_cast %shift_right_arithmetic3A_598 : i32 to index
        %swap3A_1759 = arith.index_cast %add3A_1756 : i32 to index
        %swap3A_1760 = tpu.vector_load %arg5[%swap3A_1757, %swap3A_1758, %swap3A_1759] {strides = array<i32>} : memref<12x8x1024xf32, #tpu.memory_space<vmem>>, vector<1x1x16xf32>,
        %swap3A_1761 = vector.shape_cast %swap3A_1760 : vector<1x1x16xf32> to vector<16xf32>
        %swap3A_1762 = vector.shape_cast %get3A_767 : vector<16xf32> to vector<1x1x16xf32>
        tpu.vector_store %arg5[%swap3A_1757, %swap3A_1758, %swap3A_1759], %swap3A_1762 {add = true, strides = array<i32>} : memref<12x8x1024xf32, #tpu.memory_space<vmem>>, vector<1x1x16xf32>,
        %add3A_1763 = arith.constant 2 : i32
        %add3A_1764 = arith.addi %mul3A_344, %add3A_1763 : i32
        %add3A_1765 = arith.constant 368 : i32
        %add3A_1766 = arith.addi %multiple_of3A, %add3A_1765 : i32
        %swap3A_1767 = arith.index_cast %add3A_1764 : i32 to index
        %swap3A_1768 = arith.index_cast %shift_right_arithmetic3A_598 : i32 to index
        %swap3A_1769 = arith.index_cast %add3A_1766 : i32 to index
        %swap3A_1770 = tpu.vector_load %arg5[%swap3A_1767, %swap3A_1768, %swap3A_1769] {strides = array<i32>} : memref<12x8x1024xf32, #tpu.memory_space<vmem>>, vector<1x1x16xf32>,
        %swap3A_1771 = vector.shape_cast %swap3A_1770 : vector<1x1x16xf32> to vector<16xf32>
        %swap3A_1772 = vector.shape_cast %get3A_767 : vector<16xf32> to vector<1x1x16xf32>
        tpu.vector_store %arg5[%swap3A_1767, %swap3A_1768, %swap3A_1769], %swap3A_1772 {add = true, strides = array<i32>} : memref<12x8x1024xf32, #tpu.memory_space<vmem>>, vector<1x1x16xf32>,
        %add3A_1773 = arith.constant 3 : i32
        %add3A_1774 = arith.addi %mul3A_344, %add3A_1773 : i32
        %add3A_1775 = arith.constant 368 : i32
        %add3A_1776 = arith.addi %multiple_of3A, %add3A_1775 : i32
        %swap3A_1777 = arith.index_cast %add3A_1774 : i32 to index
        %swap3A_1778 = arith.index_cast %shift_right_arithmetic3A_598 : i32 to index
        %swap3A_1779 = arith.index_cast %add3A_1776 : i32 to index
        %swap3A_1780 = tpu.vector_load %arg5[%swap3A_1777, %swap3A_1778, %swap3A_1779] {strides = array<i32>} : memref<12x8x1024xf32, #tpu.memory_space<vmem>>, vector<1x1x16xf32>,
        %swap3A_1781 = vector.shape_cast %swap3A_1780 : vector<1x1x16xf32> to vector<16xf32>
        %swap3A_1782 = vector.shape_cast %get3A_767 : vector<16xf32> to vector<1x1x16xf32>
        tpu.vector_store %arg5[%swap3A_1777, %swap3A_1778, %swap3A_1779], %swap3A_1782 {add = true, strides = array<i32>} : memref<12x8x1024xf32, #tpu.memory_space<vmem>>, vector<1x1x16xf32>,
        %add3A_1783 = arith.constant 0 : i32
        %add3A_1784 = arith.addi %mul3A_344, %add3A_1783 : i32
        %add3A_1785 = arith.constant 384 : i32
        %add3A_1786 = arith.addi %multiple_of3A, %add3A_1785 : i32
        %swap3A_1787 = arith.index_cast %add3A_1784 : i32 to index
        %swap3A_1788 = arith.index_cast %shift_right_arithmetic3A_598 : i32 to index
        %swap3A_1789 = arith.index_cast %add3A_1786 : i32 to index
        %swap3A_1790 = tpu.vector_load %arg5[%swap3A_1787, %swap3A_1788, %swap3A_1789] {strides = array<i32>} : memref<12x8x1024xf32, #tpu.memory_space<vmem>>, vector<1x1x16xf32>,
        %swap3A_1791 = vector.shape_cast %swap3A_1790 : vector<1x1x16xf32> to vector<16xf32>
        %swap3A_1792 = vector.shape_cast %get3A_774 : vector<16xf32> to vector<1x1x16xf32>
        tpu.vector_store %arg5[%swap3A_1787, %swap3A_1788, %swap3A_1789], %swap3A_1792 {add = true, strides = array<i32>} : memref<12x8x1024xf32, #tpu.memory_space<vmem>>, vector<1x1x16xf32>,
        %add3A_1793 = arith.constant 1 : i32
        %add3A_1794 = arith.addi %mul3A_344, %add3A_1793 : i32
        %add3A_1795 = arith.constant 384 : i32
        %add3A_1796 = arith.addi %multiple_of3A, %add3A_1795 : i32
        %swap3A_1797 = arith.index_cast %add3A_1794 : i32 to index
        %swap3A_1798 = arith.index_cast %shift_right_arithmetic3A_598 : i32 to index
        %swap3A_1799 = arith.index_cast %add3A_1796 : i32 to index
        %swap3A_1800 = tpu.vector_load %arg5[%swap3A_1797, %swap3A_1798, %swap3A_1799] {strides = array<i32>} : memref<12x8x1024xf32, #tpu.memory_space<vmem>>, vector<1x1x16xf32>,
        %swap3A_1801 = vector.shape_cast %swap3A_1800 : vector<1x1x16xf32> to vector<16xf32>
        %swap3A_1802 = vector.shape_cast %get3A_774 : vector<16xf32> to vector<1x1x16xf32>
        tpu.vector_store %arg5[%swap3A_1797, %swap3A_1798, %swap3A_1799], %swap3A_1802 {add = true, strides = array<i32>} : memref<12x8x1024xf32, #tpu.memory_space<vmem>>, vector<1x1x16xf32>,
        %add3A_1803 = arith.constant 2 : i32
        %add3A_1804 = arith.addi %mul3A_344, %add3A_1803 : i32
        %add3A_1805 = arith.constant 384 : i32
        %add3A_1806 = arith.addi %multiple_of3A, %add3A_1805 : i32
        %swap3A_1807 = arith.index_cast %add3A_1804 : i32 to index
        %swap3A_1808 = arith.index_cast %shift_right_arithmetic3A_598 : i32 to index
        %swap3A_1809 = arith.index_cast %add3A_1806 : i32 to index
        %swap3A_1810 = tpu.vector_load %arg5[%swap3A_1807, %swap3A_1808, %swap3A_1809] {strides = array<i32>} : memref<12x8x1024xf32, #tpu.memory_space<vmem>>, vector<1x1x16xf32>,
        %swap3A_1811 = vector.shape_cast %swap3A_1810 : vector<1x1x16xf32> to vector<16xf32>
        %swap3A_1812 = vector.shape_cast %get3A_774 : vector<16xf32> to vector<1x1x16xf32>
        tpu.vector_store %arg5[%swap3A_1807, %swap3A_1808, %swap3A_1809], %swap3A_1812 {add = true, strides = array<i32>} : memref<12x8x1024xf32, #tpu.memory_space<vmem>>, vector<1x1x16xf32>,
        %add3A_1813 = arith.constant 3 : i32
        %add3A_1814 = arith.addi %mul3A_344, %add3A_1813 : i32
        %add3A_1815 = arith.constant 384 : i32
        %add3A_1816 = arith.addi %multiple_of3A, %add3A_1815 : i32
        %swap3A_1817 = arith.index_cast %add3A_1814 : i32 to index
        %swap3A_1818 = arith.index_cast %shift_right_arithmetic3A_598 : i32 to index
        %swap3A_1819 = arith.index_cast %add3A_1816 : i32 to index
        %swap3A_1820 = tpu.vector_load %arg5[%swap3A_1817, %swap3A_1818, %swap3A_1819] {strides = array<i32>} : memref<12x8x1024xf32, #tpu.memory_space<vmem>>, vector<1x1x16xf32>,
        %swap3A_1821 = vector.shape_cast %swap3A_1820 : vector<1x1x16xf32> to vector<16xf32>
        %swap3A_1822 = vector.shape_cast %get3A_774 : vector<16xf32> to vector<1x1x16xf32>
        tpu.vector_store %arg5[%swap3A_1817, %swap3A_1818, %swap3A_1819], %swap3A_1822 {add = true, strides = array<i32>} : memref<12x8x1024xf32, #tpu.memory_space<vmem>>, vector<1x1x16xf32>,
        %add3A_1823 = arith.constant 0 : i32
        %add3A_1824 = arith.addi %mul3A_344, %add3A_1823 : i32
        %add3A_1825 = arith.constant 400 : i32
        %add3A_1826 = arith.addi %multiple_of3A, %add3A_1825 : i32
        %swap3A_1827 = arith.index_cast %add3A_1824 : i32 to index
        %swap3A_1828 = arith.index_cast %shift_right_arithmetic3A_598 : i32 to index
        %swap3A_1829 = arith.index_cast %add3A_1826 : i32 to index
        %swap3A_1830 = tpu.vector_load %arg5[%swap3A_1827, %swap3A_1828, %swap3A_1829] {strides = array<i32>} : memref<12x8x1024xf32, #tpu.memory_space<vmem>>, vector<1x1x16xf32>,
        %swap3A_1831 = vector.shape_cast %swap3A_1830 : vector<1x1x16xf32> to vector<16xf32>
        %swap3A_1832 = vector.shape_cast %get3A_781 : vector<16xf32> to vector<1x1x16xf32>
        tpu.vector_store %arg5[%swap3A_1827, %swap3A_1828, %swap3A_1829], %swap3A_1832 {add = true, strides = array<i32>} : memref<12x8x1024xf32, #tpu.memory_space<vmem>>, vector<1x1x16xf32>,
        %add3A_1833 = arith.constant 1 : i32
        %add3A_1834 = arith.addi %mul3A_344, %add3A_1833 : i32
        %add3A_1835 = arith.constant 400 : i32
        %add3A_1836 = arith.addi %multiple_of3A, %add3A_1835 : i32
        %swap3A_1837 = arith.index_cast %add3A_1834 : i32 to index
        %swap3A_1838 = arith.index_cast %shift_right_arithmetic3A_598 : i32 to index
        %swap3A_1839 = arith.index_cast %add3A_1836 : i32 to index
        %swap3A_1840 = tpu.vector_load %arg5[%swap3A_1837, %swap3A_1838, %swap3A_1839] {strides = array<i32>} : memref<12x8x1024xf32, #tpu.memory_space<vmem>>, vector<1x1x16xf32>,
        %swap3A_1841 = vector.shape_cast %swap3A_1840 : vector<1x1x16xf32> to vector<16xf32>
        %swap3A_1842 = vector.shape_cast %get3A_781 : vector<16xf32> to vector<1x1x16xf32>
        tpu.vector_store %arg5[%swap3A_1837, %swap3A_1838, %swap3A_1839], %swap3A_1842 {add = true, strides = array<i32>} : memref<12x8x1024xf32, #tpu.memory_space<vmem>>, vector<1x1x16xf32>,
        %add3A_1843 = arith.constant 2 : i32
        %add3A_1844 = arith.addi %mul3A_344, %add3A_1843 : i32
        %add3A_1845 = arith.constant 400 : i32
        %add3A_1846 = arith.addi %multiple_of3A, %add3A_1845 : i32
        %swap3A_1847 = arith.index_cast %add3A_1844 : i32 to index
        %swap3A_1848 = arith.index_cast %shift_right_arithmetic3A_598 : i32 to index
        %swap3A_1849 = arith.index_cast %add3A_1846 : i32 to index
        %swap3A_1850 = tpu.vector_load %arg5[%swap3A_1847, %swap3A_1848, %swap3A_1849] {strides = array<i32>} : memref<12x8x1024xf32, #tpu.memory_space<vmem>>, vector<1x1x16xf32>,
        %swap3A_1851 = vector.shape_cast %swap3A_1850 : vector<1x1x16xf32> to vector<16xf32>
        %swap3A_1852 = vector.shape_cast %get3A_781 : vector<16xf32> to vector<1x1x16xf32>
        tpu.vector_store %arg5[%swap3A_1847, %swap3A_1848, %swap3A_1849], %swap3A_1852 {add = true, strides = array<i32>} : memref<12x8x1024xf32, #tpu.memory_space<vmem>>, vector<1x1x16xf32>,
        %add3A_1853 = arith.constant 3 : i32
        %add3A_1854 = arith.addi %mul3A_344, %add3A_1853 : i32
        %add3A_1855 = arith.constant 400 : i32
        %add3A_1856 = arith.addi %multiple_of3A, %add3A_1855 : i32
        %swap3A_1857 = arith.index_cast %add3A_1854 : i32 to index
        %swap3A_1858 = arith.index_cast %shift_right_arithmetic3A_598 : i32 to index
        %swap3A_1859 = arith.index_cast %add3A_1856 : i32 to index
        %swap3A_1860 = tpu.vector_load %arg5[%swap3A_1857, %swap3A_1858, %swap3A_1859] {strides = array<i32>} : memref<12x8x1024xf32, #tpu.memory_space<vmem>>, vector<1x1x16xf32>,
        %swap3A_1861 = vector.shape_cast %swap3A_1860 : vector<1x1x16xf32> to vector<16xf32>
        %swap3A_1862 = vector.shape_cast %get3A_781 : vector<16xf32> to vector<1x1x16xf32>
        tpu.vector_store %arg5[%swap3A_1857, %swap3A_1858, %swap3A_1859], %swap3A_1862 {add = true, strides = array<i32>} : memref<12x8x1024xf32, #tpu.memory_space<vmem>>, vector<1x1x16xf32>,
        %add3A_1863 = arith.constant 0 : i32
        %add3A_1864 = arith.addi %mul3A_344, %add3A_1863 : i32
        %add3A_1865 = arith.constant 416 : i32
        %add3A_1866 = arith.addi %multiple_of3A, %add3A_1865 : i32
        %swap3A_1867 = arith.index_cast %add3A_1864 : i32 to index
        %swap3A_1868 = arith.index_cast %shift_right_arithmetic3A_598 : i32 to index
        %swap3A_1869 = arith.index_cast %add3A_1866 : i32 to index
        %swap3A_1870 = tpu.vector_load %arg5[%swap3A_1867, %swap3A_1868, %swap3A_1869] {strides = array<i32>} : memref<12x8x1024xf32, #tpu.memory_space<vmem>>, vector<1x1x16xf32>,
        %swap3A_1871 = vector.shape_cast %swap3A_1870 : vector<1x1x16xf32> to vector<16xf32>
        %swap3A_1872 = vector.shape_cast %get3A_788 : vector<16xf32> to vector<1x1x16xf32>
        tpu.vector_store %arg5[%swap3A_1867, %swap3A_1868, %swap3A_1869], %swap3A_1872 {add = true, strides = array<i32>} : memref<12x8x1024xf32, #tpu.memory_space<vmem>>, vector<1x1x16xf32>,
        %add3A_1873 = arith.constant 1 : i32
        %add3A_1874 = arith.addi %mul3A_344, %add3A_1873 : i32
        %add3A_1875 = arith.constant 416 : i32
        %add3A_1876 = arith.addi %multiple_of3A, %add3A_1875 : i32
        %swap3A_1877 = arith.index_cast %add3A_1874 : i32 to index
        %swap3A_1878 = arith.index_cast %shift_right_arithmetic3A_598 : i32 to index
        %swap3A_1879 = arith.index_cast %add3A_1876 : i32 to index
        %swap3A_1880 = tpu.vector_load %arg5[%swap3A_1877, %swap3A_1878, %swap3A_1879] {strides = array<i32>} : memref<12x8x1024xf32, #tpu.memory_space<vmem>>, vector<1x1x16xf32>,
        %swap3A_1881 = vector.shape_cast %swap3A_1880 : vector<1x1x16xf32> to vector<16xf32>
        %swap3A_1882 = vector.shape_cast %get3A_788 : vector<16xf32> to vector<1x1x16xf32>
        tpu.vector_store %arg5[%swap3A_1877, %swap3A_1878, %swap3A_1879], %swap3A_1882 {add = true, strides = array<i32>} : memref<12x8x1024xf32, #tpu.memory_space<vmem>>, vector<1x1x16xf32>,
        %add3A_1883 = arith.constant 2 : i32
        %add3A_1884 = arith.addi %mul3A_344, %add3A_1883 : i32
        %add3A_1885 = arith.constant 416 : i32
        %add3A_1886 = arith.addi %multiple_of3A, %add3A_1885 : i32
        %swap3A_1887 = arith.index_cast %add3A_1884 : i32 to index
        %swap3A_1888 = arith.index_cast %shift_right_arithmetic3A_598 : i32 to index
        %swap3A_1889 = arith.index_cast %add3A_1886 : i32 to index
        %swap3A_1890 = tpu.vector_load %arg5[%swap3A_1887, %swap3A_1888, %swap3A_1889] {strides = array<i32>} : memref<12x8x1024xf32, #tpu.memory_space<vmem>>, vector<1x1x16xf32>,
        %swap3A_1891 = vector.shape_cast %swap3A_1890 : vector<1x1x16xf32> to vector<16xf32>
        %swap3A_1892 = vector.shape_cast %get3A_788 : vector<16xf32> to vector<1x1x16xf32>
        tpu.vector_store %arg5[%swap3A_1887, %swap3A_1888, %swap3A_1889], %swap3A_1892 {add = true, strides = array<i32>} : memref<12x8x1024xf32, #tpu.memory_space<vmem>>, vector<1x1x16xf32>,
        %add3A_1893 = arith.constant 3 : i32
        %add3A_1894 = arith.addi %mul3A_344, %add3A_1893 : i32
        %add3A_1895 = arith.constant 416 : i32
        %add3A_1896 = arith.addi %multiple_of3A, %add3A_1895 : i32
        %swap3A_1897 = arith.index_cast %add3A_1894 : i32 to index
        %swap3A_1898 = arith.index_cast %shift_right_arithmetic3A_598 : i32 to index
        %swap3A_1899 = arith.index_cast %add3A_1896 : i32 to index
        %swap3A_1900 = tpu.vector_load %arg5[%swap3A_1897, %swap3A_1898, %swap3A_1899] {strides = array<i32>} : memref<12x8x1024xf32, #tpu.memory_space<vmem>>, vector<1x1x16xf32>,
        %swap3A_1901 = vector.shape_cast %swap3A_1900 : vector<1x1x16xf32> to vector<16xf32>
        %swap3A_1902 = vector.shape_cast %get3A_788 : vector<16xf32> to vector<1x1x16xf32>
        tpu.vector_store %arg5[%swap3A_1897, %swap3A_1898, %swap3A_1899], %swap3A_1902 {add = true, strides = array<i32>} : memref<12x8x1024xf32, #tpu.memory_space<vmem>>, vector<1x1x16xf32>,
        %add3A_1903 = arith.constant 0 : i32
        %add3A_1904 = arith.addi %mul3A_344, %add3A_1903 : i32
        %add3A_1905 = arith.constant 432 : i32
        %add3A_1906 = arith.addi %multiple_of3A, %add3A_1905 : i32
        %swap3A_1907 = arith.index_cast %add3A_1904 : i32 to index
        %swap3A_1908 = arith.index_cast %shift_right_arithmetic3A_598 : i32 to index
        %swap3A_1909 = arith.index_cast %add3A_1906 : i32 to index
        %swap3A_1910 = tpu.vector_load %arg5[%swap3A_1907, %swap3A_1908, %swap3A_1909] {strides = array<i32>} : memref<12x8x1024xf32, #tpu.memory_space<vmem>>, vector<1x1x16xf32>,
        %swap3A_1911 = vector.shape_cast %swap3A_1910 : vector<1x1x16xf32> to vector<16xf32>
        %swap3A_1912 = vector.shape_cast %get3A_795 : vector<16xf32> to vector<1x1x16xf32>
        tpu.vector_store %arg5[%swap3A_1907, %swap3A_1908, %swap3A_1909], %swap3A_1912 {add = true, strides = array<i32>} : memref<12x8x1024xf32, #tpu.memory_space<vmem>>, vector<1x1x16xf32>,
        %add3A_1913 = arith.constant 1 : i32
        %add3A_1914 = arith.addi %mul3A_344, %add3A_1913 : i32
        %add3A_1915 = arith.constant 432 : i32
        %add3A_1916 = arith.addi %multiple_of3A, %add3A_1915 : i32
        %swap3A_1917 = arith.index_cast %add3A_1914 : i32 to index
        %swap3A_1918 = arith.index_cast %shift_right_arithmetic3A_598 : i32 to index
        %swap3A_1919 = arith.index_cast %add3A_1916 : i32 to index
        %swap3A_1920 = tpu.vector_load %arg5[%swap3A_1917, %swap3A_1918, %swap3A_1919] {strides = array<i32>} : memref<12x8x1024xf32, #tpu.memory_space<vmem>>, vector<1x1x16xf32>,
        %swap3A_1921 = vector.shape_cast %swap3A_1920 : vector<1x1x16xf32> to vector<16xf32>
        %swap3A_1922 = vector.shape_cast %get3A_795 : vector<16xf32> to vector<1x1x16xf32>
        tpu.vector_store %arg5[%swap3A_1917, %swap3A_1918, %swap3A_1919], %swap3A_1922 {add = true, strides = array<i32>} : memref<12x8x1024xf32, #tpu.memory_space<vmem>>, vector<1x1x16xf32>,
        %add3A_1923 = arith.constant 2 : i32
        %add3A_1924 = arith.addi %mul3A_344, %add3A_1923 : i32
        %add3A_1925 = arith.constant 432 : i32
        %add3A_1926 = arith.addi %multiple_of3A, %add3A_1925 : i32
        %swap3A_1927 = arith.index_cast %add3A_1924 : i32 to index
        %swap3A_1928 = arith.index_cast %shift_right_arithmetic3A_598 : i32 to index
        %swap3A_1929 = arith.index_cast %add3A_1926 : i32 to index
        %swap3A_1930 = tpu.vector_load %arg5[%swap3A_1927, %swap3A_1928, %swap3A_1929] {strides = array<i32>} : memref<12x8x1024xf32, #tpu.memory_space<vmem>>, vector<1x1x16xf32>,
        %swap3A_1931 = vector.shape_cast %swap3A_1930 : vector<1x1x16xf32> to vector<16xf32>
        %swap3A_1932 = vector.shape_cast %get3A_795 : vector<16xf32> to vector<1x1x16xf32>
        tpu.vector_store %arg5[%swap3A_1927, %swap3A_1928, %swap3A_1929], %swap3A_1932 {add = true, strides = array<i32>} : memref<12x8x1024xf32, #tpu.memory_space<vmem>>, vector<1x1x16xf32>,
        %add3A_1933 = arith.constant 3 : i32
        %add3A_1934 = arith.addi %mul3A_344, %add3A_1933 : i32
        %add3A_1935 = arith.constant 432 : i32
        %add3A_1936 = arith.addi %multiple_of3A, %add3A_1935 : i32
        %swap3A_1937 = arith.index_cast %add3A_1934 : i32 to index
        %swap3A_1938 = arith.index_cast %shift_right_arithmetic3A_598 : i32 to index
        %swap3A_1939 = arith.index_cast %add3A_1936 : i32 to index
        %swap3A_1940 = tpu.vector_load %arg5[%swap3A_1937, %swap3A_1938, %swap3A_1939] {strides = array<i32>} : memref<12x8x1024xf32, #tpu.memory_space<vmem>>, vector<1x1x16xf32>,
        %swap3A_1941 = vector.shape_cast %swap3A_1940 : vector<1x1x16xf32> to vector<16xf32>
        %swap3A_1942 = vector.shape_cast %get3A_795 : vector<16xf32> to vector<1x1x16xf32>
        tpu.vector_store %arg5[%swap3A_1937, %swap3A_1938, %swap3A_1939], %swap3A_1942 {add = true, strides = array<i32>} : memref<12x8x1024xf32, #tpu.memory_space<vmem>>, vector<1x1x16xf32>,
        %add3A_1943 = arith.constant 0 : i32
        %add3A_1944 = arith.addi %mul3A_344, %add3A_1943 : i32
        %add3A_1945 = arith.constant 448 : i32
        %add3A_1946 = arith.addi %multiple_of3A, %add3A_1945 : i32
        %swap3A_1947 = arith.index_cast %add3A_1944 : i32 to index
        %swap3A_1948 = arith.index_cast %shift_right_arithmetic3A_598 : i32 to index
        %swap3A_1949 = arith.index_cast %add3A_1946 : i32 to index
        %swap3A_1950 = tpu.vector_load %arg5[%swap3A_1947, %swap3A_1948, %swap3A_1949] {strides = array<i32>} : memref<12x8x1024xf32, #tpu.memory_space<vmem>>, vector<1x1x16xf32>,
        %swap3A_1951 = vector.shape_cast %swap3A_1950 : vector<1x1x16xf32> to vector<16xf32>
        %swap3A_1952 = vector.shape_cast %get3A_802 : vector<16xf32> to vector<1x1x16xf32>
        tpu.vector_store %arg5[%swap3A_1947, %swap3A_1948, %swap3A_1949], %swap3A_1952 {add = true, strides = array<i32>} : memref<12x8x1024xf32, #tpu.memory_space<vmem>>, vector<1x1x16xf32>,
        %add3A_1953 = arith.constant 1 : i32
        %add3A_1954 = arith.addi %mul3A_344, %add3A_1953 : i32
        %add3A_1955 = arith.constant 448 : i32
        %add3A_1956 = arith.addi %multiple_of3A, %add3A_1955 : i32
        %swap3A_1957 = arith.index_cast %add3A_1954 : i32 to index
        %swap3A_1958 = arith.index_cast %shift_right_arithmetic3A_598 : i32 to index
        %swap3A_1959 = arith.index_cast %add3A_1956 : i32 to index
        %swap3A_1960 = tpu.vector_load %arg5[%swap3A_1957, %swap3A_1958, %swap3A_1959] {strides = array<i32>} : memref<12x8x1024xf32, #tpu.memory_space<vmem>>, vector<1x1x16xf32>,
        %swap3A_1961 = vector.shape_cast %swap3A_1960 : vector<1x1x16xf32> to vector<16xf32>
        %swap3A_1962 = vector.shape_cast %get3A_802 : vector<16xf32> to vector<1x1x16xf32>
        tpu.vector_store %arg5[%swap3A_1957, %swap3A_1958, %swap3A_1959], %swap3A_1962 {add = true, strides = array<i32>} : memref<12x8x1024xf32, #tpu.memory_space<vmem>>, vector<1x1x16xf32>,
        %add3A_1963 = arith.constant 2 : i32
        %add3A_1964 = arith.addi %mul3A_344, %add3A_1963 : i32
        %add3A_1965 = arith.constant 448 : i32
        %add3A_1966 = arith.addi %multiple_of3A, %add3A_1965 : i32
        %swap3A_1967 = arith.index_cast %add3A_1964 : i32 to index
        %swap3A_1968 = arith.index_cast %shift_right_arithmetic3A_598 : i32 to index
        %swap3A_1969 = arith.index_cast %add3A_1966 : i32 to index
        %swap3A_1970 = tpu.vector_load %arg5[%swap3A_1967, %swap3A_1968, %swap3A_1969] {strides = array<i32>} : memref<12x8x1024xf32, #tpu.memory_space<vmem>>, vector<1x1x16xf32>,
        %swap3A_1971 = vector.shape_cast %swap3A_1970 : vector<1x1x16xf32> to vector<16xf32>
        %swap3A_1972 = vector.shape_cast %get3A_802 : vector<16xf32> to vector<1x1x16xf32>
        tpu.vector_store %arg5[%swap3A_1967, %swap3A_1968, %swap3A_1969], %swap3A_1972 {add = true, strides = array<i32>} : memref<12x8x1024xf32, #tpu.memory_space<vmem>>, vector<1x1x16xf32>,
        %add3A_1973 = arith.constant 3 : i32
        %add3A_1974 = arith.addi %mul3A_344, %add3A_1973 : i32
        %add3A_1975 = arith.constant 448 : i32
        %add3A_1976 = arith.addi %multiple_of3A, %add3A_1975 : i32
        %swap3A_1977 = arith.index_cast %add3A_1974 : i32 to index
        %swap3A_1978 = arith.index_cast %shift_right_arithmetic3A_598 : i32 to index
        %swap3A_1979 = arith.index_cast %add3A_1976 : i32 to index
        %swap3A_1980 = tpu.vector_load %arg5[%swap3A_1977, %swap3A_1978, %swap3A_1979] {strides = array<i32>} : memref<12x8x1024xf32, #tpu.memory_space<vmem>>, vector<1x1x16xf32>,
        %swap3A_1981 = vector.shape_cast %swap3A_1980 : vector<1x1x16xf32> to vector<16xf32>
        %swap3A_1982 = vector.shape_cast %get3A_802 : vector<16xf32> to vector<1x1x16xf32>
        tpu.vector_store %arg5[%swap3A_1977, %swap3A_1978, %swap3A_1979], %swap3A_1982 {add = true, strides = array<i32>} : memref<12x8x1024xf32, #tpu.memory_space<vmem>>, vector<1x1x16xf32>,
        %add3A_1983 = arith.constant 0 : i32
        %add3A_1984 = arith.addi %mul3A_344, %add3A_1983 : i32
        %add3A_1985 = arith.constant 464 : i32
        %add3A_1986 = arith.addi %multiple_of3A, %add3A_1985 : i32
        %swap3A_1987 = arith.index_cast %add3A_1984 : i32 to index
        %swap3A_1988 = arith.index_cast %shift_right_arithmetic3A_598 : i32 to index
        %swap3A_1989 = arith.index_cast %add3A_1986 : i32 to index
        %swap3A_1990 = tpu.vector_load %arg5[%swap3A_1987, %swap3A_1988, %swap3A_1989] {strides = array<i32>} : memref<12x8x1024xf32, #tpu.memory_space<vmem>>, vector<1x1x16xf32>,
        %swap3A_1991 = vector.shape_cast %swap3A_1990 : vector<1x1x16xf32> to vector<16xf32>
        %swap3A_1992 = vector.shape_cast %get3A_809 : vector<16xf32> to vector<1x1x16xf32>
        tpu.vector_store %arg5[%swap3A_1987, %swap3A_1988, %swap3A_1989], %swap3A_1992 {add = true, strides = array<i32>} : memref<12x8x1024xf32, #tpu.memory_space<vmem>>, vector<1x1x16xf32>,
        %add3A_1993 = arith.constant 1 : i32
        %add3A_1994 = arith.addi %mul3A_344, %add3A_1993 : i32
        %add3A_1995 = arith.constant 464 : i32
        %add3A_1996 = arith.addi %multiple_of3A, %add3A_1995 : i32
        %swap3A_1997 = arith.index_cast %add3A_1994 : i32 to index
        %swap3A_1998 = arith.index_cast %shift_right_arithmetic3A_598 : i32 to index
        %swap3A_1999 = arith.index_cast %add3A_1996 : i32 to index
        %swap3A_2000 = tpu.vector_load %arg5[%swap3A_1997, %swap3A_1998, %swap3A_1999] {strides = array<i32>} : memref<12x8x1024xf32, #tpu.memory_space<vmem>>, vector<1x1x16xf32>,
        %swap3A_2001 = vector.shape_cast %swap3A_2000 : vector<1x1x16xf32> to vector<16xf32>
        %swap3A_2002 = vector.shape_cast %get3A_809 : vector<16xf32> to vector<1x1x16xf32>
        tpu.vector_store %arg5[%swap3A_1997, %swap3A_1998, %swap3A_1999], %swap3A_2002 {add = true, strides = array<i32>} : memref<12x8x1024xf32, #tpu.memory_space<vmem>>, vector<1x1x16xf32>,
        %add3A_2003 = arith.constant 2 : i32
        %add3A_2004 = arith.addi %mul3A_344, %add3A_2003 : i32
        %add3A_2005 = arith.constant 464 : i32
        %add3A_2006 = arith.addi %multiple_of3A, %add3A_2005 : i32
        %swap3A_2007 = arith.index_cast %add3A_2004 : i32 to index
        %swap3A_2008 = arith.index_cast %shift_right_arithmetic3A_598 : i32 to index
        %swap3A_2009 = arith.index_cast %add3A_2006 : i32 to index
        %swap3A_2010 = tpu.vector_load %arg5[%swap3A_2007, %swap3A_2008, %swap3A_2009] {strides = array<i32>} : memref<12x8x1024xf32, #tpu.memory_space<vmem>>, vector<1x1x16xf32>,
        %swap3A_2011 = vector.shape_cast %swap3A_2010 : vector<1x1x16xf32> to vector<16xf32>
        %swap3A_2012 = vector.shape_cast %get3A_809 : vector<16xf32> to vector<1x1x16xf32>
        tpu.vector_store %arg5[%swap3A_2007, %swap3A_2008, %swap3A_2009], %swap3A_2012 {add = true, strides = array<i32>} : memref<12x8x1024xf32, #tpu.memory_space<vmem>>, vector<1x1x16xf32>,
        %add3A_2013 = arith.constant 3 : i32
        %add3A_2014 = arith.addi %mul3A_344, %add3A_2013 : i32
        %add3A_2015 = arith.constant 464 : i32
        %add3A_2016 = arith.addi %multiple_of3A, %add3A_2015 : i32
        %swap3A_2017 = arith.index_cast %add3A_2014 : i32 to index
        %swap3A_2018 = arith.index_cast %shift_right_arithmetic3A_598 : i32 to index
        %swap3A_2019 = arith.index_cast %add3A_2016 : i32 to index
        %swap3A_2020 = tpu.vector_load %arg5[%swap3A_2017, %swap3A_2018, %swap3A_2019] {strides = array<i32>} : memref<12x8x1024xf32, #tpu.memory_space<vmem>>, vector<1x1x16xf32>,
        %swap3A_2021 = vector.shape_cast %swap3A_2020 : vector<1x1x16xf32> to vector<16xf32>
        %swap3A_2022 = vector.shape_cast %get3A_809 : vector<16xf32> to vector<1x1x16xf32>
        tpu.vector_store %arg5[%swap3A_2017, %swap3A_2018, %swap3A_2019], %swap3A_2022 {add = true, strides = array<i32>} : memref<12x8x1024xf32, #tpu.memory_space<vmem>>, vector<1x1x16xf32>,
        %add3A_2023 = arith.constant 0 : i32
        %add3A_2024 = arith.addi %mul3A_344, %add3A_2023 : i32
        %add3A_2025 = arith.constant 480 : i32
        %add3A_2026 = arith.addi %multiple_of3A, %add3A_2025 : i32
        %swap3A_2027 = arith.index_cast %add3A_2024 : i32 to index
        %swap3A_2028 = arith.index_cast %shift_right_arithmetic3A_598 : i32 to index
        %swap3A_2029 = arith.index_cast %add3A_2026 : i32 to index
        %swap3A_2030 = tpu.vector_load %arg5[%swap3A_2027, %swap3A_2028, %swap3A_2029] {strides = array<i32>} : memref<12x8x1024xf32, #tpu.memory_space<vmem>>, vector<1x1x16xf32>,
        %swap3A_2031 = vector.shape_cast %swap3A_2030 : vector<1x1x16xf32> to vector<16xf32>
        %swap3A_2032 = vector.shape_cast %get3A_816 : vector<16xf32> to vector<1x1x16xf32>
        tpu.vector_store %arg5[%swap3A_2027, %swap3A_2028, %swap3A_2029], %swap3A_2032 {add = true, strides = array<i32>} : memref<12x8x1024xf32, #tpu.memory_space<vmem>>, vector<1x1x16xf32>,
        %add3A_2033 = arith.constant 1 : i32
        %add3A_2034 = arith.addi %mul3A_344, %add3A_2033 : i32
        %add3A_2035 = arith.constant 480 : i32
        %add3A_2036 = arith.addi %multiple_of3A, %add3A_2035 : i32
        %swap3A_2037 = arith.index_cast %add3A_2034 : i32 to index
        %swap3A_2038 = arith.index_cast %shift_right_arithmetic3A_598 : i32 to index
        %swap3A_2039 = arith.index_cast %add3A_2036 : i32 to index
        %swap3A_2040 = tpu.vector_load %arg5[%swap3A_2037, %swap3A_2038, %swap3A_2039] {strides = array<i32>} : memref<12x8x1024xf32, #tpu.memory_space<vmem>>, vector<1x1x16xf32>,
        %swap3A_2041 = vector.shape_cast %swap3A_2040 : vector<1x1x16xf32> to vector<16xf32>
        %swap3A_2042 = vector.shape_cast %get3A_816 : vector<16xf32> to vector<1x1x16xf32>
        tpu.vector_store %arg5[%swap3A_2037, %swap3A_2038, %swap3A_2039], %swap3A_2042 {add = true, strides = array<i32>} : memref<12x8x1024xf32, #tpu.memory_space<vmem>>, vector<1x1x16xf32>,
        %add3A_2043 = arith.constant 2 : i32
        %add3A_2044 = arith.addi %mul3A_344, %add3A_2043 : i32
        %add3A_2045 = arith.constant 480 : i32
        %add3A_2046 = arith.addi %multiple_of3A, %add3A_2045 : i32
        %swap3A_2047 = arith.index_cast %add3A_2044 : i32 to index
        %swap3A_2048 = arith.index_cast %shift_right_arithmetic3A_598 : i32 to index
        %swap3A_2049 = arith.index_cast %add3A_2046 : i32 to index
        %swap3A_2050 = tpu.vector_load %arg5[%swap3A_2047, %swap3A_2048, %swap3A_2049] {strides = array<i32>} : memref<12x8x1024xf32, #tpu.memory_space<vmem>>, vector<1x1x16xf32>,
        %swap3A_2051 = vector.shape_cast %swap3A_2050 : vector<1x1x16xf32> to vector<16xf32>
        %swap3A_2052 = vector.shape_cast %get3A_816 : vector<16xf32> to vector<1x1x16xf32>
        tpu.vector_store %arg5[%swap3A_2047, %swap3A_2048, %swap3A_2049], %swap3A_2052 {add = true, strides = array<i32>} : memref<12x8x1024xf32, #tpu.memory_space<vmem>>, vector<1x1x16xf32>,
        %add3A_2053 = arith.constant 3 : i32
        %add3A_2054 = arith.addi %mul3A_344, %add3A_2053 : i32
        %add3A_2055 = arith.constant 480 : i32
        %add3A_2056 = arith.addi %multiple_of3A, %add3A_2055 : i32
        %swap3A_2057 = arith.index_cast %add3A_2054 : i32 to index
        %swap3A_2058 = arith.index_cast %shift_right_arithmetic3A_598 : i32 to index
        %swap3A_2059 = arith.index_cast %add3A_2056 : i32 to index
        %swap3A_2060 = tpu.vector_load %arg5[%swap3A_2057, %swap3A_2058, %swap3A_2059] {strides = array<i32>} : memref<12x8x1024xf32, #tpu.memory_space<vmem>>, vector<1x1x16xf32>,
        %swap3A_2061 = vector.shape_cast %swap3A_2060 : vector<1x1x16xf32> to vector<16xf32>
        %swap3A_2062 = vector.shape_cast %get3A_816 : vector<16xf32> to vector<1x1x16xf32>
        tpu.vector_store %arg5[%swap3A_2057, %swap3A_2058, %swap3A_2059], %swap3A_2062 {add = true, strides = array<i32>} : memref<12x8x1024xf32, #tpu.memory_space<vmem>>, vector<1x1x16xf32>,
        %add3A_2063 = arith.constant 0 : i32
        %add3A_2064 = arith.addi %mul3A_344, %add3A_2063 : i32
        %add3A_2065 = arith.constant 496 : i32
        %add3A_2066 = arith.addi %multiple_of3A, %add3A_2065 : i32
        %swap3A_2067 = arith.index_cast %add3A_2064 : i32 to index
        %swap3A_2068 = arith.index_cast %shift_right_arithmetic3A_598 : i32 to index
        %swap3A_2069 = arith.index_cast %add3A_2066 : i32 to index
        %swap3A_2070 = tpu.vector_load %arg5[%swap3A_2067, %swap3A_2068, %swap3A_2069] {strides = array<i32>} : memref<12x8x1024xf32, #tpu.memory_space<vmem>>, vector<1x1x16xf32>,
        %swap3A_2071 = vector.shape_cast %swap3A_2070 : vector<1x1x16xf32> to vector<16xf32>
        %swap3A_2072 = vector.shape_cast %get3A_823 : vector<16xf32> to vector<1x1x16xf32>
        tpu.vector_store %arg5[%swap3A_2067, %swap3A_2068, %swap3A_2069], %swap3A_2072 {add = true, strides = array<i32>} : memref<12x8x1024xf32, #tpu.memory_space<vmem>>, vector<1x1x16xf32>,
        %add3A_2073 = arith.constant 1 : i32
        %add3A_2074 = arith.addi %mul3A_344, %add3A_2073 : i32
        %add3A_2075 = arith.constant 496 : i32
        %add3A_2076 = arith.addi %multiple_of3A, %add3A_2075 : i32
        %swap3A_2077 = arith.index_cast %add3A_2074 : i32 to index
        %swap3A_2078 = arith.index_cast %shift_right_arithmetic3A_598 : i32 to index
        %swap3A_2079 = arith.index_cast %add3A_2076 : i32 to index
        %swap3A_2080 = tpu.vector_load %arg5[%swap3A_2077, %swap3A_2078, %swap3A_2079] {strides = array<i32>} : memref<12x8x1024xf32, #tpu.memory_space<vmem>>, vector<1x1x16xf32>,
        %swap3A_2081 = vector.shape_cast %swap3A_2080 : vector<1x1x16xf32> to vector<16xf32>
        %swap3A_2082 = vector.shape_cast %get3A_823 : vector<16xf32> to vector<1x1x16xf32>
        tpu.vector_store %arg5[%swap3A_2077, %swap3A_2078, %swap3A_2079], %swap3A_2082 {add = true, strides = array<i32>} : memref<12x8x1024xf32, #tpu.memory_space<vmem>>, vector<1x1x16xf32>,
        %add3A_2083 = arith.constant 2 : i32
        %add3A_2084 = arith.addi %mul3A_344, %add3A_2083 : i32
        %add3A_2085 = arith.constant 496 : i32
        %add3A_2086 = arith.addi %multiple_of3A, %add3A_2085 : i32
        %swap3A_2087 = arith.index_cast %add3A_2084 : i32 to index
        %swap3A_2088 = arith.index_cast %shift_right_arithmetic3A_598 : i32 to index
        %swap3A_2089 = arith.index_cast %add3A_2086 : i32 to index
        %swap3A_2090 = tpu.vector_load %arg5[%swap3A_2087, %swap3A_2088, %swap3A_2089] {strides = array<i32>} : memref<12x8x1024xf32, #tpu.memory_space<vmem>>, vector<1x1x16xf32>,
        %swap3A_2091 = vector.shape_cast %swap3A_2090 : vector<1x1x16xf32> to vector<16xf32>
        %swap3A_2092 = vector.shape_cast %get3A_823 : vector<16xf32> to vector<1x1x16xf32>
        tpu.vector_store %arg5[%swap3A_2087, %swap3A_2088, %swap3A_2089], %swap3A_2092 {add = true, strides = array<i32>} : memref<12x8x1024xf32, #tpu.memory_space<vmem>>, vector<1x1x16xf32>,
        %add3A_2093 = arith.constant 3 : i32
        %add3A_2094 = arith.addi %mul3A_344, %add3A_2093 : i32
        %add3A_2095 = arith.constant 496 : i32
        %add3A_2096 = arith.addi %multiple_of3A, %add3A_2095 : i32
        %swap3A_2097 = arith.index_cast %add3A_2094 : i32 to index
        %swap3A_2098 = arith.index_cast %shift_right_arithmetic3A_598 : i32 to index
        %swap3A_2099 = arith.index_cast %add3A_2096 : i32 to index
        %swap3A_2100 = tpu.vector_load %arg5[%swap3A_2097, %swap3A_2098, %swap3A_2099] {strides = array<i32>} : memref<12x8x1024xf32, #tpu.memory_space<vmem>>, vector<1x1x16xf32>,
        %swap3A_2101 = vector.shape_cast %swap3A_2100 : vector<1x1x16xf32> to vector<16xf32>
        %swap3A_2102 = vector.shape_cast %get3A_823 : vector<16xf32> to vector<1x1x16xf32>
        tpu.vector_store %arg5[%swap3A_2097, %swap3A_2098, %swap3A_2099], %swap3A_2102 {add = true, strides = array<i32>} : memref<12x8x1024xf32, #tpu.memory_space<vmem>>, vector<1x1x16xf32>,
        %scan3A_2103 = arith.constant 0 : i32
        scf.yield %scan3A_2103 : i32
      }
      %scan3A_478 = arith.constant 16 : i32
      %ge3A = arith.constant 1 : i32
      %ge3A_479 = arith.cmpi sge, %scan3A_337, %ge3A : i32
      %convert_element_type3A_480 = arith.extui %ge3A_479 : i1 to i32
      %cond3A_481 = arith.constant 0 : i32
      %cond3A_482 = arith.cmpi ne, %convert_element_type3A_480, %cond3A_481 : i32
      scf.if %cond3A_482 {
        %sub3A_596 = arith.constant 1 : i32
        %sub3A_597 = arith.subi %scan3A_337, %sub3A_596 : i32
        %rem3A_598 = arith.constant 3 : i32
        %rem3A_599 = arith.remsi %sub3A_597, %rem3A_598 : i32
        %mul3A_600 = arith.constant 4 : i32
        %mul3A_601 = arith.muli %rem3A_599, %mul3A_600 : i32
        %add3A_602 = arith.constant 0 : i32
        %add3A_603 = arith.addi %mul3A_601, %add3A_602 : i32
        %mul3A_604 = arith.constant 8 : i32
        %mul3A_605 = arith.muli %sub3A_597, %mul3A_604 : i32
        %add3A_606 = arith.addi %mul3A_2, %mul3A_605 : i32
        %dma_wait3A_607 = arith.constant 0 : i32
        %dma_wait3A_608 = arith.constant 0 : i32
        %dma_wait3A_609 = arith.constant 0 : i32
        %dma_wait3A_610 = tpu.memref_slice %arg5[%add3A_603, %dma_wait3A_608, %dma_wait3A_609] : memref<12x8x1024xf32, #tpu.memory_space<vmem>> -> memref<1x8x1024xf32, #tpu.memory_space<vmem>>
        %dma_wait3A_611 = tpu.memref_squeeze %dma_wait3A_610 : memref<1x8x1024xf32, #tpu.memory_space<vmem>> -> memref<8x1024xf32, #tpu.memory_space<vmem>>
        %dma_wait3A_612 = arith.constant 0 : i32
        %dma_wait3A_613 = tpu.memref_slice %arg4[%dma_wait3A_607, %add3A_606, %dma_wait3A_612] : memref<4x4096x1024xf32, #tpu.memory_space<hbm>> -> memref<1x8x1024xf32, #tpu.memory_space<hbm>>
        %dma_wait3A_614 = tpu.memref_squeeze %dma_wait3A_613 : memref<1x8x1024xf32, #tpu.memory_space<hbm>> -> memref<8x1024xf32, #tpu.memory_space<hbm>>
        %dma_wait3A_615 = tpu.memref_slice %arg8[%add3A_603] : memref<12x!tpu.dma_semaphore, #tpu.memory_space<semaphore_mem>> -> memref<1x!tpu.dma_semaphore, #tpu.memory_space<semaphore_mem>>
        %dma_wait3A_616 = tpu.memref_squeeze %dma_wait3A_615 : memref<1x!tpu.dma_semaphore, #tpu.memory_space<semaphore_mem>> -> memref<!tpu.dma_semaphore, #tpu.memory_space<semaphore_mem>>
        %dma_wait3A_617 = arith.constant 0 : i32
        %dma_wait3A_618 = tpu.memref_slice %arg4[%dma_wait3A_607, %add3A_606, %dma_wait3A_617] : memref<4x4096x1024xf32, #tpu.memory_space<hbm>> -> memref<1x8x1024xf32, #tpu.memory_space<hbm>>
        %dma_wait3A_619 = tpu.memref_squeeze %dma_wait3A_618 : memref<1x8x1024xf32, #tpu.memory_space<hbm>> -> memref<8x1024xf32, #tpu.memory_space<hbm>>
        %dma_wait3A_620 = arith.constant 0 : i32
        %dma_wait3A_621 = arith.constant 0 : i32
        %dma_wait3A_622 = tpu.memref_slice %arg5[%add3A_603, %dma_wait3A_620, %dma_wait3A_621] : memref<12x8x1024xf32, #tpu.memory_space<vmem>> -> memref<1x8x1024xf32, #tpu.memory_space<vmem>>
        %dma_wait3A_623 = tpu.memref_squeeze %dma_wait3A_622 : memref<1x8x1024xf32, #tpu.memory_space<vmem>> -> memref<8x1024xf32, #tpu.memory_space<vmem>>
        tpu.wait_dma2 semaphore(%dma_wait3A_616 : memref<!tpu.dma_semaphore, #tpu.memory_space<semaphore_mem>>) src(%dma_wait3A_623 : memref<8x1024xf32, #tpu.memory_space<vmem>>) dst(%dma_wait3A_619 : memref<8x1024xf32, #tpu.memory_space<hbm>>)
        %sub3A_624 = arith.constant 1 : i32
        %sub3A_625 = arith.subi %scan3A_337, %sub3A_624 : i32
        %rem3A_626 = arith.constant 3 : i32
        %rem3A_627 = arith.remsi %sub3A_625, %rem3A_626 : i32
        %mul3A_628 = arith.constant 4 : i32
        %mul3A_629 = arith.muli %rem3A_627, %mul3A_628 : i32
        %add3A_630 = arith.constant 1 : i32
        %add3A_631 = arith.addi %mul3A_629, %add3A_630 : i32
        %mul3A_632 = arith.constant 8 : i32
        %mul3A_633 = arith.muli %sub3A_625, %mul3A_632 : i32
        %add3A_634 = arith.addi %mul3A_2, %mul3A_633 : i32
        %dma_wait3A_635 = arith.constant 1 : i32
        %dma_wait3A_636 = arith.constant 0 : i32
        %dma_wait3A_637 = arith.constant 0 : i32
        %dma_wait3A_638 = tpu.memref_slice %arg5[%add3A_631, %dma_wait3A_636, %dma_wait3A_637] : memref<12x8x1024xf32, #tpu.memory_space<vmem>> -> memref<1x8x1024xf32, #tpu.memory_space<vmem>>
        %dma_wait3A_639 = tpu.memref_squeeze %dma_wait3A_638 : memref<1x8x1024xf32, #tpu.memory_space<vmem>> -> memref<8x1024xf32, #tpu.memory_space<vmem>>
        %dma_wait3A_640 = arith.constant 0 : i32
        %dma_wait3A_641 = tpu.memref_slice %arg4[%dma_wait3A_635, %add3A_634, %dma_wait3A_640] : memref<4x4096x1024xf32, #tpu.memory_space<hbm>> -> memref<1x8x1024xf32, #tpu.memory_space<hbm>>
        %dma_wait3A_642 = tpu.memref_squeeze %dma_wait3A_641 : memref<1x8x1024xf32, #tpu.memory_space<hbm>> -> memref<8x1024xf32, #tpu.memory_space<hbm>>
        %dma_wait3A_643 = tpu.memref_slice %arg8[%add3A_631] : memref<12x!tpu.dma_semaphore, #tpu.memory_space<semaphore_mem>> -> memref<1x!tpu.dma_semaphore, #tpu.memory_space<semaphore_mem>>
        %dma_wait3A_644 = tpu.memref_squeeze %dma_wait3A_643 : memref<1x!tpu.dma_semaphore, #tpu.memory_space<semaphore_mem>> -> memref<!tpu.dma_semaphore, #tpu.memory_space<semaphore_mem>>
        %dma_wait3A_645 = arith.constant 0 : i32
        %dma_wait3A_646 = tpu.memref_slice %arg4[%dma_wait3A_635, %add3A_634, %dma_wait3A_645] : memref<4x4096x1024xf32, #tpu.memory_space<hbm>> -> memref<1x8x1024xf32, #tpu.memory_space<hbm>>
        %dma_wait3A_647 = tpu.memref_squeeze %dma_wait3A_646 : memref<1x8x1024xf32, #tpu.memory_space<hbm>> -> memref<8x1024xf32, #tpu.memory_space<hbm>>
        %dma_wait3A_648 = arith.constant 0 : i32
        %dma_wait3A_649 = arith.constant 0 : i32
        %dma_wait3A_650 = tpu.memref_slice %arg5[%add3A_631, %dma_wait3A_648, %dma_wait3A_649] : memref<12x8x1024xf32, #tpu.memory_space<vmem>> -> memref<1x8x1024xf32, #tpu.memory_space<vmem>>
        %dma_wait3A_651 = tpu.memref_squeeze %dma_wait3A_650 : memref<1x8x1024xf32, #tpu.memory_space<vmem>> -> memref<8x1024xf32, #tpu.memory_space<vmem>>
        tpu.wait_dma2 semaphore(%dma_wait3A_644 : memref<!tpu.dma_semaphore, #tpu.memory_space<semaphore_mem>>) src(%dma_wait3A_651 : memref<8x1024xf32, #tpu.memory_space<vmem>>) dst(%dma_wait3A_647 : memref<8x1024xf32, #tpu.memory_space<hbm>>)
        %sub3A_652 = arith.constant 1 : i32
        %sub3A_653 = arith.subi %scan3A_337, %sub3A_652 : i32
        %rem3A_654 = arith.constant 3 : i32
        %rem3A_655 = arith.remsi %sub3A_653, %rem3A_654 : i32
        %mul3A_656 = arith.constant 4 : i32
        %mul3A_657 = arith.muli %rem3A_655, %mul3A_656 : i32
        %add3A_658 = arith.constant 2 : i32
        %add3A_659 = arith.addi %mul3A_657, %add3A_658 : i32
        %mul3A_660 = arith.constant 8 : i32
        %mul3A_661 = arith.muli %sub3A_653, %mul3A_660 : i32
        %add3A_662 = arith.addi %mul3A_2, %mul3A_661 : i32
        %dma_wait3A_663 = arith.constant 2 : i32
        %dma_wait3A_664 = arith.constant 0 : i32
        %dma_wait3A_665 = arith.constant 0 : i32
        %dma_wait3A_666 = tpu.memref_slice %arg5[%add3A_659, %dma_wait3A_664, %dma_wait3A_665] : memref<12x8x1024xf32, #tpu.memory_space<vmem>> -> memref<1x8x1024xf32, #tpu.memory_space<vmem>>
        %dma_wait3A_667 = tpu.memref_squeeze %dma_wait3A_666 : memref<1x8x1024xf32, #tpu.memory_space<vmem>> -> memref<8x1024xf32, #tpu.memory_space<vmem>>
        %dma_wait3A_668 = arith.constant 0 : i32
        %dma_wait3A_669 = tpu.memref_slice %arg4[%dma_wait3A_663, %add3A_662, %dma_wait3A_668] : memref<4x4096x1024xf32, #tpu.memory_space<hbm>> -> memref<1x8x1024xf32, #tpu.memory_space<hbm>>
        %dma_wait3A_670 = tpu.memref_squeeze %dma_wait3A_669 : memref<1x8x1024xf32, #tpu.memory_space<hbm>> -> memref<8x1024xf32, #tpu.memory_space<hbm>>
        %dma_wait3A_671 = tpu.memref_slice %arg8[%add3A_659] : memref<12x!tpu.dma_semaphore, #tpu.memory_space<semaphore_mem>> -> memref<1x!tpu.dma_semaphore, #tpu.memory_space<semaphore_mem>>
        %dma_wait3A_672 = tpu.memref_squeeze %dma_wait3A_671 : memref<1x!tpu.dma_semaphore, #tpu.memory_space<semaphore_mem>> -> memref<!tpu.dma_semaphore, #tpu.memory_space<semaphore_mem>>
        %dma_wait3A_673 = arith.constant 0 : i32
        %dma_wait3A_674 = tpu.memref_slice %arg4[%dma_wait3A_663, %add3A_662, %dma_wait3A_673] : memref<4x4096x1024xf32, #tpu.memory_space<hbm>> -> memref<1x8x1024xf32, #tpu.memory_space<hbm>>
        %dma_wait3A_675 = tpu.memref_squeeze %dma_wait3A_674 : memref<1x8x1024xf32, #tpu.memory_space<hbm>> -> memref<8x1024xf32, #tpu.memory_space<hbm>>
        %dma_wait3A_676 = arith.constant 0 : i32
        %dma_wait3A_677 = arith.constant 0 : i32
        %dma_wait3A_678 = tpu.memref_slice %arg5[%add3A_659, %dma_wait3A_676, %dma_wait3A_677] : memref<12x8x1024xf32, #tpu.memory_space<vmem>> -> memref<1x8x1024xf32, #tpu.memory_space<vmem>>
        %dma_wait3A_679 = tpu.memref_squeeze %dma_wait3A_678 : memref<1x8x1024xf32, #tpu.memory_space<vmem>> -> memref<8x1024xf32, #tpu.memory_space<vmem>>
        tpu.wait_dma2 semaphore(%dma_wait3A_672 : memref<!tpu.dma_semaphore, #tpu.memory_space<semaphore_mem>>) src(%dma_wait3A_679 : memref<8x1024xf32, #tpu.memory_space<vmem>>) dst(%dma_wait3A_675 : memref<8x1024xf32, #tpu.memory_space<hbm>>)
        %sub3A_680 = arith.constant 1 : i32
        %sub3A_681 = arith.subi %scan3A_337, %sub3A_680 : i32
        %rem3A_682 = arith.constant 3 : i32
        %rem3A_683 = arith.remsi %sub3A_681, %rem3A_682 : i32
        %mul3A_684 = arith.constant 4 : i32
        %mul3A_685 = arith.muli %rem3A_683, %mul3A_684 : i32
        %add3A_686 = arith.constant 3 : i32
        %add3A_687 = arith.addi %mul3A_685, %add3A_686 : i32
        %mul3A_688 = arith.constant 8 : i32
        %mul3A_689 = arith.muli %sub3A_681, %mul3A_688 : i32
        %add3A_690 = arith.addi %mul3A_2, %mul3A_689 : i32
        %dma_wait3A_691 = arith.constant 3 : i32
        %dma_wait3A_692 = arith.constant 0 : i32
        %dma_wait3A_693 = arith.constant 0 : i32
        %dma_wait3A_694 = tpu.memref_slice %arg5[%add3A_687, %dma_wait3A_692, %dma_wait3A_693] : memref<12x8x1024xf32, #tpu.memory_space<vmem>> -> memref<1x8x1024xf32, #tpu.memory_space<vmem>>
        %dma_wait3A_695 = tpu.memref_squeeze %dma_wait3A_694 : memref<1x8x1024xf32, #tpu.memory_space<vmem>> -> memref<8x1024xf32, #tpu.memory_space<vmem>>
        %dma_wait3A_696 = arith.constant 0 : i32
        %dma_wait3A_697 = tpu.memref_slice %arg4[%dma_wait3A_691, %add3A_690, %dma_wait3A_696] : memref<4x4096x1024xf32, #tpu.memory_space<hbm>> -> memref<1x8x1024xf32, #tpu.memory_space<hbm>>
        %dma_wait3A_698 = tpu.memref_squeeze %dma_wait3A_697 : memref<1x8x1024xf32, #tpu.memory_space<hbm>> -> memref<8x1024xf32, #tpu.memory_space<hbm>>
        %dma_wait3A_699 = tpu.memref_slice %arg8[%add3A_687] : memref<12x!tpu.dma_semaphore, #tpu.memory_space<semaphore_mem>> -> memref<1x!tpu.dma_semaphore, #tpu.memory_space<semaphore_mem>>
        %dma_wait3A_700 = tpu.memref_squeeze %dma_wait3A_699 : memref<1x!tpu.dma_semaphore, #tpu.memory_space<semaphore_mem>> -> memref<!tpu.dma_semaphore, #tpu.memory_space<semaphore_mem>>
        %dma_wait3A_701 = arith.constant 0 : i32
        %dma_wait3A_702 = tpu.memref_slice %arg4[%dma_wait3A_691, %add3A_690, %dma_wait3A_701] : memref<4x4096x1024xf32, #tpu.memory_space<hbm>> -> memref<1x8x1024xf32, #tpu.memory_space<hbm>>
        %dma_wait3A_703 = tpu.memref_squeeze %dma_wait3A_702 : memref<1x8x1024xf32, #tpu.memory_space<hbm>> -> memref<8x1024xf32, #tpu.memory_space<hbm>>
        %dma_wait3A_704 = arith.constant 0 : i32
        %dma_wait3A_705 = arith.constant 0 : i32
        %dma_wait3A_706 = tpu.memref_slice %arg5[%add3A_687, %dma_wait3A_704, %dma_wait3A_705] : memref<12x8x1024xf32, #tpu.memory_space<vmem>> -> memref<1x8x1024xf32, #tpu.memory_space<vmem>>
        %dma_wait3A_707 = tpu.memref_squeeze %dma_wait3A_706 : memref<1x8x1024xf32, #tpu.memory_space<vmem>> -> memref<8x1024xf32, #tpu.memory_space<vmem>>
        tpu.wait_dma2 semaphore(%dma_wait3A_700 : memref<!tpu.dma_semaphore, #tpu.memory_space<semaphore_mem>>) src(%dma_wait3A_707 : memref<8x1024xf32, #tpu.memory_space<vmem>>) dst(%dma_wait3A_703 : memref<8x1024xf32, #tpu.memory_space<hbm>>)
      } else {
      }
      %add3A_483 = arith.constant 3 : i32
      %add3A_484 = arith.addi %scan3A_337, %add3A_483 : i32
      %sub3A = arith.constant 1 : i32
      %sub3A_485 = arith.subi %add3A_484, %sub3A : i32
      %lt3A_486 = arith.constant 16 : i32
      %lt3A_487 = arith.cmpi slt, %sub3A_485, %lt3A_486 : i32
      %convert_element_type3A_488 = arith.extui %lt3A_487 : i1 to i32
      %cond3A_489 = arith.constant 0 : i32
      %cond3A_490 = arith.cmpi ne, %convert_element_type3A_488, %cond3A_489 : i32
      scf.if %cond3A_490 {
        %add3A_596 = arith.constant 3 : i32
        %add3A_597 = arith.addi %scan3A_337, %add3A_596 : i32
        %sub3A_598 = arith.constant 1 : i32
        %sub3A_599 = arith.subi %add3A_597, %sub3A_598 : i32
        %rem3A_600 = arith.constant 3 : i32
        %rem3A_601 = arith.remsi %sub3A_599, %rem3A_600 : i32
        %mul3A_602 = arith.constant 4 : i32
        %mul3A_603 = arith.muli %rem3A_601, %mul3A_602 : i32
        %add3A_604 = arith.constant 0 : i32
        %add3A_605 = arith.addi %mul3A_603, %add3A_604 : i32
        %mul3A_606 = arith.constant 8 : i32
        %mul3A_607 = arith.muli %sub3A_599, %mul3A_606 : i32
        %add3A_608 = arith.addi %mul3A_2, %mul3A_607 : i32
        %dma_start3A_609 = arith.constant 0 : i32
        %dma_start3A_610 = arith.constant 0 : i32
        %dma_start3A_611 = arith.constant 0 : i32
        %dma_start3A_612 = tpu.memref_slice %arg5[%add3A_605, %dma_start3A_610, %dma_start3A_611] : memref<12x8x1024xf32, #tpu.memory_space<vmem>> -> memref<1x8x1024xf32, #tpu.memory_space<vmem>>
        %dma_start3A_613 = tpu.memref_squeeze %dma_start3A_612 : memref<1x8x1024xf32, #tpu.memory_space<vmem>> -> memref<8x1024xf32, #tpu.memory_space<vmem>>
        %dma_start3A_614 = arith.constant 0 : i32
        %dma_start3A_615 = tpu.memref_slice %arg2[%dma_start3A_609, %add3A_608, %dma_start3A_614] : memref<4x4096x1024xf32, #tpu.memory_space<hbm>> -> memref<1x8x1024xf32, #tpu.memory_space<hbm>>
        %dma_start3A_616 = tpu.memref_squeeze %dma_start3A_615 : memref<1x8x1024xf32, #tpu.memory_space<hbm>> -> memref<8x1024xf32, #tpu.memory_space<hbm>>
        %dma_start3A_617 = tpu.memref_slice %arg7[%add3A_605] : memref<12x!tpu.dma_semaphore, #tpu.memory_space<semaphore_mem>> -> memref<1x!tpu.dma_semaphore, #tpu.memory_space<semaphore_mem>>
        %dma_start3A_618 = tpu.memref_squeeze %dma_start3A_617 : memref<1x!tpu.dma_semaphore, #tpu.memory_space<semaphore_mem>> -> memref<!tpu.dma_semaphore, #tpu.memory_space<semaphore_mem>>
        %dma_start3A_619 = arith.constant 0 : i32
        %dma_start3A_620 = arith.constant 0 : i32
        %dma_start3A_621 = tpu.memref_slice %arg5[%add3A_605, %dma_start3A_619, %dma_start3A_620] : memref<12x8x1024xf32, #tpu.memory_space<vmem>> -> memref<1x8x1024xf32, #tpu.memory_space<vmem>>
        %dma_start3A_622 = tpu.memref_squeeze %dma_start3A_621 : memref<1x8x1024xf32, #tpu.memory_space<vmem>> -> memref<8x1024xf32, #tpu.memory_space<vmem>>
        %dma_start3A_623 = arith.constant 0 : i32
        %dma_start3A_624 = tpu.memref_slice %arg2[%dma_start3A_609, %add3A_608, %dma_start3A_623] : memref<4x4096x1024xf32, #tpu.memory_space<hbm>> -> memref<1x8x1024xf32, #tpu.memory_space<hbm>>
        %dma_start3A_625 = tpu.memref_squeeze %dma_start3A_624 : memref<1x8x1024xf32, #tpu.memory_space<hbm>> -> memref<8x1024xf32, #tpu.memory_space<hbm>>
        tpu.enqueue_dma source(%dma_start3A_625 : memref<8x1024xf32, #tpu.memory_space<hbm>>) target(%dma_start3A_622 : memref<8x1024xf32, #tpu.memory_space<vmem>>) target_semaphore(%dma_start3A_618 : memref<!tpu.dma_semaphore, #tpu.memory_space<semaphore_mem>>)
        %add3A_626 = arith.constant 3 : i32
        %add3A_627 = arith.addi %scan3A_337, %add3A_626 : i32
        %sub3A_628 = arith.constant 1 : i32
        %sub3A_629 = arith.subi %add3A_627, %sub3A_628 : i32
        %rem3A_630 = arith.constant 3 : i32
        %rem3A_631 = arith.remsi %sub3A_629, %rem3A_630 : i32
        %mul3A_632 = arith.constant 4 : i32
        %mul3A_633 = arith.muli %rem3A_631, %mul3A_632 : i32
        %add3A_634 = arith.constant 1 : i32
        %add3A_635 = arith.addi %mul3A_633, %add3A_634 : i32
        %mul3A_636 = arith.constant 8 : i32
        %mul3A_637 = arith.muli %sub3A_629, %mul3A_636 : i32
        %add3A_638 = arith.addi %mul3A_2, %mul3A_637 : i32
        %dma_start3A_639 = arith.constant 1 : i32
        %dma_start3A_640 = arith.constant 0 : i32
        %dma_start3A_641 = arith.constant 0 : i32
        %dma_start3A_642 = tpu.memref_slice %arg5[%add3A_635, %dma_start3A_640, %dma_start3A_641] : memref<12x8x1024xf32, #tpu.memory_space<vmem>> -> memref<1x8x1024xf32, #tpu.memory_space<vmem>>
        %dma_start3A_643 = tpu.memref_squeeze %dma_start3A_642 : memref<1x8x1024xf32, #tpu.memory_space<vmem>> -> memref<8x1024xf32, #tpu.memory_space<vmem>>
        %dma_start3A_644 = arith.constant 0 : i32
        %dma_start3A_645 = tpu.memref_slice %arg2[%dma_start3A_639, %add3A_638, %dma_start3A_644] : memref<4x4096x1024xf32, #tpu.memory_space<hbm>> -> memref<1x8x1024xf32, #tpu.memory_space<hbm>>
        %dma_start3A_646 = tpu.memref_squeeze %dma_start3A_645 : memref<1x8x1024xf32, #tpu.memory_space<hbm>> -> memref<8x1024xf32, #tpu.memory_space<hbm>>
        %dma_start3A_647 = tpu.memref_slice %arg7[%add3A_635] : memref<12x!tpu.dma_semaphore, #tpu.memory_space<semaphore_mem>> -> memref<1x!tpu.dma_semaphore, #tpu.memory_space<semaphore_mem>>
        %dma_start3A_648 = tpu.memref_squeeze %dma_start3A_647 : memref<1x!tpu.dma_semaphore, #tpu.memory_space<semaphore_mem>> -> memref<!tpu.dma_semaphore, #tpu.memory_space<semaphore_mem>>
        %dma_start3A_649 = arith.constant 0 : i32
        %dma_start3A_650 = arith.constant 0 : i32
        %dma_start3A_651 = tpu.memref_slice %arg5[%add3A_635, %dma_start3A_649, %dma_start3A_650] : memref<12x8x1024xf32, #tpu.memory_space<vmem>> -> memref<1x8x1024xf32, #tpu.memory_space<vmem>>
        %dma_start3A_652 = tpu.memref_squeeze %dma_start3A_651 : memref<1x8x1024xf32, #tpu.memory_space<vmem>> -> memref<8x1024xf32, #tpu.memory_space<vmem>>
        %dma_start3A_653 = arith.constant 0 : i32
        %dma_start3A_654 = tpu.memref_slice %arg2[%dma_start3A_639, %add3A_638, %dma_start3A_653] : memref<4x4096x1024xf32, #tpu.memory_space<hbm>> -> memref<1x8x1024xf32, #tpu.memory_space<hbm>>
        %dma_start3A_655 = tpu.memref_squeeze %dma_start3A_654 : memref<1x8x1024xf32, #tpu.memory_space<hbm>> -> memref<8x1024xf32, #tpu.memory_space<hbm>>
        tpu.enqueue_dma source(%dma_start3A_655 : memref<8x1024xf32, #tpu.memory_space<hbm>>) target(%dma_start3A_652 : memref<8x1024xf32, #tpu.memory_space<vmem>>) target_semaphore(%dma_start3A_648 : memref<!tpu.dma_semaphore, #tpu.memory_space<semaphore_mem>>)
        %add3A_656 = arith.constant 3 : i32
        %add3A_657 = arith.addi %scan3A_337, %add3A_656 : i32
        %sub3A_658 = arith.constant 1 : i32
        %sub3A_659 = arith.subi %add3A_657, %sub3A_658 : i32
        %rem3A_660 = arith.constant 3 : i32
        %rem3A_661 = arith.remsi %sub3A_659, %rem3A_660 : i32
        %mul3A_662 = arith.constant 4 : i32
        %mul3A_663 = arith.muli %rem3A_661, %mul3A_662 : i32
        %add3A_664 = arith.constant 2 : i32
        %add3A_665 = arith.addi %mul3A_663, %add3A_664 : i32
        %mul3A_666 = arith.constant 8 : i32
        %mul3A_667 = arith.muli %sub3A_659, %mul3A_666 : i32
        %add3A_668 = arith.addi %mul3A_2, %mul3A_667 : i32
        %dma_start3A_669 = arith.constant 2 : i32
        %dma_start3A_670 = arith.constant 0 : i32
        %dma_start3A_671 = arith.constant 0 : i32
        %dma_start3A_672 = tpu.memref_slice %arg5[%add3A_665, %dma_start3A_670, %dma_start3A_671] : memref<12x8x1024xf32, #tpu.memory_space<vmem>> -> memref<1x8x1024xf32, #tpu.memory_space<vmem>>
        %dma_start3A_673 = tpu.memref_squeeze %dma_start3A_672 : memref<1x8x1024xf32, #tpu.memory_space<vmem>> -> memref<8x1024xf32, #tpu.memory_space<vmem>>
        %dma_start3A_674 = arith.constant 0 : i32
        %dma_start3A_675 = tpu.memref_slice %arg2[%dma_start3A_669, %add3A_668, %dma_start3A_674] : memref<4x4096x1024xf32, #tpu.memory_space<hbm>> -> memref<1x8x1024xf32, #tpu.memory_space<hbm>>
        %dma_start3A_676 = tpu.memref_squeeze %dma_start3A_675 : memref<1x8x1024xf32, #tpu.memory_space<hbm>> -> memref<8x1024xf32, #tpu.memory_space<hbm>>
        %dma_start3A_677 = tpu.memref_slice %arg7[%add3A_665] : memref<12x!tpu.dma_semaphore, #tpu.memory_space<semaphore_mem>> -> memref<1x!tpu.dma_semaphore, #tpu.memory_space<semaphore_mem>>
        %dma_start3A_678 = tpu.memref_squeeze %dma_start3A_677 : memref<1x!tpu.dma_semaphore, #tpu.memory_space<semaphore_mem>> -> memref<!tpu.dma_semaphore, #tpu.memory_space<semaphore_mem>>
        %dma_start3A_679 = arith.constant 0 : i32
        %dma_start3A_680 = arith.constant 0 : i32
        %dma_start3A_681 = tpu.memref_slice %arg5[%add3A_665, %dma_start3A_679, %dma_start3A_680] : memref<12x8x1024xf32, #tpu.memory_space<vmem>> -> memref<1x8x1024xf32, #tpu.memory_space<vmem>>
        %dma_start3A_682 = tpu.memref_squeeze %dma_start3A_681 : memref<1x8x1024xf32, #tpu.memory_space<vmem>> -> memref<8x1024xf32, #tpu.memory_space<vmem>>
        %dma_start3A_683 = arith.constant 0 : i32
        %dma_start3A_684 = tpu.memref_slice %arg2[%dma_start3A_669, %add3A_668, %dma_start3A_683] : memref<4x4096x1024xf32, #tpu.memory_space<hbm>> -> memref<1x8x1024xf32, #tpu.memory_space<hbm>>
        %dma_start3A_685 = tpu.memref_squeeze %dma_start3A_684 : memref<1x8x1024xf32, #tpu.memory_space<hbm>> -> memref<8x1024xf32, #tpu.memory_space<hbm>>
        tpu.enqueue_dma source(%dma_start3A_685 : memref<8x1024xf32, #tpu.memory_space<hbm>>) target(%dma_start3A_682 : memref<8x1024xf32, #tpu.memory_space<vmem>>) target_semaphore(%dma_start3A_678 : memref<!tpu.dma_semaphore, #tpu.memory_space<semaphore_mem>>)
        %add3A_686 = arith.constant 3 : i32
        %add3A_687 = arith.addi %scan3A_337, %add3A_686 : i32
        %sub3A_688 = arith.constant 1 : i32
        %sub3A_689 = arith.subi %add3A_687, %sub3A_688 : i32
        %rem3A_690 = arith.constant 3 : i32
        %rem3A_691 = arith.remsi %sub3A_689, %rem3A_690 : i32
        %mul3A_692 = arith.constant 4 : i32
        %mul3A_693 = arith.muli %rem3A_691, %mul3A_692 : i32
        %add3A_694 = arith.constant 3 : i32
        %add3A_695 = arith.addi %mul3A_693, %add3A_694 : i32
        %mul3A_696 = arith.constant 8 : i32
        %mul3A_697 = arith.muli %sub3A_689, %mul3A_696 : i32
        %add3A_698 = arith.addi %mul3A_2, %mul3A_697 : i32
        %dma_start3A_699 = arith.constant 3 : i32
        %dma_start3A_700 = arith.constant 0 : i32
        %dma_start3A_701 = arith.constant 0 : i32
        %dma_start3A_702 = tpu.memref_slice %arg5[%add3A_695, %dma_start3A_700, %dma_start3A_701] : memref<12x8x1024xf32, #tpu.memory_space<vmem>> -> memref<1x8x1024xf32, #tpu.memory_space<vmem>>
        %dma_start3A_703 = tpu.memref_squeeze %dma_start3A_702 : memref<1x8x1024xf32, #tpu.memory_space<vmem>> -> memref<8x1024xf32, #tpu.memory_space<vmem>>
        %dma_start3A_704 = arith.constant 0 : i32
        %dma_start3A_705 = tpu.memref_slice %arg2[%dma_start3A_699, %add3A_698, %dma_start3A_704] : memref<4x4096x1024xf32, #tpu.memory_space<hbm>> -> memref<1x8x1024xf32, #tpu.memory_space<hbm>>
        %dma_start3A_706 = tpu.memref_squeeze %dma_start3A_705 : memref<1x8x1024xf32, #tpu.memory_space<hbm>> -> memref<8x1024xf32, #tpu.memory_space<hbm>>
        %dma_start3A_707 = tpu.memref_slice %arg7[%add3A_695] : memref<12x!tpu.dma_semaphore, #tpu.memory_space<semaphore_mem>> -> memref<1x!tpu.dma_semaphore, #tpu.memory_space<semaphore_mem>>
        %dma_start3A_708 = tpu.memref_squeeze %dma_start3A_707 : memref<1x!tpu.dma_semaphore, #tpu.memory_space<semaphore_mem>> -> memref<!tpu.dma_semaphore, #tpu.memory_space<semaphore_mem>>
        %dma_start3A_709 = arith.constant 0 : i32
        %dma_start3A_710 = arith.constant 0 : i32
        %dma_start3A_711 = tpu.memref_slice %arg5[%add3A_695, %dma_start3A_709, %dma_start3A_710] : memref<12x8x1024xf32, #tpu.memory_space<vmem>> -> memref<1x8x1024xf32, #tpu.memory_space<vmem>>
        %dma_start3A_712 = tpu.memref_squeeze %dma_start3A_711 : memref<1x8x1024xf32, #tpu.memory_space<vmem>> -> memref<8x1024xf32, #tpu.memory_space<vmem>>
        %dma_start3A_713 = arith.constant 0 : i32
        %dma_start3A_714 = tpu.memref_slice %arg2[%dma_start3A_699, %add3A_698, %dma_start3A_713] : memref<4x4096x1024xf32, #tpu.memory_space<hbm>> -> memref<1x8x1024xf32, #tpu.memory_space<hbm>>
        %dma_start3A_715 = tpu.memref_squeeze %dma_start3A_714 : memref<1x8x1024xf32, #tpu.memory_space<hbm>> -> memref<8x1024xf32, #tpu.memory_space<hbm>>
        tpu.enqueue_dma source(%dma_start3A_715 : memref<8x1024xf32, #tpu.memory_space<hbm>>) target(%dma_start3A_712 : memref<8x1024xf32, #tpu.memory_space<vmem>>) target_semaphore(%dma_start3A_708 : memref<!tpu.dma_semaphore, #tpu.memory_space<semaphore_mem>>)
      } else {
      }
      %rem3A_491 = arith.constant 3 : i32
      %rem3A_492 = arith.remsi %scan3A_337, %rem3A_491 : i32
      %mul3A_493 = arith.constant 4 : i32
      %mul3A_494 = arith.muli %rem3A_492, %mul3A_493 : i32
      %add3A_495 = arith.constant 0 : i32
      %add3A_496 = arith.addi %mul3A_494, %add3A_495 : i32
      %mul3A_497 = arith.constant 8 : i32
      %mul3A_498 = arith.muli %scan3A_337, %mul3A_497 : i32
      %add3A_499 = arith.addi %mul3A_2, %mul3A_498 : i32
      %dma_start3A_500 = arith.constant 0 : i32
      %dma_start3A_501 = arith.constant 0 : i32
      %dma_start3A_502 = arith.constant 0 : i32
      %dma_start3A_503 = tpu.memref_slice %arg5[%add3A_496, %dma_start3A_501, %dma_start3A_502] : memref<12x8x1024xf32, #tpu.memory_space<vmem>> -> memref<1x8x1024xf32, #tpu.memory_space<vmem>>
      %dma_start3A_504 = tpu.memref_squeeze %dma_start3A_503 : memref<1x8x1024xf32, #tpu.memory_space<vmem>> -> memref<8x1024xf32, #tpu.memory_space<vmem>>
      %dma_start3A_505 = arith.constant 0 : i32
      %dma_start3A_506 = tpu.memref_slice %arg4[%dma_start3A_500, %add3A_499, %dma_start3A_505] : memref<4x4096x1024xf32, #tpu.memory_space<hbm>> -> memref<1x8x1024xf32, #tpu.memory_space<hbm>>
      %dma_start3A_507 = tpu.memref_squeeze %dma_start3A_506 : memref<1x8x1024xf32, #tpu.memory_space<hbm>> -> memref<8x1024xf32, #tpu.memory_space<hbm>>
      %dma_start3A_508 = tpu.memref_slice %arg8[%add3A_496] : memref<12x!tpu.dma_semaphore, #tpu.memory_space<semaphore_mem>> -> memref<1x!tpu.dma_semaphore, #tpu.memory_space<semaphore_mem>>
      %dma_start3A_509 = tpu.memref_squeeze %dma_start3A_508 : memref<1x!tpu.dma_semaphore, #tpu.memory_space<semaphore_mem>> -> memref<!tpu.dma_semaphore, #tpu.memory_space<semaphore_mem>>
      %dma_start3A_510 = arith.constant 0 : i32
      %dma_start3A_511 = tpu.memref_slice %arg4[%dma_start3A_500, %add3A_499, %dma_start3A_510] : memref<4x4096x1024xf32, #tpu.memory_space<hbm>> -> memref<1x8x1024xf32, #tpu.memory_space<hbm>>
      %dma_start3A_512 = tpu.memref_squeeze %dma_start3A_511 : memref<1x8x1024xf32, #tpu.memory_space<hbm>> -> memref<8x1024xf32, #tpu.memory_space<hbm>>
      %dma_start3A_513 = arith.constant 0 : i32
      %dma_start3A_514 = arith.constant 0 : i32
      %dma_start3A_515 = tpu.memref_slice %arg5[%add3A_496, %dma_start3A_513, %dma_start3A_514] : memref<12x8x1024xf32, #tpu.memory_space<vmem>> -> memref<1x8x1024xf32, #tpu.memory_space<vmem>>
      %dma_start3A_516 = tpu.memref_squeeze %dma_start3A_515 : memref<1x8x1024xf32, #tpu.memory_space<vmem>> -> memref<8x1024xf32, #tpu.memory_space<vmem>>
      tpu.enqueue_dma source(%dma_start3A_516 : memref<8x1024xf32, #tpu.memory_space<vmem>>) target(%dma_start3A_512 : memref<8x1024xf32, #tpu.memory_space<hbm>>) target_semaphore(%dma_start3A_509 : memref<!tpu.dma_semaphore, #tpu.memory_space<semaphore_mem>>)
      %rem3A_517 = arith.constant 3 : i32
      %rem3A_518 = arith.remsi %scan3A_337, %rem3A_517 : i32
      %mul3A_519 = arith.constant 4 : i32
      %mul3A_520 = arith.muli %rem3A_518, %mul3A_519 : i32
      %add3A_521 = arith.constant 1 : i32
      %add3A_522 = arith.addi %mul3A_520, %add3A_521 : i32
      %mul3A_523 = arith.constant 8 : i32
      %mul3A_524 = arith.muli %scan3A_337, %mul3A_523 : i32
      %add3A_525 = arith.addi %mul3A_2, %mul3A_524 : i32
      %dma_start3A_526 = arith.constant 1 : i32
      %dma_start3A_527 = arith.constant 0 : i32
      %dma_start3A_528 = arith.constant 0 : i32
      %dma_start3A_529 = tpu.memref_slice %arg5[%add3A_522, %dma_start3A_527, %dma_start3A_528] : memref<12x8x1024xf32, #tpu.memory_space<vmem>> -> memref<1x8x1024xf32, #tpu.memory_space<vmem>>
      %dma_start3A_530 = tpu.memref_squeeze %dma_start3A_529 : memref<1x8x1024xf32, #tpu.memory_space<vmem>> -> memref<8x1024xf32, #tpu.memory_space<vmem>>
      %dma_start3A_531 = arith.constant 0 : i32
      %dma_start3A_532 = tpu.memref_slice %arg4[%dma_start3A_526, %add3A_525, %dma_start3A_531] : memref<4x4096x1024xf32, #tpu.memory_space<hbm>> -> memref<1x8x1024xf32, #tpu.memory_space<hbm>>
      %dma_start3A_533 = tpu.memref_squeeze %dma_start3A_532 : memref<1x8x1024xf32, #tpu.memory_space<hbm>> -> memref<8x1024xf32, #tpu.memory_space<hbm>>
      %dma_start3A_534 = tpu.memref_slice %arg8[%add3A_522] : memref<12x!tpu.dma_semaphore, #tpu.memory_space<semaphore_mem>> -> memref<1x!tpu.dma_semaphore, #tpu.memory_space<semaphore_mem>>
      %dma_start3A_535 = tpu.memref_squeeze %dma_start3A_534 : memref<1x!tpu.dma_semaphore, #tpu.memory_space<semaphore_mem>> -> memref<!tpu.dma_semaphore, #tpu.memory_space<semaphore_mem>>
      %dma_start3A_536 = arith.constant 0 : i32
      %dma_start3A_537 = tpu.memref_slice %arg4[%dma_start3A_526, %add3A_525, %dma_start3A_536] : memref<4x4096x1024xf32, #tpu.memory_space<hbm>> -> memref<1x8x1024xf32, #tpu.memory_space<hbm>>
      %dma_start3A_538 = tpu.memref_squeeze %dma_start3A_537 : memref<1x8x1024xf32, #tpu.memory_space<hbm>> -> memref<8x1024xf32, #tpu.memory_space<hbm>>
      %dma_start3A_539 = arith.constant 0 : i32
      %dma_start3A_540 = arith.constant 0 : i32
      %dma_start3A_541 = tpu.memref_slice %arg5[%add3A_522, %dma_start3A_539, %dma_start3A_540] : memref<12x8x1024xf32, #tpu.memory_space<vmem>> -> memref<1x8x1024xf32, #tpu.memory_space<vmem>>
      %dma_start3A_542 = tpu.memref_squeeze %dma_start3A_541 : memref<1x8x1024xf32, #tpu.memory_space<vmem>> -> memref<8x1024xf32, #tpu.memory_space<vmem>>
      tpu.enqueue_dma source(%dma_start3A_542 : memref<8x1024xf32, #tpu.memory_space<vmem>>) target(%dma_start3A_538 : memref<8x1024xf32, #tpu.memory_space<hbm>>) target_semaphore(%dma_start3A_535 : memref<!tpu.dma_semaphore, #tpu.memory_space<semaphore_mem>>)
      %rem3A_543 = arith.constant 3 : i32
      %rem3A_544 = arith.remsi %scan3A_337, %rem3A_543 : i32
      %mul3A_545 = arith.constant 4 : i32
      %mul3A_546 = arith.muli %rem3A_544, %mul3A_545 : i32
      %add3A_547 = arith.constant 2 : i32
      %add3A_548 = arith.addi %mul3A_546, %add3A_547 : i32
      %mul3A_549 = arith.constant 8 : i32
      %mul3A_550 = arith.muli %scan3A_337, %mul3A_549 : i32
      %add3A_551 = arith.addi %mul3A_2, %mul3A_550 : i32
      %dma_start3A_552 = arith.constant 2 : i32
      %dma_start3A_553 = arith.constant 0 : i32
      %dma_start3A_554 = arith.constant 0 : i32
      %dma_start3A_555 = tpu.memref_slice %arg5[%add3A_548, %dma_start3A_553, %dma_start3A_554] : memref<12x8x1024xf32, #tpu.memory_space<vmem>> -> memref<1x8x1024xf32, #tpu.memory_space<vmem>>
      %dma_start3A_556 = tpu.memref_squeeze %dma_start3A_555 : memref<1x8x1024xf32, #tpu.memory_space<vmem>> -> memref<8x1024xf32, #tpu.memory_space<vmem>>
      %dma_start3A_557 = arith.constant 0 : i32
      %dma_start3A_558 = tpu.memref_slice %arg4[%dma_start3A_552, %add3A_551, %dma_start3A_557] : memref<4x4096x1024xf32, #tpu.memory_space<hbm>> -> memref<1x8x1024xf32, #tpu.memory_space<hbm>>
      %dma_start3A_559 = tpu.memref_squeeze %dma_start3A_558 : memref<1x8x1024xf32, #tpu.memory_space<hbm>> -> memref<8x1024xf32, #tpu.memory_space<hbm>>
      %dma_start3A_560 = tpu.memref_slice %arg8[%add3A_548] : memref<12x!tpu.dma_semaphore, #tpu.memory_space<semaphore_mem>> -> memref<1x!tpu.dma_semaphore, #tpu.memory_space<semaphore_mem>>
      %dma_start3A_561 = tpu.memref_squeeze %dma_start3A_560 : memref<1x!tpu.dma_semaphore, #tpu.memory_space<semaphore_mem>> -> memref<!tpu.dma_semaphore, #tpu.memory_space<semaphore_mem>>
      %dma_start3A_562 = arith.constant 0 : i32
      %dma_start3A_563 = tpu.memref_slice %arg4[%dma_start3A_552, %add3A_551, %dma_start3A_562] : memref<4x4096x1024xf32, #tpu.memory_space<hbm>> -> memref<1x8x1024xf32, #tpu.memory_space<hbm>>
      %dma_start3A_564 = tpu.memref_squeeze %dma_start3A_563 : memref<1x8x1024xf32, #tpu.memory_space<hbm>> -> memref<8x1024xf32, #tpu.memory_space<hbm>>
      %dma_start3A_565 = arith.constant 0 : i32
      %dma_start3A_566 = arith.constant 0 : i32
      %dma_start3A_567 = tpu.memref_slice %arg5[%add3A_548, %dma_start3A_565, %dma_start3A_566] : memref<12x8x1024xf32, #tpu.memory_space<vmem>> -> memref<1x8x1024xf32, #tpu.memory_space<vmem>>
      %dma_start3A_568 = tpu.memref_squeeze %dma_start3A_567 : memref<1x8x1024xf32, #tpu.memory_space<vmem>> -> memref<8x1024xf32, #tpu.memory_space<vmem>>
      tpu.enqueue_dma source(%dma_start3A_568 : memref<8x1024xf32, #tpu.memory_space<vmem>>) target(%dma_start3A_564 : memref<8x1024xf32, #tpu.memory_space<hbm>>) target_semaphore(%dma_start3A_561 : memref<!tpu.dma_semaphore, #tpu.memory_space<semaphore_mem>>)
      %rem3A_569 = arith.constant 3 : i32
      %rem3A_570 = arith.remsi %scan3A_337, %rem3A_569 : i32
      %mul3A_571 = arith.constant 4 : i32
      %mul3A_572 = arith.muli %rem3A_570, %mul3A_571 : i32
      %add3A_573 = arith.constant 3 : i32
      %add3A_574 = arith.addi %mul3A_572, %add3A_573 : i32
      %mul3A_575 = arith.constant 8 : i32
      %mul3A_576 = arith.muli %scan3A_337, %mul3A_575 : i32
      %add3A_577 = arith.addi %mul3A_2, %mul3A_576 : i32
      %dma_start3A_578 = arith.constant 3 : i32
      %dma_start3A_579 = arith.constant 0 : i32
      %dma_start3A_580 = arith.constant 0 : i32
      %dma_start3A_581 = tpu.memref_slice %arg5[%add3A_574, %dma_start3A_579, %dma_start3A_580] : memref<12x8x1024xf32, #tpu.memory_space<vmem>> -> memref<1x8x1024xf32, #tpu.memory_space<vmem>>
      %dma_start3A_582 = tpu.memref_squeeze %dma_start3A_581 : memref<1x8x1024xf32, #tpu.memory_space<vmem>> -> memref<8x1024xf32, #tpu.memory_space<vmem>>
      %dma_start3A_583 = arith.constant 0 : i32
      %dma_start3A_584 = tpu.memref_slice %arg4[%dma_start3A_578, %add3A_577, %dma_start3A_583] : memref<4x4096x1024xf32, #tpu.memory_space<hbm>> -> memref<1x8x1024xf32, #tpu.memory_space<hbm>>
      %dma_start3A_585 = tpu.memref_squeeze %dma_start3A_584 : memref<1x8x1024xf32, #tpu.memory_space<hbm>> -> memref<8x1024xf32, #tpu.memory_space<hbm>>
      %dma_start3A_586 = tpu.memref_slice %arg8[%add3A_574] : memref<12x!tpu.dma_semaphore, #tpu.memory_space<semaphore_mem>> -> memref<1x!tpu.dma_semaphore, #tpu.memory_space<semaphore_mem>>
      %dma_start3A_587 = tpu.memref_squeeze %dma_start3A_586 : memref<1x!tpu.dma_semaphore, #tpu.memory_space<semaphore_mem>> -> memref<!tpu.dma_semaphore, #tpu.memory_space<semaphore_mem>>
      %dma_start3A_588 = arith.constant 0 : i32
      %dma_start3A_589 = tpu.memref_slice %arg4[%dma_start3A_578, %add3A_577, %dma_start3A_588] : memref<4x4096x1024xf32, #tpu.memory_space<hbm>> -> memref<1x8x1024xf32, #tpu.memory_space<hbm>>
      %dma_start3A_590 = tpu.memref_squeeze %dma_start3A_589 : memref<1x8x1024xf32, #tpu.memory_space<hbm>> -> memref<8x1024xf32, #tpu.memory_space<hbm>>
      %dma_start3A_591 = arith.constant 0 : i32
      %dma_start3A_592 = arith.constant 0 : i32
      %dma_start3A_593 = tpu.memref_slice %arg5[%add3A_574, %dma_start3A_591, %dma_start3A_592] : memref<12x8x1024xf32, #tpu.memory_space<vmem>> -> memref<1x8x1024xf32, #tpu.memory_space<vmem>>
      %dma_start3A_594 = tpu.memref_squeeze %dma_start3A_593 : memref<1x8x1024xf32, #tpu.memory_space<vmem>> -> memref<8x1024xf32, #tpu.memory_space<vmem>>
      tpu.enqueue_dma source(%dma_start3A_594 : memref<8x1024xf32, #tpu.memory_space<vmem>>) target(%dma_start3A_590 : memref<8x1024xf32, #tpu.memory_space<hbm>>) target_semaphore(%dma_start3A_587 : memref<!tpu.dma_semaphore, #tpu.memory_space<semaphore_mem>>)
      %scan3A_595 = arith.constant 0 : i32
      scf.yield %scan3A_595 : i32
    }
    %scan3A_233 = arith.constant 16 : i32
    %rem3A_234 = arith.constant 15 : i32
    %rem3A_235 = arith.constant 3 : i32
    %rem3A_236 = arith.remsi %rem3A_234, %rem3A_235 : i32
    %mul3A_237 = arith.constant 4 : i32
    %mul3A_238 = arith.muli %rem3A_236, %mul3A_237 : i32
    %add3A_239 = arith.constant 0 : i32
    %add3A_240 = arith.addi %mul3A_238, %add3A_239 : i32
    %add3A_241 = arith.constant 120 : i32
    %add3A_242 = arith.addi %mul3A_2, %add3A_241 : i32
    %dma_wait3A = arith.constant 0 : i32
    %dma_wait3A_243 = arith.constant 0 : i32
    %dma_wait3A_244 = arith.constant 0 : i32
    %dma_wait3A_245 = tpu.memref_slice %arg5[%add3A_240, %dma_wait3A_243, %dma_wait3A_244] : memref<12x8x1024xf32, #tpu.memory_space<vmem>> -> memref<1x8x1024xf32, #tpu.memory_space<vmem>>
    %dma_wait3A_246 = tpu.memref_squeeze %dma_wait3A_245 : memref<1x8x1024xf32, #tpu.memory_space<vmem>> -> memref<8x1024xf32, #tpu.memory_space<vmem>>
    %dma_wait3A_247 = arith.constant 0 : i32
    %dma_wait3A_248 = tpu.memref_slice %arg4[%dma_wait3A, %add3A_242, %dma_wait3A_247] : memref<4x4096x1024xf32, #tpu.memory_space<hbm>> -> memref<1x8x1024xf32, #tpu.memory_space<hbm>>
    %dma_wait3A_249 = tpu.memref_squeeze %dma_wait3A_248 : memref<1x8x1024xf32, #tpu.memory_space<hbm>> -> memref<8x1024xf32, #tpu.memory_space<hbm>>
    %dma_wait3A_250 = tpu.memref_slice %arg8[%add3A_240] : memref<12x!tpu.dma_semaphore, #tpu.memory_space<semaphore_mem>> -> memref<1x!tpu.dma_semaphore, #tpu.memory_space<semaphore_mem>>
    %dma_wait3A_251 = tpu.memref_squeeze %dma_wait3A_250 : memref<1x!tpu.dma_semaphore, #tpu.memory_space<semaphore_mem>> -> memref<!tpu.dma_semaphore, #tpu.memory_space<semaphore_mem>>
    %dma_wait3A_252 = arith.constant 0 : i32
    %dma_wait3A_253 = tpu.memref_slice %arg4[%dma_wait3A, %add3A_242, %dma_wait3A_252] : memref<4x4096x1024xf32, #tpu.memory_space<hbm>> -> memref<1x8x1024xf32, #tpu.memory_space<hbm>>
    %dma_wait3A_254 = tpu.memref_squeeze %dma_wait3A_253 : memref<1x8x1024xf32, #tpu.memory_space<hbm>> -> memref<8x1024xf32, #tpu.memory_space<hbm>>
    %dma_wait3A_255 = arith.constant 0 : i32
    %dma_wait3A_256 = arith.constant 0 : i32
    %dma_wait3A_257 = tpu.memref_slice %arg5[%add3A_240, %dma_wait3A_255, %dma_wait3A_256] : memref<12x8x1024xf32, #tpu.memory_space<vmem>> -> memref<1x8x1024xf32, #tpu.memory_space<vmem>>
    %dma_wait3A_258 = tpu.memref_squeeze %dma_wait3A_257 : memref<1x8x1024xf32, #tpu.memory_space<vmem>> -> memref<8x1024xf32, #tpu.memory_space<vmem>>
    tpu.wait_dma2 semaphore(%dma_wait3A_251 : memref<!tpu.dma_semaphore, #tpu.memory_space<semaphore_mem>>) src(%dma_wait3A_258 : memref<8x1024xf32, #tpu.memory_space<vmem>>) dst(%dma_wait3A_254 : memref<8x1024xf32, #tpu.memory_space<hbm>>)
    %rem3A_259 = arith.constant 15 : i32
    %rem3A_260 = arith.constant 3 : i32
    %rem3A_261 = arith.remsi %rem3A_259, %rem3A_260 : i32
    %mul3A_262 = arith.constant 4 : i32
    %mul3A_263 = arith.muli %rem3A_261, %mul3A_262 : i32
    %add3A_264 = arith.constant 1 : i32
    %add3A_265 = arith.addi %mul3A_263, %add3A_264 : i32
    %add3A_266 = arith.constant 120 : i32
    %add3A_267 = arith.addi %mul3A_2, %add3A_266 : i32
    %dma_wait3A_268 = arith.constant 1 : i32
    %dma_wait3A_269 = arith.constant 0 : i32
    %dma_wait3A_270 = arith.constant 0 : i32
    %dma_wait3A_271 = tpu.memref_slice %arg5[%add3A_265, %dma_wait3A_269, %dma_wait3A_270] : memref<12x8x1024xf32, #tpu.memory_space<vmem>> -> memref<1x8x1024xf32, #tpu.memory_space<vmem>>
    %dma_wait3A_272 = tpu.memref_squeeze %dma_wait3A_271 : memref<1x8x1024xf32, #tpu.memory_space<vmem>> -> memref<8x1024xf32, #tpu.memory_space<vmem>>
    %dma_wait3A_273 = arith.constant 0 : i32
    %dma_wait3A_274 = tpu.memref_slice %arg4[%dma_wait3A_268, %add3A_267, %dma_wait3A_273] : memref<4x4096x1024xf32, #tpu.memory_space<hbm>> -> memref<1x8x1024xf32, #tpu.memory_space<hbm>>
    %dma_wait3A_275 = tpu.memref_squeeze %dma_wait3A_274 : memref<1x8x1024xf32, #tpu.memory_space<hbm>> -> memref<8x1024xf32, #tpu.memory_space<hbm>>
    %dma_wait3A_276 = tpu.memref_slice %arg8[%add3A_265] : memref<12x!tpu.dma_semaphore, #tpu.memory_space<semaphore_mem>> -> memref<1x!tpu.dma_semaphore, #tpu.memory_space<semaphore_mem>>
    %dma_wait3A_277 = tpu.memref_squeeze %dma_wait3A_276 : memref<1x!tpu.dma_semaphore, #tpu.memory_space<semaphore_mem>> -> memref<!tpu.dma_semaphore, #tpu.memory_space<semaphore_mem>>
    %dma_wait3A_278 = arith.constant 0 : i32
    %dma_wait3A_279 = tpu.memref_slice %arg4[%dma_wait3A_268, %add3A_267, %dma_wait3A_278] : memref<4x4096x1024xf32, #tpu.memory_space<hbm>> -> memref<1x8x1024xf32, #tpu.memory_space<hbm>>
    %dma_wait3A_280 = tpu.memref_squeeze %dma_wait3A_279 : memref<1x8x1024xf32, #tpu.memory_space<hbm>> -> memref<8x1024xf32, #tpu.memory_space<hbm>>
    %dma_wait3A_281 = arith.constant 0 : i32
    %dma_wait3A_282 = arith.constant 0 : i32
    %dma_wait3A_283 = tpu.memref_slice %arg5[%add3A_265, %dma_wait3A_281, %dma_wait3A_282] : memref<12x8x1024xf32, #tpu.memory_space<vmem>> -> memref<1x8x1024xf32, #tpu.memory_space<vmem>>
    %dma_wait3A_284 = tpu.memref_squeeze %dma_wait3A_283 : memref<1x8x1024xf32, #tpu.memory_space<vmem>> -> memref<8x1024xf32, #tpu.memory_space<vmem>>
    tpu.wait_dma2 semaphore(%dma_wait3A_277 : memref<!tpu.dma_semaphore, #tpu.memory_space<semaphore_mem>>) src(%dma_wait3A_284 : memref<8x1024xf32, #tpu.memory_space<vmem>>) dst(%dma_wait3A_280 : memref<8x1024xf32, #tpu.memory_space<hbm>>)
    %rem3A_285 = arith.constant 15 : i32
    %rem3A_286 = arith.constant 3 : i32
    %rem3A_287 = arith.remsi %rem3A_285, %rem3A_286 : i32
    %mul3A_288 = arith.constant 4 : i32
    %mul3A_289 = arith.muli %rem3A_287, %mul3A_288 : i32
    %add3A_290 = arith.constant 2 : i32
    %add3A_291 = arith.addi %mul3A_289, %add3A_290 : i32
    %add3A_292 = arith.constant 120 : i32
    %add3A_293 = arith.addi %mul3A_2, %add3A_292 : i32
    %dma_wait3A_294 = arith.constant 2 : i32
    %dma_wait3A_295 = arith.constant 0 : i32
    %dma_wait3A_296 = arith.constant 0 : i32
    %dma_wait3A_297 = tpu.memref_slice %arg5[%add3A_291, %dma_wait3A_295, %dma_wait3A_296] : memref<12x8x1024xf32, #tpu.memory_space<vmem>> -> memref<1x8x1024xf32, #tpu.memory_space<vmem>>
    %dma_wait3A_298 = tpu.memref_squeeze %dma_wait3A_297 : memref<1x8x1024xf32, #tpu.memory_space<vmem>> -> memref<8x1024xf32, #tpu.memory_space<vmem>>
    %dma_wait3A_299 = arith.constant 0 : i32
    %dma_wait3A_300 = tpu.memref_slice %arg4[%dma_wait3A_294, %add3A_293, %dma_wait3A_299] : memref<4x4096x1024xf32, #tpu.memory_space<hbm>> -> memref<1x8x1024xf32, #tpu.memory_space<hbm>>
    %dma_wait3A_301 = tpu.memref_squeeze %dma_wait3A_300 : memref<1x8x1024xf32, #tpu.memory_space<hbm>> -> memref<8x1024xf32, #tpu.memory_space<hbm>>
    %dma_wait3A_302 = tpu.memref_slice %arg8[%add3A_291] : memref<12x!tpu.dma_semaphore, #tpu.memory_space<semaphore_mem>> -> memref<1x!tpu.dma_semaphore, #tpu.memory_space<semaphore_mem>>
    %dma_wait3A_303 = tpu.memref_squeeze %dma_wait3A_302 : memref<1x!tpu.dma_semaphore, #tpu.memory_space<semaphore_mem>> -> memref<!tpu.dma_semaphore, #tpu.memory_space<semaphore_mem>>
    %dma_wait3A_304 = arith.constant 0 : i32
    %dma_wait3A_305 = tpu.memref_slice %arg4[%dma_wait3A_294, %add3A_293, %dma_wait3A_304] : memref<4x4096x1024xf32, #tpu.memory_space<hbm>> -> memref<1x8x1024xf32, #tpu.memory_space<hbm>>
    %dma_wait3A_306 = tpu.memref_squeeze %dma_wait3A_305 : memref<1x8x1024xf32, #tpu.memory_space<hbm>> -> memref<8x1024xf32, #tpu.memory_space<hbm>>
    %dma_wait3A_307 = arith.constant 0 : i32
    %dma_wait3A_308 = arith.constant 0 : i32
    %dma_wait3A_309 = tpu.memref_slice %arg5[%add3A_291, %dma_wait3A_307, %dma_wait3A_308] : memref<12x8x1024xf32, #tpu.memory_space<vmem>> -> memref<1x8x1024xf32, #tpu.memory_space<vmem>>
    %dma_wait3A_310 = tpu.memref_squeeze %dma_wait3A_309 : memref<1x8x1024xf32, #tpu.memory_space<vmem>> -> memref<8x1024xf32, #tpu.memory_space<vmem>>
    tpu.wait_dma2 semaphore(%dma_wait3A_303 : memref<!tpu.dma_semaphore, #tpu.memory_space<semaphore_mem>>) src(%dma_wait3A_310 : memref<8x1024xf32, #tpu.memory_space<vmem>>) dst(%dma_wait3A_306 : memref<8x1024xf32, #tpu.memory_space<hbm>>)
    %rem3A_311 = arith.constant 15 : i32
    %rem3A_312 = arith.constant 3 : i32
    %rem3A_313 = arith.remsi %rem3A_311, %rem3A_312 : i32
    %mul3A_314 = arith.constant 4 : i32
    %mul3A_315 = arith.muli %rem3A_313, %mul3A_314 : i32
    %add3A_316 = arith.constant 3 : i32
    %add3A_317 = arith.addi %mul3A_315, %add3A_316 : i32
    %add3A_318 = arith.constant 120 : i32
    %add3A_319 = arith.addi %mul3A_2, %add3A_318 : i32
    %dma_wait3A_320 = arith.constant 3 : i32
    %dma_wait3A_321 = arith.constant 0 : i32
    %dma_wait3A_322 = arith.constant 0 : i32
    %dma_wait3A_323 = tpu.memref_slice %arg5[%add3A_317, %dma_wait3A_321, %dma_wait3A_322] : memref<12x8x1024xf32, #tpu.memory_space<vmem>> -> memref<1x8x1024xf32, #tpu.memory_space<vmem>>
    %dma_wait3A_324 = tpu.memref_squeeze %dma_wait3A_323 : memref<1x8x1024xf32, #tpu.memory_space<vmem>> -> memref<8x1024xf32, #tpu.memory_space<vmem>>
    %dma_wait3A_325 = arith.constant 0 : i32
    %dma_wait3A_326 = tpu.memref_slice %arg4[%dma_wait3A_320, %add3A_319, %dma_wait3A_325] : memref<4x4096x1024xf32, #tpu.memory_space<hbm>> -> memref<1x8x1024xf32, #tpu.memory_space<hbm>>
    %dma_wait3A_327 = tpu.memref_squeeze %dma_wait3A_326 : memref<1x8x1024xf32, #tpu.memory_space<hbm>> -> memref<8x1024xf32, #tpu.memory_space<hbm>>
    %dma_wait3A_328 = tpu.memref_slice %arg8[%add3A_317] : memref<12x!tpu.dma_semaphore, #tpu.memory_space<semaphore_mem>> -> memref<1x!tpu.dma_semaphore, #tpu.memory_space<semaphore_mem>>
    %dma_wait3A_329 = tpu.memref_squeeze %dma_wait3A_328 : memref<1x!tpu.dma_semaphore, #tpu.memory_space<semaphore_mem>> -> memref<!tpu.dma_semaphore, #tpu.memory_space<semaphore_mem>>
    %dma_wait3A_330 = arith.constant 0 : i32
    %dma_wait3A_331 = tpu.memref_slice %arg4[%dma_wait3A_320, %add3A_319, %dma_wait3A_330] : memref<4x4096x1024xf32, #tpu.memory_space<hbm>> -> memref<1x8x1024xf32, #tpu.memory_space<hbm>>
    %dma_wait3A_332 = tpu.memref_squeeze %dma_wait3A_331 : memref<1x8x1024xf32, #tpu.memory_space<hbm>> -> memref<8x1024xf32, #tpu.memory_space<hbm>>
    %dma_wait3A_333 = arith.constant 0 : i32
    %dma_wait3A_334 = arith.constant 0 : i32
    %dma_wait3A_335 = tpu.memref_slice %arg5[%add3A_317, %dma_wait3A_333, %dma_wait3A_334] : memref<12x8x1024xf32, #tpu.memory_space<vmem>> -> memref<1x8x1024xf32, #tpu.memory_space<vmem>>
    %dma_wait3A_336 = tpu.memref_squeeze %dma_wait3A_335 : memref<1x8x1024xf32, #tpu.memory_space<vmem>> -> memref<8x1024xf32, #tpu.memory_space<vmem>>
    tpu.wait_dma2 semaphore(%dma_wait3A_329 : memref<!tpu.dma_semaphore, #tpu.memory_space<semaphore_mem>>) src(%dma_wait3A_336 : memref<8x1024xf32, #tpu.memory_space<vmem>>) dst(%dma_wait3A_332 : memref<8x1024xf32, #tpu.memory_space<hbm>>)
    return
  }
}

</mosaic_0001>

<sc_bundles>
// kernel: kernel.3.cloned.1.call-start
scs
__scs_entry_jumppad:
0x0: {  	(pc) =	sbr.rel $0x88, $3  }
0x1: {  	(tag) =	ssettag $0x0;
	lr =	simm.s32 $0x1  }
0x2: {  	[smem:$0x3F9F] =	sst lr;
	_ =	strace $0xD0000000  }
0x3: {  	_ = 	snop  }
0x4: {  	_ = 	snop  }
0x5: {  	_ = 	snop  }
0x6: {  	_ = 	snop  }
0x7: {  	_ = 	snop  }
__scs_overlays_trampoline_lowered:
0x8: {  	[smem:$0x3FAE] =	sst s0  }
0x9: {  	[smem:$0x3FAF] =	sst s1  }
0xa: {  	[smem:$0x3FB0] =	sst s2  }
0xb: {  	[smem:$0x3FB1] =	sst s3  }
0xc: {  	[smem:$0x3FB2] =	sst s4  }
0xd: {  	[smem:$0x3FB3] =	sst s5  }
0xe: {  	[smem:$0x3FB4] =	sst s6  }
0xf: {  	[smem:$0x3FB5] =	sst s7  }
0x10: {  	[smem:$0x3FB6] =	sst s8  }
0x11: {  	[smem:$0x3FB7] =	sst s9;
	s0 =	simm.s32 @!p0 $0x0  }
0x12: {  	s1 =	sld [smem:$0x3F9D];
	s0 =	simm.s32 @p0 $0x1  }
0x13: {  	[smem:$0x3FB8] =	sst s0;
	s0 =	simm.s32 @!p1 $0x0  }
0x14: {  	s2 =	sld [smem:$0x3F9C];
	s0 =	simm.s32 @p1 $0x1  }
0x15: {  	[smem:$0x3FB9] =	sst s0;
	s0 =	simm.s32 @!p2 $0x0  }
0x16: {  	s3 =	sld [smem:$0x3FDB];
	s0 =	simm.s32 @p2 $0x1  }
0x17: {  	s4 =	simm.s32 $0x1BF5;
	[smem:$0x3FBB] =	sst s0  }
0x18: {  	s0 =	sld [smem:$0x3F9E];
	_ =	swait.ge [sflag:s4], $0x0  }
0x19: {  	s7 =	sld [smem:$0x3F9F]  }
0x1a: {  	s8 =	sadd.s32 $0xFFFFE003, lr  }
0x1b: {  	s9 =	sadd.s32 $0xFFFFFEF7, lr;
	s5 =	simm.s32 $0xFFFFFFFF;
	p2 =	slt.u32 s8, $0xFFFFF086  }
0x1c: {  	p1 =	slt.u32 s9, $0xF7A;
	s5 =	simm.s32 @!p2 $0x0  }
0x1d: {  	s5 =	simm.s32 @p1 $0x1;
	p0 =	seq.s32 s7, s2  }
0x1e: {  	s7 =	smul.u32 @!p0 $0xF7A, s2;
	p2 =	seq.s32 @!p0 s5, $0x0  }
0x1f: {  	s9 =	smul.u32 $0xF7A, s1;
	s8 =	simm.s32 @!p0 $0x1BF5;
	p2 =	por !p2, p0  }
0x20: {  	[sflag:s8] =	ssyncset.s32 @!p0 $0xFFFFF086;
	s6 =	sadd.s32 @!p0 s3, s7;
	s7 =	simm.s32 @!p0 $0x108  }
0x21: {  	s3 =	sadd.s32 s3, s9;
	s6 =	sadd.s32 @!p0 $0x88, s6;
	s7 =	simm.s32 @p2 $0x1082  }
0x22: {  	[simem:s7], [sflag:s8] =	dma.local @!p0 [hbm:s6], $0xF7A  }
0x23: {  	s9 =	sor.u32 $0xD0000000, s2;
	s6 =	simm.s32 $0x108;
	_ =	swait.ge @!p0 [sflag:s8], $0x0  }
0x24: {  	s3 =	sadd.s32 $0x88, s3;
	s6 =	simm.s32 @!p1 $0x1082;
	[sflag:s4] =	ssyncset.s32 $0xFFFFF086  }
0x25: {  	[simem:s6], [sflag:s4] =	dma.local [hbm:s3], $0xF7A  }
0x26: {  	[smem:$0x3F9F] =	sst s1;
	(tag) =	ssettag s2;
	_ =	strace s9  }
0x27: {  	s1 =	sld [smem:$0x3FAF]  }
0x28: {  	s2 =	sld [smem:$0x3FB0]  }
0x29: {  	s4 =	sld [smem:$0x3FB2]  }
0x2a: {  	p0 =	seq.s32 s5, $0x0;
	s5 =	sld [smem:$0x3FB3]  }
0x2b: {  	s6 =	sld [smem:$0x3FB4]  }
0x2c: {  	s7 =	sld [smem:$0x3FB5]  }
0x2d: {  	s3 =	simm.s32 $0x108;
	s8 =	sld [smem:$0x3FB6]  }
0x2e: {  	s3 =	simm.s32 @!p0 $0x1082;
	s9 =	sld [smem:$0x3FB7]  }
0x2f: {  	lr =	sadd.s32 s0, s3;
	s0 =	sld [smem:$0x3FAE]  }
0x30: {  	s3 =	sld [smem:$0x3FB1]  }
0x31: {  	[smem:$0x3FBA] =	sst s10  }
0x32: {  	s10 =	sld [smem:$0x3FB8];
	_ =	sdelay $0x3  }
0x33: {  	p0 =	seq.s32 s10, $0x1;
	s10 =	sld [smem:$0x3FBA];
	_ =	sdelay $0x3  }
0x34: {  	[smem:$0x3FBA] =	sst s10  }
0x35: {  	s10 =	sld [smem:$0x3FB9];
	_ =	sdelay $0x3  }
0x36: {  	p1 =	seq.s32 s10, $0x1;
	s10 =	sld [smem:$0x3FBA];
	_ =	sdelay $0x3  }
0x37: {  	[smem:$0x3FBA] =	sst s10  }
0x38: {  	s10 =	sld [smem:$0x3FBB]  }
0x39: {  	_ = 	snop;
	(pc) =	sbr.ind lr, $3  }
0x3a: {  	_ = 	snop  }
0x3b: {  	_ = 	snop  }
0x3c: {  	p2 =	seq.s32 s10, $0x1;
	s10 =	sld [smem:$0x3FBA]  }
0x3d: {  	_ =	shalt  }
0x3e: {  	_ =	shalt  }
0x3f: {  	_ =	shalt  }
0x40: {  	_ =	shalt  }
0x41: {  	_ =	shalt  }
0x42: {  	_ =	shalt  }
0x43: {  	_ =	shalt  }
0x44: {  	_ =	shalt  }
0x45: {  	_ =	shalt  }
0x46: {  	_ =	shalt  }
0x47: {  	_ =	shalt  }
0x48: {  	_ =	shalt  }
0x49: {  	_ =	shalt  }
0x4a: {  	_ =	shalt  }
0x4b: {  	_ =	shalt  }
0x4c: {  	_ =	shalt  }
0x4d: {  	_ =	shalt  }
0x4e: {  	_ =	shalt  }
0x4f: {  	_ =	shalt  }
0x50: {  	_ =	shalt  }
0x51: {  	_ =	shalt  }
0x52: {  	_ =	shalt  }
0x53: {  	_ =	shalt  }
0x54: {  	_ =	shalt  }
0x55: {  	_ =	shalt  }
0x56: {  	_ =	shalt  }
0x57: {  	_ =	shalt  }
0x58: {  	_ =	shalt  }
0x59: {  	_ =	shalt  }
0x5a: {  	_ =	shalt  }
0x5b: {  	_ =	shalt  }
0x5c: {  	_ =	shalt  }
0x5d: {  	_ =	shalt  }
0x5e: {  	_ =	shalt  }
0x5f: {  	_ =	shalt  }
0x60: {  	_ =	shalt  }
0x61: {  	_ =	shalt  }
0x62: {  	_ =	shalt  }
0x63: {  	_ =	shalt  }
0x64: {  	_ =	shalt  }
0x65: {  	_ =	shalt  }
0x66: {  	_ =	shalt  }
0x67: {  	_ =	shalt  }
0x68: {  	_ =	shalt  }
0x69: {  	_ =	shalt  }
0x6a: {  	_ =	shalt  }
0x6b: {  	_ =	shalt  }
0x6c: {  	_ =	shalt  }
0x6d: {  	_ =	shalt  }
0x6e: {  	_ =	shalt  }
0x6f: {  	_ =	shalt  }
0x70: {  	_ =	shalt  }
0x71: {  	_ =	shalt  }
0x72: {  	_ =	shalt  }
0x73: {  	_ =	shalt  }
0x74: {  	_ =	shalt  }
0x75: {  	_ =	shalt  }
0x76: {  	_ =	shalt  }
0x77: {  	_ =	shalt  }
0x78: {  	_ =	shalt  }
0x79: {  	_ =	shalt  }
0x7a: {  	_ =	shalt  }
0x7b: {  	_ =	shalt  }
0x7c: {  	_ =	shalt  }
0x7d: {  	_ =	shalt  }
0x7e: {  	_ =	shalt  }
0x7f: {  	_ =	shalt  }
0x80: {  	_ =	shalt  }
0x81: {  	_ =	shalt  }
0x82: {  	_ =	shalt  }
0x83: {  	_ =	shalt  }
0x84: {  	_ =	shalt  }
0x85: {  	_ =	shalt  }
0x86: {  	_ =	shalt  }
0x87: {  	_ =	shalt  }
.Lfunc_end0:
.L_simem_size_0:
called_computation_lowered:
.L_overlay_start_0:
0x88: {  	s2 =	sld [smem:$0x3FD9]  }
0x89: {  	s3 =	sld [smem:$0x3FFE];
	_ =	sdelay $0x1  }
0x8a: {  	s1 =	srdreg.scid  }
0x8b: {  	s0 =	sand.u32 $0x1, s1  }
0x8c: {  	s18 =	sshll.u32 s0, $0xA;
	s2 =	sadd.s32 s3, s2  }
0x8d: {  	s2 =	sadd.s32 s2, s18  }
0x8e: {  	[smem:$0x3FC6] =	sst s2  }
0x8f: {  	_ = 	snop  }
0x90: {  	s2 =	sld [smem:$0x3FC9]  }
0x91: {  	s19 =	sld [smem:$0x3FC8]  }
0x92: {  	s4 =	sld [smem:$0x3FD0];
	(tm) =	ssettm $0x1  }
0x93: {  	s5 =	sld [smem:$0x3FFB];
	_ =	sdelay $0x3  }
0x94: {  	_ =	strace s5  }
0x95: {  	s5 =	sld [smem:$0x3FFC];
	_ =	sdelay $0x3  }
0x96: {  	_ =	strace s5  }
0x97: {  	s5 =	sld [smem:$0x3FFD];
	_ =	sdelay $0x3  }
0x98: {  	_ =	strace s5  }
0x99: {  	_ =	strace $0x8FFFFFFF  }
0x9a: {  	s20 =	sld [smem:$0x3FDB];
	_ =	sdelay $0x1  }
0x9b: {  	s6 =	simm.s32 $_scs_section_size  }
0x9c: {  	s7 =	simm.s32 $_size__tile_overlayer_lowered;
	s8 =	simm.s32 $_tile_overlayer_lowered  }
0x9d: {  	s23 =	simm.s32 $0x1BFF;
	s22 =	sshll.u32 s8, $0x1;
	s5 =	sadd.s32 s6, s20  }
0x9e: {  	s9 =	simm.s32 $0x0;
	s21 =	sshll.u32 s7, $0x1;
	s7 =	sadd.s32 s22, s5  }
0x9f: {  	[timem:s9], [sflag:s23] =	dma.local [hbm:s7], s21  }
0xa0: {  	_ =	swait.ge [sflag:s23], s21  }
0xa1: {  	s6 =	ssub.s32 $0x0, s21;
	[sflag:s23] =	ssyncset.done $0x0  }
0xa2: {  	[sflag:s23] =	ssyncadd.s32 s6;
	_ =	sdelay $0x1  }
0xa3: {  	s24 =	simm.s32 $0x1B8B  }
0xa4: {  	_ =	swait.ge [sflag:s24], $0x1  }
0xa5: {  	[sflag:s24] =	ssyncset.done $0x0  }
0xa6: {  	s25 =	simm.s32 $0x1B8E;
	[sflag:s24] =	ssyncadd.s32 $0xFFFFFFFF  }
0xa7: {  	s26 =	simm.s32 $execute0_lowered;
	[smem:$0x3FD2] =	sst s25  }
0xa8: {  	s6 =	sshll.u32 s26, $0x1;
	_ =	strace $0x80000046;
	[dreg:$0x1] =	wrdreg $0xFFFFFFFF  }
0xa9: {  	s28 =	simm.s32 $_size_execute0_lowered;
	s5 =	sadd.s32 s5, s6;
	[dreg:$0x0] =	wrdreg $0x0  }
0xaa: {  	s6 =	sshll.u32 s28, $0x1;
	[dreg:$0x2] =	wrdreg s5  }
0xab: {  	[dreg:$0x3] =	wrdreg s6  }
0xac: {  	[dreg:$0x4] =	wrdreg $0xC0  }
0xad: {  	_ =	task [dreg:s9], $0x5FFFF  }
0xae: {  	[dreg:$0x1] =	wrdreg $0xFFFFFFFF  }
0xaf: {  	[dreg:$0x0] =	wrdreg $0x60  }
0xb0: {  	[dreg:$0x2] =	wrdreg s2  }
0xb1: {  	[dreg:$0x3] =	wrdreg s19  }
0xb2: {  	[dreg:$0x4] =	wrdreg s4  }
0xb3: {  	[dreg:$0x5] =	wrdreg $0x9  }
0xb4: {  	_ =	task.clear_ibuf [dreg:s9], $0x6FFFF;
	_ =	strace $0x90000046  }
0xb5: {  	s29 =	simm.s32 $0x9;
	_ =	strace $0x80000048  }
0xb6: {  	_ =	swait.ge [sflag:s29], $0x1  }
0xb7: {  	[sflag:s29] =	ssyncadd.s32 $0xFFFFFFFF  }
0xb8: {  	_ =	strace $0x90000048  }
0xb9: {  	_ =	sfence  }
0xba: {  	s30 =	sld [smem:$0x0];
	_ =	sdelay $0x2  }
0xbb: {  	s31 =	sshll.u32 s1, $0xD;
	s1 =	sshrl.u32 s1, $0x2  }
0xbc: {  	s3 =	sand.u32 $0x4000, s31;
	s1 =	sadd.s32 s1, s30  }
0xbd: {  	s0 =	sor.u32 s3, s0;
	s1 =	sshll.u32 s1, $0x11  }
0xbe: {  	s0 =	sor.u32 s1, s0  }
0xbf: {  	s0 =	sadd.s32 $0x8F2B, s0  }
0xc0: {  	[sflag:s0] =	ssyncadd.remote.s32 $0x1  }
0xc1: {  	_ =	sfence.sel $0xFFFF  }
0xc2: {  	[dreg:$0x0] =	wrdreg $0xFFFFFFFF;
	(pc) =	sbr.abs _section_cstart, $3  }
0xc3: {  	[dreg:$0x1] =	wrdreg $0xFFFFFFFF  }
0xc4: {  	_ =	task.clear_ibuf [dreg:s9], $0x2FFFF;
	_ =	strace $0x9FFFFFFF  }
0xc5: {  	(tm) =	ssettm $0x7FFFFFFF  }
tec
execute0_lowered:
.L_overlay_start_1:
0x0: {  	(tag) =	ssettag $0x1  }
0x1: {  	s4 =	rddreg [dreg:$0x0]  }
0x2: {  	s5 =	rddreg [dreg:$0x1];
	s0 =	srdreg.scid  }
0x3: {  	s6 =	rddreg [dreg:$0x2];
	s1 =	stileid.u32  }
0x4: {  	s3 =	simm.s32 $0x0;
	s0 =	sand.u32 $0x1, s0;
	s1 =	sshll.u32 s1, $0x8  }
0x5: {  	[smem:$0x7FF] =	sst s3;
	s31 =	sadd.s32 $0x180000, s6;
	s2 =	sshll.u32 s0, $0x7  }
0x6: {  	s0 =	ssub.s32 $0x2, s0;
	_ =	strace $0x80000047;
	s1 =	sor.u32 s2, s1  }
0x7: {  	[dreg:$0xe] =	wrdreg s31;
	s22 =	sshll.u32 s1, $0x7;
	s11 =	sshrl.u32 s1, $0x3  }
0x8: {  	s21 =	sshrl.u32 s0, $0x1;
	s3 =	sadd.s32 s5, s22;
	[dreg:$0xd] =	wrdreg s11  }
0x9: {  	s0 =	ssub.s32 s0, s21;
	s23 =	sadd.s32 s4, s22;
	[dreg:$0x5] =	wrdreg s3  }
0xa: {  	s0 =	smax.u32 s0, $0x1;
	[dreg:$0x4] =	wrdreg s23  }
0xb: {  	s24 =	sadd.s32 $0x80000, s23;
	[dreg:$0xf] =	wrdreg s0  }
0xc: {  	s25 =	sadd.s32 $0x100000, s23;
	[dreg:$0x6] =	wrdreg s24  }
0xd: {  	s26 =	sadd.s32 $0x180000, s23;
	[dreg:$0x7] =	wrdreg s25  }
0xe: {  	s28 =	sadd.s32 $0x400, s23;
	[dreg:$0x8] =	wrdreg s26  }
0xf: {  	s29 =	sadd.s32 $0x80400, s23;
	[dreg:$0x9] =	wrdreg s28  }
0x10: {  	s30 =	sadd.s32 $0x100400, s23;
	[dreg:$0xa] =	wrdreg s29  }
0x11: {  	s2 =	sadd.s32 $0x180400, s23;
	[dreg:$0xb] =	wrdreg s30  }
0x12: {  	[dreg:$0xc] =	wrdreg s2;
	s2 =	simm.s32 $0x0  }
.LBB2_1:
0x13: {  	s0 =	simm.s32 $0x0;
	s1 =	rddreg [dreg:$0x5];
	s15 =	simm.s32 $0x18000  }
0x14: {  	[tilespmem:s15], [sflag:$0x19] =	stream.linear.gather [hbm4b:s1+s0], $0x2000, $0x38;
	[tilespmem:$0x1C000] =	vst v63  }
0x15: {  	s16 =	rddreg [dreg:$0x4]  }
0x16: {  	[tilespmem:s0], [sflag:$0x1] =	stream.linear.gather [hbm4b:s16+s0], $0x2000, $0x38;
	[tilespmem:$0x1C000] =	vst v63  }
0x17: {  	s17 =	rddreg [dreg:$0x6];
	s18 =	simm.s32 $0x2000  }
0x18: {  	[tilespmem:s18], [sflag:$0x2] =	stream.linear.gather [hbm4b:s17+s0], $0x2000, $0x38;
	[tilespmem:$0x1C000] =	vst v63  }
0x19: {  	s19 =	rddreg [dreg:$0x7];
	s20 =	simm.s32 $0x4000  }
0x1a: {  	[tilespmem:s20], [sflag:$0x3] =	stream.linear.gather [hbm4b:s19+s0], $0x2000, $0x38;
	[tilespmem:$0x1C000] =	vst v63  }
0x1b: {  	s21 =	rddreg [dreg:$0x8];
	s22 =	simm.s32 $0x6000  }
0x1c: {  	[tilespmem:s22], [sflag:$0x4] =	stream.linear.gather [hbm4b:s21+s0], $0x2000, $0x38;
	[tilespmem:$0x1C000] =	vst v63  }
0x1d: {  	s23 =	rddreg [dreg:$0x9];
	s24 =	simm.s32 $0x8000  }
0x1e: {  	[tilespmem:s24], [sflag:$0x5] =	stream.linear.gather [hbm4b:s23+s0], $0x2000, $0x38;
	[tilespmem:$0x1C000] =	vst v63  }
0x1f: {  	s25 =	rddreg [dreg:$0xa];
	s26 =	simm.s32 $0xA000  }
0x20: {  	[tilespmem:s26], [sflag:$0x6] =	stream.linear.gather [hbm4b:s25+s0], $0x2000, $0x38;
	[tilespmem:$0x1C000] =	vst v63  }
0x21: {  	s28 =	rddreg [dreg:$0xb];
	s29 =	simm.s32 $0xC000  }
0x22: {  	[tilespmem:s29], [sflag:$0x7] =	stream.linear.gather [hbm4b:s28+s0], $0x2000, $0x38;
	[tilespmem:$0x1C000] =	vst v63  }
0x23: {  	s30 =	rddreg [dreg:$0xc];
	s31 =	simm.s32 $0xE000  }
0x24: {  	[tilespmem:s31], [sflag:$0x8] =	stream.linear.gather [hbm4b:s30+s0], $0x2000, $0x38;
	[tilespmem:$0x1C000] =	vst v63  }
0x25: {  	[dreg:$0x10] =	wrdreg s2;
	s0 =	simm.s32 $0x0  }
.LBB2_2:
0x26: {  	s1 =	smul.u32 $0xAB, s0;
	_ =	sdelay $0x1  }
0x27: {  	s1 =	sshrl.u32 s1, $0x9  }
0x28: {  	s1 =	sand.u32 $0x7F, s1  }
0x29: {  	p0 =	seq.s32 s0, $0xF;
	s2 =	smul.u32 $0x3, s1;
	s1 =	sadd.s32 $0x1, s0  }
0x2a: {  	s6 =	simm.s32 @!p0 $0x0;
	s4 =	sand.u32 @!p0 $0x1, s1  }
0x2b: {  	[dreg:$0x11] =	wrdreg s1;
	s2 =	ssub.s32 s0, s2;
	s5 =	sshll.u32 @!p0 s4, $0xD  }
0x2c: {  	s4 =	sadd.s32 @!p0 $0x19, s4;
	s3 =	sand.u32 $0xFF, s2;
	s2 =	sadd.s32 @!p0 s11, s1  }
0x2d: {  	s1 =	rddreg [dreg:$0x1];
	s18 =	sshll.u32 s3, $0x2;
	s2 =	sshll.u32 @!p0 s2, $0xA  }
0x2e: {  	s5 =	sor.u32 @!p0 $0x18000, s5;
	s2 =	sadd.s32 @!p0 s1, s2;
	s17 =	sadd.s32 $0x1, s18  }
0x2f: {  	[tilespmem:s5], [sflag:s4] =	stream.linear.gather @!p0 [hbm4b:s2+s6], $0x2000, $0x38;
	[tilespmem:$0x1C000] =	vst v63  }
0x30: {  	_ =	swait.ge [sflag:s17], $0x2000  }
0x31: {  	[sflag:s17] =	ssyncset.done $0x0  }
0x32: {  	s19 =	sadd.s32 $0x2, s18;
	[sflag:s17] =	ssyncadd.s32 $0xFFFFE000  }
0x33: {  	_ =	swait.ge [sflag:s19], $0x2000  }
0x34: {  	[sflag:s19] =	ssyncset.done $0x0  }
0x35: {  	s20 =	sadd.s32 $0x3, s18;
	[sflag:s19] =	ssyncadd.s32 $0xFFFFE000  }
0x36: {  	_ =	swait.ge [sflag:s20], $0x2000  }
0x37: {  	[sflag:s20] =	ssyncset.done $0x0  }
0x38: {  	s21 =	sadd.s32 $0x4, s18;
	[sflag:s20] =	ssyncadd.s32 $0xFFFFE000  }
0x39: {  	s22 =	sand.u32 $0x1, s0;
	_ =	swait.ge [sflag:s21], $0x2000  }
0x3a: {  	s24 =	simm.s32 $0x0;
	s23 =	sadd.s32 $0x19, s22;
	[sflag:s21] =	ssyncset.done $0x0  }
0x3b: {  	s9 =	sand.u32 $0x1000, s24;
	s4 =	sshll.u32 s22, $0xD;
	[sflag:s21] =	ssyncadd.s32 $0xFFFFE000  }
0x3c: {  	s8 =	sor.u32 $0xC00, s9;
	s7 =	sor.u32 $0x18000, s4;
	_ =	swait.ge [sflag:s23], $0x2000  }
0x3d: {  	s6 =	sand.u32 $0x380, s24;
	s4 =	sadd.s32 s9, s7;
	[sflag:s23] =	ssyncset.done $0x0  }
0x3e: {  	s25 =	sadd.s32 s8, s7;
	s5 =	sadd.s32 s6, s4;
	[sflag:s23] =	ssyncadd.s32 $0xFFFFE000  }
0x3f: {  	s26 =	sadd.s32 s6, s25;
	v12 =	vld [tilespmem:s5+$0x70]  }
0x40: {  	v0 =	vld [tilespmem:s26+$0x70]  }
0x41: {  	v2 =	vld [tilespmem:s26+$0x50]  }
0x42: {  	v1 =	vld [tilespmem:s26+$0x60]  }
0x43: {  	v3 =	vld [tilespmem:s26+$0x40]  }
0x44: {  	v13 =	vld [tilespmem:s5+$0x50]  }
0x45: {  	v4 =	vld [tilespmem:s26+$0x30]  }
0x46: {  	v5 =	vld [tilespmem:s26+$0x10]  }
0x47: {  	s28 =	sor.u32 $0x800, s9;
	v14 =	vld [tilespmem:s5+$0x60]  }
0x48: {  	s10 =	sadd.s32 s28, s7;
	v6 =	vld [tilespmem:s26+$0x20]  }
0x49: {  	s10 =	sadd.s32 s6, s10;
	v15 =	vld [tilespmem:s5+$0x40]  }
0x4a: {  	v8 =	vld [tilespmem:s10+$0x70]  }
0x4b: {  	v7 =	vld [tilespmem:s26+$0x0]  }
0x4c: {  	v16 =	vld [tilespmem:s5+$0x30]  }
0x4d: {  	v17 =	vld [tilespmem:s5+$0x20]  }
0x4e: {  	v9 =	vld [tilespmem:s10+$0x60]  }
0x4f: {  	v11 =	vld [tilespmem:s10+$0x40]  }
0x50: {  	v18 =	vld [tilespmem:s10+$0x30]  }
0x51: {  	v19 =	vld [tilespmem:s5+$0x10]  }
0x52: {  	v10 =	vld [tilespmem:s10+$0x50]  }
0x53: {  	v20 =	vld [tilespmem:s10+$0x20]  }
0x54: {  	s29 =	sor.u32 $0x400, s9;
	v21 =	vld [tilespmem:s10+$0x10]  }
0x55: {  	s30 =	sadd.s32 s29, s7;
	v22 =	vld [tilespmem:s10+$0x0]  }
0x56: {  	s31 =	sadd.s32 s6, s30;
	v23 =	vld [tilespmem:s5+$0x0]  }
0x57: {  	v24 =	vld [tilespmem:s31+$0x60]  }
0x58: {  	v25 =	vld [tilespmem:s31+$0x70]  }
0x59: {  	v26 =	vld [tilespmem:s31+$0x50]  }
0x5a: {  	v27 =	vld [tilespmem:s31+$0x40]  }
0x5b: {  	s1 =	sor.u32 $0x1, s18;
	v28 =	vld [tilespmem:s31+$0x30]  }
0x5c: {  	s12 =	sor.u32 $0x3, s18;
	s24 =	sshll.u32 s1, $0xD;
	s23 =	sshll.u32 s3, $0xF;
	v29 =	vld [tilespmem:s31+$0x10]  }
0x5d: {  	s13 =	sadd.s32 s9, s24;
	s5 =	sor.u32 $0x2, s18;
	s11 =	sadd.s32 s9, s23;
	v30 =	vld [tilespmem:s31+$0x20]  }
0x5e: {  	s25 =	sshll.u32 s12, $0xD;
	v31 =	vld [tilespmem:s31+$0x0];
	s20 =	sshll.u32 s5, $0xD;
	s3 =	sadd.s32 s6, s11  }
0x5f: {  	[dreg:$0x12] =	wrdreg s5;
	s5 =	sadd.s32 s6, s13;
	s14 =	sadd.s32 s9, s20;
	[tilespmem:s3+$0x0] =	vst.add.f32.msk $0xffff, v23  }
0x60: {  	s9 =	sadd.s32 s9, s25;
	s10 =	sadd.s32 s6, s14;
	[tilespmem:s5+$0x0] =	vst.add.f32.msk $0xffff, v23  }
0x61: {  	s9 =	sadd.s32 s6, s9;
	[tilespmem:s10+$0x0] =	vst.add.f32.msk $0xffff, v23  }
0x62: {  	[tilespmem:s9+$0x0] =	vst.add.f32.msk $0xffff, v23  }
0x63: {  	[tilespmem:s3+$0x10] =	vst.add.f32.msk $0xffff, v19  }
0x64: {  	[tilespmem:s5+$0x10] =	vst.add.f32.msk $0xffff, v19  }
0x65: {  	[tilespmem:s10+$0x10] =	vst.add.f32.msk $0xffff, v19  }
0x66: {  	[tilespmem:s9+$0x10] =	vst.add.f32.msk $0xffff, v19  }
0x67: {  	[tilespmem:s3+$0x20] =	vst.add.f32.msk $0xffff, v17  }
0x68: {  	[tilespmem:s5+$0x20] =	vst.add.f32.msk $0xffff, v17  }
0x69: {  	[tilespmem:s10+$0x20] =	vst.add.f32.msk $0xffff, v17  }
0x6a: {  	[tilespmem:s9+$0x20] =	vst.add.f32.msk $0xffff, v17  }
0x6b: {  	[tilespmem:s3+$0x30] =	vst.add.f32.msk $0xffff, v16  }
0x6c: {  	[tilespmem:s5+$0x30] =	vst.add.f32.msk $0xffff, v16  }
0x6d: {  	[tilespmem:s10+$0x30] =	vst.add.f32.msk $0xffff, v16  }
0x6e: {  	[tilespmem:s9+$0x30] =	vst.add.f32.msk $0xffff, v16  }
0x6f: {  	[tilespmem:s3+$0x40] =	vst.add.f32.msk $0xffff, v15  }
0x70: {  	[tilespmem:s5+$0x40] =	vst.add.f32.msk $0xffff, v15  }
0x71: {  	[tilespmem:s10+$0x40] =	vst.add.f32.msk $0xffff, v15  }
0x72: {  	[tilespmem:s9+$0x40] =	vst.add.f32.msk $0xffff, v15  }
0x73: {  	[tilespmem:s3+$0x50] =	vst.add.f32.msk $0xffff, v13  }
0x74: {  	[tilespmem:s5+$0x50] =	vst.add.f32.msk $0xffff, v13  }
0x75: {  	[tilespmem:s10+$0x50] =	vst.add.f32.msk $0xffff, v13  }
0x76: {  	[tilespmem:s9+$0x50] =	vst.add.f32.msk $0xffff, v13  }
0x77: {  	[tilespmem:s3+$0x60] =	vst.add.f32.msk $0xffff, v14  }
0x78: {  	[tilespmem:s5+$0x60] =	vst.add.f32.msk $0xffff, v14  }
0x79: {  	[tilespmem:s10+$0x60] =	vst.add.f32.msk $0xffff, v14  }
0x7a: {  	[tilespmem:s9+$0x60] =	vst.add.f32.msk $0xffff, v14  }
0x7b: {  	[tilespmem:s3+$0x70] =	vst.add.f32.msk $0xffff, v12  }
0x7c: {  	[tilespmem:s5+$0x70] =	vst.add.f32.msk $0xffff, v12  }
0x7d: {  	s15 =	sadd.s32 s29, s23;
	[tilespmem:s10+$0x70] =	vst.add.f32.msk $0xffff, v12  }
0x7e: {  	s16 =	sadd.s32 s29, s24;
	s3 =	sadd.s32 s6, s15;
	[tilespmem:s9+$0x70] =	vst.add.f32.msk $0xffff, v12  }
0x7f: {  	s17 =	sadd.s32 s29, s20;
	s5 =	sadd.s32 s6, s16;
	[tilespmem:s3+$0x0] =	vst.add.f32.msk $0xffff, v31  }
0x80: {  	s4 =	sadd.s32 s29, s25;
	s9 =	sadd.s32 s6, s17;
	[tilespmem:s5+$0x0] =	vst.add.f32.msk $0xffff, v31  }
0x81: {  	s4 =	sadd.s32 s6, s4;
	[tilespmem:s9+$0x0] =	vst.add.f32.msk $0xffff, v31  }
0x82: {  	[tilespmem:s4+$0x0] =	vst.add.f32.msk $0xffff, v31  }
0x83: {  	[tilespmem:s3+$0x10] =	vst.add.f32.msk $0xffff, v29  }
0x84: {  	[tilespmem:s5+$0x10] =	vst.add.f32.msk $0xffff, v29  }
0x85: {  	[tilespmem:s9+$0x10] =	vst.add.f32.msk $0xffff, v29  }
0x86: {  	[tilespmem:s4+$0x10] =	vst.add.f32.msk $0xffff, v29  }
0x87: {  	[tilespmem:s3+$0x20] =	vst.add.f32.msk $0xffff, v30  }
0x88: {  	[tilespmem:s5+$0x20] =	vst.add.f32.msk $0xffff, v30  }
0x89: {  	[tilespmem:s9+$0x20] =	vst.add.f32.msk $0xffff, v30  }
0x8a: {  	[tilespmem:s4+$0x20] =	vst.add.f32.msk $0xffff, v30  }
0x8b: {  	[tilespmem:s3+$0x30] =	vst.add.f32.msk $0xffff, v28  }
0x8c: {  	[tilespmem:s5+$0x30] =	vst.add.f32.msk $0xffff, v28  }
0x8d: {  	[tilespmem:s9+$0x30] =	vst.add.f32.msk $0xffff, v28  }
0x8e: {  	[tilespmem:s4+$0x30] =	vst.add.f32.msk $0xffff, v28  }
0x8f: {  	[tilespmem:s3+$0x40] =	vst.add.f32.msk $0xffff, v27  }
0x90: {  	[tilespmem:s5+$0x40] =	vst.add.f32.msk $0xffff, v27  }
0x91: {  	[tilespmem:s9+$0x40] =	vst.add.f32.msk $0xffff, v27  }
0x92: {  	[tilespmem:s4+$0x40] =	vst.add.f32.msk $0xffff, v27  }
0x93: {  	[tilespmem:s3+$0x50] =	vst.add.f32.msk $0xffff, v26  }
0x94: {  	[tilespmem:s5+$0x50] =	vst.add.f32.msk $0xffff, v26  }
0x95: {  	[tilespmem:s9+$0x50] =	vst.add.f32.msk $0xffff, v26  }
0x96: {  	[tilespmem:s4+$0x50] =	vst.add.f32.msk $0xffff, v26  }
0x97: {  	[tilespmem:s3+$0x60] =	vst.add.f32.msk $0xffff, v24  }
0x98: {  	[tilespmem:s5+$0x60] =	vst.add.f32.msk $0xffff, v24  }
0x99: {  	[tilespmem:s9+$0x60] =	vst.add.f32.msk $0xffff, v24  }
0x9a: {  	[tilespmem:s4+$0x60] =	vst.add.f32.msk $0xffff, v24  }
0x9b: {  	[tilespmem:s3+$0x70] =	vst.add.f32.msk $0xffff, v25  }
0x9c: {  	[tilespmem:s5+$0x70] =	vst.add.f32.msk $0xffff, v25  }
0x9d: {  	s19 =	sadd.s32 s28, s23;
	[tilespmem:s9+$0x70] =	vst.add.f32.msk $0xffff, v25  }
0x9e: {  	s21 =	sadd.s32 s28, s24;
	s3 =	sadd.s32 s6, s19;
	[tilespmem:s4+$0x70] =	vst.add.f32.msk $0xffff, v25  }
0x9f: {  	s22 =	sadd.s32 s28, s20;
	s5 =	sadd.s32 s6, s21;
	[tilespmem:s3+$0x0] =	vst.add.f32.msk $0xffff, v22  }
0xa0: {  	s2 =	sadd.s32 s28, s25;
	s4 =	sadd.s32 s6, s22;
	[tilespmem:s5+$0x0] =	vst.add.f32.msk $0xffff, v22  }
0xa1: {  	s2 =	sadd.s32 s6, s2;
	[tilespmem:s4+$0x0] =	vst.add.f32.msk $0xffff, v22  }
0xa2: {  	[tilespmem:s2+$0x0] =	vst.add.f32.msk $0xffff, v22  }
0xa3: {  	[tilespmem:s3+$0x10] =	vst.add.f32.msk $0xffff, v21  }
0xa4: {  	[tilespmem:s5+$0x10] =	vst.add.f32.msk $0xffff, v21  }
0xa5: {  	[tilespmem:s4+$0x10] =	vst.add.f32.msk $0xffff, v21  }
0xa6: {  	[tilespmem:s2+$0x10] =	vst.add.f32.msk $0xffff, v21  }
0xa7: {  	[tilespmem:s3+$0x20] =	vst.add.f32.msk $0xffff, v20  }
0xa8: {  	[tilespmem:s5+$0x20] =	vst.add.f32.msk $0xffff, v20  }
0xa9: {  	[tilespmem:s4+$0x20] =	vst.add.f32.msk $0xffff, v20  }
0xaa: {  	[tilespmem:s2+$0x20] =	vst.add.f32.msk $0xffff, v20  }
0xab: {  	[tilespmem:s3+$0x30] =	vst.add.f32.msk $0xffff, v18  }
0xac: {  	[tilespmem:s5+$0x30] =	vst.add.f32.msk $0xffff, v18  }
0xad: {  	[tilespmem:s4+$0x30] =	vst.add.f32.msk $0xffff, v18  }
0xae: {  	[tilespmem:s2+$0x30] =	vst.add.f32.msk $0xffff, v18  }
0xaf: {  	[tilespmem:s3+$0x40] =	vst.add.f32.msk $0xffff, v11  }
0xb0: {  	[tilespmem:s5+$0x40] =	vst.add.f32.msk $0xffff, v11  }
0xb1: {  	[tilespmem:s4+$0x40] =	vst.add.f32.msk $0xffff, v11  }
0xb2: {  	[tilespmem:s2+$0x40] =	vst.add.f32.msk $0xffff, v11  }
0xb3: {  	[tilespmem:s3+$0x50] =	vst.add.f32.msk $0xffff, v10  }
0xb4: {  	[tilespmem:s5+$0x50] =	vst.add.f32.msk $0xffff, v10  }
0xb5: {  	[tilespmem:s4+$0x50] =	vst.add.f32.msk $0xffff, v10  }
0xb6: {  	[tilespmem:s2+$0x50] =	vst.add.f32.msk $0xffff, v10  }
0xb7: {  	[tilespmem:s3+$0x60] =	vst.add.f32.msk $0xffff, v9  }
0xb8: {  	[tilespmem:s5+$0x60] =	vst.add.f32.msk $0xffff, v9  }
0xb9: {  	[tilespmem:s4+$0x60] =	vst.add.f32.msk $0xffff, v9  }
0xba: {  	[tilespmem:s2+$0x60] =	vst.add.f32.msk $0xffff, v9  }
0xbb: {  	[tilespmem:s3+$0x70] =	vst.add.f32.msk $0xffff, v8  }
0xbc: {  	[tilespmem:s5+$0x70] =	vst.add.f32.msk $0xffff, v8  }
0xbd: {  	s26 =	sadd.s32 s8, s23;
	[tilespmem:s4+$0x70] =	vst.add.f32.msk $0xffff, v8  }
0xbe: {  	s28 =	sadd.s32 s8, s24;
	s29 =	sadd.s32 s6, s26;
	[tilespmem:s2+$0x70] =	vst.add.f32.msk $0xffff, v8  }
0xbf: {  	s30 =	sadd.s32 s8, s20;
	s13 =	sadd.s32 s6, s28;
	[tilespmem:s29+$0x0] =	vst.add.f32.msk $0xffff, v7  }
0xc0: {  	s31 =	sadd.s32 s8, s25;
	s3 =	sadd.s32 s6, s30;
	[tilespmem:s13+$0x0] =	vst.add.f32.msk $0xffff, v7  }
0xc1: {  	s2 =	sadd.s32 s6, s31;
	[tilespmem:s3+$0x0] =	vst.add.f32.msk $0xffff, v7  }
0xc2: {  	[tilespmem:s2+$0x0] =	vst.add.f32.msk $0xffff, v7  }
0xc3: {  	[tilespmem:s29+$0x10] =	vst.add.f32.msk $0xffff, v5  }
0xc4: {  	[tilespmem:s13+$0x10] =	vst.add.f32.msk $0xffff, v5  }
0xc5: {  	[tilespmem:s3+$0x10] =	vst.add.f32.msk $0xffff, v5  }
0xc6: {  	[tilespmem:s2+$0x10] =	vst.add.f32.msk $0xffff, v5  }
0xc7: {  	[tilespmem:s29+$0x20] =	vst.add.f32.msk $0xffff, v6  }
0xc8: {  	[tilespmem:s13+$0x20] =	vst.add.f32.msk $0xffff, v6  }
0xc9: {  	[tilespmem:s3+$0x20] =	vst.add.f32.msk $0xffff, v6  }
0xca: {  	[tilespmem:s2+$0x20] =	vst.add.f32.msk $0xffff, v6  }
0xcb: {  	[tilespmem:s29+$0x30] =	vst.add.f32.msk $0xffff, v4  }
0xcc: {  	[tilespmem:s13+$0x30] =	vst.add.f32.msk $0xffff, v4  }
0xcd: {  	[tilespmem:s3+$0x30] =	vst.add.f32.msk $0xffff, v4  }
0xce: {  	[tilespmem:s2+$0x30] =	vst.add.f32.msk $0xffff, v4  }
0xcf: {  	[tilespmem:s29+$0x40] =	vst.add.f32.msk $0xffff, v3  }
0xd0: {  	[tilespmem:s13+$0x40] =	vst.add.f32.msk $0xffff, v3  }
0xd1: {  	[tilespmem:s3+$0x40] =	vst.add.f32.msk $0xffff, v3  }
0xd2: {  	[tilespmem:s2+$0x40] =	vst.add.f32.msk $0xffff, v3  }
0xd3: {  	[tilespmem:s29+$0x50] =	vst.add.f32.msk $0xffff, v2  }
0xd4: {  	[tilespmem:s13+$0x50] =	vst.add.f32.msk $0xffff, v2  }
0xd5: {  	[tilespmem:s3+$0x50] =	vst.add.f32.msk $0xffff, v2  }
0xd6: {  	[tilespmem:s2+$0x50] =	vst.add.f32.msk $0xffff, v2  }
0xd7: {  	[tilespmem:s29+$0x60] =	vst.add.f32.msk $0xffff, v1  }
0xd8: {  	[tilespmem:s13+$0x60] =	vst.add.f32.msk $0xffff, v1  }
0xd9: {  	[tilespmem:s3+$0x60] =	vst.add.f32.msk $0xffff, v1  }
0xda: {  	[dreg:$0x13] =	wrdreg s1;
	[tilespmem:s2+$0x60] =	vst.add.f32.msk $0xffff, v1  }
0xdb: {  	[dreg:$0x14] =	wrdreg s12;
	s8 =	simm.s32 $0x1000;
	s9 =	simm.s32 $0x40;
	[tilespmem:s29+$0x70] =	vst.add.f32.msk $0xffff, v0  }
.LBB2_3:
0xdc: {  	s6 =	sand.u32 $0x1000, s8  }
0xdd: {  	s10 =	sand.u32 $0x380, s9;
	[tilespmem:s13+$0x70] =	vst.add.f32.msk $0xffff, v0;
	s4 =	smov.u32 s9;
	s22 =	sadd.s32 $0x40, s9  }
0xde: {  	s4 =	sadd.s32 s6, s7;
	s11 =	sor.u32 $0x800, s6;
	s12 =	sor.u32 $0xC00, s6;
	[tilespmem:s3+$0x70] =	vst.add.f32.msk $0xffff, v0  }
0xdf: {  	s19 =	sadd.s32 s10, s4;
	s3 =	sadd.s32 s11, s7;
	s4 =	sadd.s32 s12, s7;
	[tilespmem:s2+$0x70] =	vst.add.f32.msk $0xffff, v0  }
0xe0: {  	s13 =	sor.u32 $0x400, s6;
	v16 =	vld [tilespmem:s19+$0x70];
	s21 =	sadd.s32 s10, s3;
	s1 =	sadd.s32 s10, s4  }
0xe1: {  	s15 =	sadd.s32 s6, s24;
	s16 =	sadd.s32 s6, s20;
	s2 =	sadd.s32 s13, s7;
	v0 =	vld [tilespmem:s1+$0x70]  }
0xe2: {  	s30 =	sadd.s32 s13, s23;
	s5 =	sadd.s32 s10, s2;
	s4 =	sadd.s32 s6, s25;
	v2 =	vld [tilespmem:s1+$0x50]  }
0xe3: {  	s29 =	sadd.s32 s13, s20;
	s2 =	sadd.s32 s6, s23;
	s3 =	sadd.s32 s13, s24;
	v1 =	vld [tilespmem:s1+$0x60]  }
0xe4: {  	s31 =	sadd.s32 s13, s25;
	s26 =	sadd.s32 s11, s23;
	s2 =	sadd.s32 s10, s2;
	v3 =	vld [tilespmem:s1+$0x40]  }
0xe5: {  	s28 =	sadd.s32 s11, s24;
	s17 =	sadd.s32 s11, s25;
	s6 =	sadd.s32 s11, s20;
	v20 =	vld [tilespmem:s19+$0x50]  }
0xe6: {  	s14 =	sadd.s32 s12, s23;
	s13 =	sadd.s32 s12, s24;
	s11 =	sadd.s32 s12, s20;
	v4 =	vld [tilespmem:s1+$0x30]  }
0xe7: {  	p0 =	sne.s32 s9, $0x3C0;
	s12 =	sadd.s32 s12, s25;
	v6 =	vld [tilespmem:s1+$0x10]  }
0xe8: {  	v21 =	vld [tilespmem:s19+$0x60]  }
0xe9: {  	v5 =	vld [tilespmem:s1+$0x20]  }
0xea: {  	v22 =	vld [tilespmem:s19+$0x40]  }
0xeb: {  	v8 =	vld [tilespmem:s21+$0x70]  }
0xec: {  	v7 =	vld [tilespmem:s1+$0x0]  }
0xed: {  	v23 =	vld [tilespmem:s19+$0x30]  }
0xee: {  	v24 =	vld [tilespmem:s19+$0x20]  }
0xef: {  	v9 =	vld [tilespmem:s21+$0x60]  }
0xf0: {  	v11 =	vld [tilespmem:s21+$0x40]  }
0xf1: {  	v12 =	vld [tilespmem:s21+$0x30]  }
0xf2: {  	v25 =	vld [tilespmem:s19+$0x10]  }
0xf3: {  	v10 =	vld [tilespmem:s21+$0x50]  }
0xf4: {  	v13 =	vld [tilespmem:s21+$0x20]  }
0xf5: {  	v14 =	vld [tilespmem:s21+$0x10]  }
0xf6: {  	v15 =	vld [tilespmem:s21+$0x0]  }
0xf7: {  	v26 =	vld [tilespmem:s19+$0x0]  }
0xf8: {  	v18 =	vld [tilespmem:s5+$0x60]  }
0xf9: {  	v17 =	vld [tilespmem:s5+$0x70]  }
0xfa: {  	v19 =	vld [tilespmem:s5+$0x50]  }
0xfb: {  	v27 =	vld [tilespmem:s5+$0x40]  }
0xfc: {  	v28 =	vld [tilespmem:s5+$0x30]  }
0xfd: {  	v29 =	vld [tilespmem:s5+$0x10]  }
0xfe: {  	v30 =	vld [tilespmem:s5+$0x20]  }
0xff: {  	s1 =	sadd.s32 s10, s15;
	v31 =	vld [tilespmem:s5+$0x0]  }
0x100: {  	s5 =	sadd.s32 s10, s16;
	[tilespmem:s2+$0x0] =	vst.add.f32.msk $0xffff, v26  }
0x101: {  	s4 =	sadd.s32 s10, s4;
	[tilespmem:s1+$0x0] =	vst.add.f32.msk $0xffff, v26  }
0x102: {  	[tilespmem:s5+$0x0] =	vst.add.f32.msk $0xffff, v26  }
0x103: {  	[tilespmem:s4+$0x0] =	vst.add.f32.msk $0xffff, v26  }
0x104: {  	[tilespmem:s2+$0x10] =	vst.add.f32.msk $0xffff, v25  }
0x105: {  	[tilespmem:s1+$0x10] =	vst.add.f32.msk $0xffff, v25  }
0x106: {  	[tilespmem:s5+$0x10] =	vst.add.f32.msk $0xffff, v25  }
0x107: {  	[tilespmem:s4+$0x10] =	vst.add.f32.msk $0xffff, v25  }
0x108: {  	[tilespmem:s2+$0x20] =	vst.add.f32.msk $0xffff, v24  }
0x109: {  	[tilespmem:s1+$0x20] =	vst.add.f32.msk $0xffff, v24  }
0x10a: {  	[tilespmem:s5+$0x20] =	vst.add.f32.msk $0xffff, v24  }
0x10b: {  	[tilespmem:s4+$0x20] =	vst.add.f32.msk $0xffff, v24  }
0x10c: {  	[tilespmem:s2+$0x30] =	vst.add.f32.msk $0xffff, v23  }
0x10d: {  	[tilespmem:s1+$0x30] =	vst.add.f32.msk $0xffff, v23  }
0x10e: {  	[tilespmem:s5+$0x30] =	vst.add.f32.msk $0xffff, v23  }
0x10f: {  	[tilespmem:s4+$0x30] =	vst.add.f32.msk $0xffff, v23  }
0x110: {  	[tilespmem:s2+$0x40] =	vst.add.f32.msk $0xffff, v22  }
0x111: {  	[tilespmem:s1+$0x40] =	vst.add.f32.msk $0xffff, v22  }
0x112: {  	[tilespmem:s5+$0x40] =	vst.add.f32.msk $0xffff, v22  }
0x113: {  	[tilespmem:s4+$0x40] =	vst.add.f32.msk $0xffff, v22  }
0x114: {  	[tilespmem:s2+$0x50] =	vst.add.f32.msk $0xffff, v20  }
0x115: {  	[tilespmem:s1+$0x50] =	vst.add.f32.msk $0xffff, v20  }
0x116: {  	[tilespmem:s5+$0x50] =	vst.add.f32.msk $0xffff, v20  }
0x117: {  	[tilespmem:s4+$0x50] =	vst.add.f32.msk $0xffff, v20  }
0x118: {  	[tilespmem:s2+$0x60] =	vst.add.f32.msk $0xffff, v21  }
0x119: {  	[tilespmem:s1+$0x60] =	vst.add.f32.msk $0xffff, v21  }
0x11a: {  	[tilespmem:s5+$0x60] =	vst.add.f32.msk $0xffff, v21  }
0x11b: {  	[tilespmem:s4+$0x60] =	vst.add.f32.msk $0xffff, v21  }
0x11c: {  	[tilespmem:s2+$0x70] =	vst.add.f32.msk $0xffff, v16  }
0x11d: {  	[tilespmem:s1+$0x70] =	vst.add.f32.msk $0xffff, v16  }
0x11e: {  	s2 =	sadd.s32 s10, s30;
	[tilespmem:s5+$0x70] =	vst.add.f32.msk $0xffff, v16  }
0x11f: {  	s1 =	sadd.s32 s10, s3;
	[tilespmem:s4+$0x70] =	vst.add.f32.msk $0xffff, v16  }
0x120: {  	s3 =	sadd.s32 s10, s29;
	[tilespmem:s2+$0x0] =	vst.add.f32.msk $0xffff, v31  }
0x121: {  	s4 =	sadd.s32 s10, s31;
	[tilespmem:s1+$0x0] =	vst.add.f32.msk $0xffff, v31  }
0x122: {  	[tilespmem:s3+$0x0] =	vst.add.f32.msk $0xffff, v31  }
0x123: {  	[tilespmem:s4+$0x0] =	vst.add.f32.msk $0xffff, v31  }
0x124: {  	[tilespmem:s2+$0x10] =	vst.add.f32.msk $0xffff, v29  }
0x125: {  	[tilespmem:s1+$0x10] =	vst.add.f32.msk $0xffff, v29  }
0x126: {  	[tilespmem:s3+$0x10] =	vst.add.f32.msk $0xffff, v29  }
0x127: {  	[tilespmem:s4+$0x10] =	vst.add.f32.msk $0xffff, v29  }
0x128: {  	[tilespmem:s2+$0x20] =	vst.add.f32.msk $0xffff, v30  }
0x129: {  	[tilespmem:s1+$0x20] =	vst.add.f32.msk $0xffff, v30  }
0x12a: {  	[tilespmem:s3+$0x20] =	vst.add.f32.msk $0xffff, v30  }
0x12b: {  	[tilespmem:s4+$0x20] =	vst.add.f32.msk $0xffff, v30  }
0x12c: {  	[tilespmem:s2+$0x30] =	vst.add.f32.msk $0xffff, v28  }
0x12d: {  	[tilespmem:s1+$0x30] =	vst.add.f32.msk $0xffff, v28  }
0x12e: {  	[tilespmem:s3+$0x30] =	vst.add.f32.msk $0xffff, v28  }
0x12f: {  	[tilespmem:s4+$0x30] =	vst.add.f32.msk $0xffff, v28  }
0x130: {  	[tilespmem:s2+$0x40] =	vst.add.f32.msk $0xffff, v27  }
0x131: {  	[tilespmem:s1+$0x40] =	vst.add.f32.msk $0xffff, v27  }
0x132: {  	[tilespmem:s3+$0x40] =	vst.add.f32.msk $0xffff, v27  }
0x133: {  	[tilespmem:s4+$0x40] =	vst.add.f32.msk $0xffff, v27  }
0x134: {  	[tilespmem:s2+$0x50] =	vst.add.f32.msk $0xffff, v19  }
0x135: {  	[tilespmem:s1+$0x50] =	vst.add.f32.msk $0xffff, v19  }
0x136: {  	[tilespmem:s3+$0x50] =	vst.add.f32.msk $0xffff, v19  }
0x137: {  	[tilespmem:s4+$0x50] =	vst.add.f32.msk $0xffff, v19  }
0x138: {  	[tilespmem:s2+$0x60] =	vst.add.f32.msk $0xffff, v18  }
0x139: {  	[tilespmem:s1+$0x60] =	vst.add.f32.msk $0xffff, v18  }
0x13a: {  	[tilespmem:s3+$0x60] =	vst.add.f32.msk $0xffff, v18  }
0x13b: {  	[tilespmem:s4+$0x60] =	vst.add.f32.msk $0xffff, v18  }
0x13c: {  	[tilespmem:s2+$0x70] =	vst.add.f32.msk $0xffff, v17  }
0x13d: {  	[tilespmem:s1+$0x70] =	vst.add.f32.msk $0xffff, v17  }
0x13e: {  	s2 =	sadd.s32 s10, s26;
	[tilespmem:s3+$0x70] =	vst.add.f32.msk $0xffff, v17  }
0x13f: {  	s1 =	sadd.s32 s10, s28;
	[tilespmem:s4+$0x70] =	vst.add.f32.msk $0xffff, v17  }
0x140: {  	s3 =	sadd.s32 s10, s6;
	[tilespmem:s2+$0x0] =	vst.add.f32.msk $0xffff, v15  }
0x141: {  	s5 =	sadd.s32 s10, s17;
	[tilespmem:s1+$0x0] =	vst.add.f32.msk $0xffff, v15  }
0x142: {  	[tilespmem:s3+$0x0] =	vst.add.f32.msk $0xffff, v15  }
0x143: {  	[tilespmem:s5+$0x0] =	vst.add.f32.msk $0xffff, v15  }
0x144: {  	[tilespmem:s2+$0x10] =	vst.add.f32.msk $0xffff, v14  }
0x145: {  	[tilespmem:s1+$0x10] =	vst.add.f32.msk $0xffff, v14  }
0x146: {  	[tilespmem:s3+$0x10] =	vst.add.f32.msk $0xffff, v14  }
0x147: {  	[tilespmem:s5+$0x10] =	vst.add.f32.msk $0xffff, v14  }
0x148: {  	[tilespmem:s2+$0x20] =	vst.add.f32.msk $0xffff, v13  }
0x149: {  	[tilespmem:s1+$0x20] =	vst.add.f32.msk $0xffff, v13  }
0x14a: {  	[tilespmem:s3+$0x20] =	vst.add.f32.msk $0xffff, v13  }
0x14b: {  	[tilespmem:s5+$0x20] =	vst.add.f32.msk $0xffff, v13  }
0x14c: {  	[tilespmem:s2+$0x30] =	vst.add.f32.msk $0xffff, v12  }
0x14d: {  	[tilespmem:s1+$0x30] =	vst.add.f32.msk $0xffff, v12  }
0x14e: {  	[tilespmem:s3+$0x30] =	vst.add.f32.msk $0xffff, v12  }
0x14f: {  	[tilespmem:s5+$0x30] =	vst.add.f32.msk $0xffff, v12  }
0x150: {  	[tilespmem:s2+$0x40] =	vst.add.f32.msk $0xffff, v11  }
0x151: {  	[tilespmem:s1+$0x40] =	vst.add.f32.msk $0xffff, v11  }
0x152: {  	[tilespmem:s3+$0x40] =	vst.add.f32.msk $0xffff, v11  }
0x153: {  	[tilespmem:s5+$0x40] =	vst.add.f32.msk $0xffff, v11  }
0x154: {  	[tilespmem:s2+$0x50] =	vst.add.f32.msk $0xffff, v10  }
0x155: {  	[tilespmem:s1+$0x50] =	vst.add.f32.msk $0xffff, v10  }
0x156: {  	[tilespmem:s3+$0x50] =	vst.add.f32.msk $0xffff, v10  }
0x157: {  	[tilespmem:s5+$0x50] =	vst.add.f32.msk $0xffff, v10  }
0x158: {  	[tilespmem:s2+$0x60] =	vst.add.f32.msk $0xffff, v9  }
0x159: {  	[tilespmem:s1+$0x60] =	vst.add.f32.msk $0xffff, v9  }
0x15a: {  	[tilespmem:s3+$0x60] =	vst.add.f32.msk $0xffff, v9  }
0x15b: {  	[tilespmem:s5+$0x60] =	vst.add.f32.msk $0xffff, v9  }
0x15c: {  	[tilespmem:s2+$0x70] =	vst.add.f32.msk $0xffff, v8  }
0x15d: {  	[tilespmem:s1+$0x70] =	vst.add.f32.msk $0xffff, v8  }
0x15e: {  	s4 =	sadd.s32 s10, s14;
	[tilespmem:s3+$0x70] =	vst.add.f32.msk $0xffff, v8  }
0x15f: {  	s13 =	sadd.s32 s10, s13;
	[tilespmem:s5+$0x70] =	vst.add.f32.msk $0xffff, v8  }
0x160: {  	s3 =	sadd.s32 s10, s11;
	[tilespmem:s4+$0x0] =	vst.add.f32.msk $0xffff, v7  }
0x161: {  	s2 =	sadd.s32 s10, s12;
	[tilespmem:s13+$0x0] =	vst.add.f32.msk $0xffff, v7  }
0x162: {  	[tilespmem:s3+$0x0] =	vst.add.f32.msk $0xffff, v7  }
0x163: {  	[tilespmem:s2+$0x0] =	vst.add.f32.msk $0xffff, v7  }
0x164: {  	[tilespmem:s4+$0x10] =	vst.add.f32.msk $0xffff, v6  }
0x165: {  	[tilespmem:s13+$0x10] =	vst.add.f32.msk $0xffff, v6  }
0x166: {  	[tilespmem:s3+$0x10] =	vst.add.f32.msk $0xffff, v6  }
0x167: {  	[tilespmem:s2+$0x10] =	vst.add.f32.msk $0xffff, v6  }
0x168: {  	[tilespmem:s4+$0x20] =	vst.add.f32.msk $0xffff, v5  }
0x169: {  	[tilespmem:s13+$0x20] =	vst.add.f32.msk $0xffff, v5  }
0x16a: {  	[tilespmem:s3+$0x20] =	vst.add.f32.msk $0xffff, v5  }
0x16b: {  	[tilespmem:s2+$0x20] =	vst.add.f32.msk $0xffff, v5  }
0x16c: {  	[tilespmem:s4+$0x30] =	vst.add.f32.msk $0xffff, v4  }
0x16d: {  	[tilespmem:s13+$0x30] =	vst.add.f32.msk $0xffff, v4  }
0x16e: {  	[tilespmem:s3+$0x30] =	vst.add.f32.msk $0xffff, v4  }
0x16f: {  	[tilespmem:s2+$0x30] =	vst.add.f32.msk $0xffff, v4  }
0x170: {  	[tilespmem:s4+$0x40] =	vst.add.f32.msk $0xffff, v3  }
0x171: {  	[tilespmem:s13+$0x40] =	vst.add.f32.msk $0xffff, v3  }
0x172: {  	[tilespmem:s3+$0x40] =	vst.add.f32.msk $0xffff, v3  }
0x173: {  	[tilespmem:s2+$0x40] =	vst.add.f32.msk $0xffff, v3  }
0x174: {  	[tilespmem:s4+$0x50] =	vst.add.f32.msk $0xffff, v2  }
0x175: {  	[tilespmem:s13+$0x50] =	vst.add.f32.msk $0xffff, v2  }
0x176: {  	[tilespmem:s3+$0x50] =	vst.add.f32.msk $0xffff, v2  }
0x177: {  	[tilespmem:s2+$0x50] =	vst.add.f32.msk $0xffff, v2  }
.Ltmp0:
0x178: {  	[tilespmem:s4+$0x60] =	vst.add.f32.msk $0xffff, v1;
	(pc) =	sbr.rel @p0 .LBB2_3-.Ltmp0, $4  }
0x179: {  	[tilespmem:s13+$0x60] =	vst.add.f32.msk $0xffff, v1  }
0x17a: {  	[tilespmem:s3+$0x60] =	vst.add.f32.msk $0xffff, v1  }
0x17b: {  	[tilespmem:s2+$0x60] =	vst.add.f32.msk $0xffff, v1  }
0x17c: {  	s8 =	sadd.s32 $0x1000, s8;
	s9 =	smov.u32 s22;
	[tilespmem:s4+$0x70] =	vst.add.f32.msk $0xffff, v0  }
0x17d: {  	p0 =	seq.s32 s0, $0x0  }
0x17e: {  	s1 =	sadd.s32 @!p0 $0xFFFFFFFF, s0  }
0x17f: {  	s4 =	smulhi.u32 @!p0 $0xAAAAAAAB, s1;
	_ =	sdelay $0x1  }
0x180: {  	s4 =	sshrl.u32 @!p0 s4, $0x1  }
0x181: {  	s4 =	smul.u32 @!p0 $0x3, s4;
	_ =	sdelay $0x1  }
0x182: {  	[tilespmem:s13+$0x70] =	vst.add.f32.msk $0xffff, v0;
	s1 =	ssub.s32 @!p0 s1, s4  }
0x183: {  	[tilespmem:s3+$0x70] =	vst.add.f32.msk $0xffff, v0;
	s1 =	sshll.u32 @!p0 s1, $0x2  }
0x184: {  	[tilespmem:s2+$0x70] =	vst.add.f32.msk $0xffff, v0;
	s2 =	sadd.s32 @!p0 $0xD, s1  }
0x185: {  	_ =	swait.ge @!p0 [sflag:s2], $0x2000  }
0x186: {  	[sflag:s2] =	ssyncset.done @!p0 $0x0  }
0x187: {  	[sflag:s2] =	ssyncadd.s32 @!p0 $0xFFFFE000;
	s2 =	sadd.s32 @!p0 $0xE, s1  }
0x188: {  	_ =	swait.ge @!p0 [sflag:s2], $0x2000  }
0x189: {  	[sflag:s2] =	ssyncset.done @!p0 $0x0  }
0x18a: {  	[sflag:s2] =	ssyncadd.s32 @!p0 $0xFFFFE000;
	s2 =	sadd.s32 @!p0 $0xF, s1  }
0x18b: {  	_ =	swait.ge @!p0 [sflag:s2], $0x2000  }
0x18c: {  	[sflag:s2] =	ssyncset.done @!p0 $0x0  }
0x18d: {  	s1 =	sor.u32 @!p0 $0x10, s1;
	[sflag:s2] =	ssyncadd.s32 @!p0 $0xFFFFE000  }
0x18e: {  	p1 =	sgt.u32 @!p0 s0, $0xD;
	_ =	swait.ge @!p0 [sflag:s1], $0x2000  }
0x18f: {  	p1 =	por p0, !p1;
	[sflag:s1] =	ssyncset.done @!p0 $0x0  }
0x190: {  	[sflag:s1] =	ssyncadd.s32 @!p0 $0xFFFFE000;
	s1 =	sadd.s32 @p1 $0x2, s0  }
0x191: {  	s2 =	smul.u32 @p1 $0xAB, s1;
	_ =	sdelay $0x1  }
0x192: {  	s2 =	sshrl.u32 @p1 s2, $0x9  }
0x193: {  	s2 =	sand.u32 @p1 $0x7F, s2  }
0x194: {  	s2 =	smul.u32 @p1 $0x3, s2  }
0x195: {  	s18 =	sadd.s32 $0xD, s18  }
0x196: {  	s10 =	simm.s32 @p1 $0x0;
	s11 =	rddreg [dreg:$0xd];
	s2 =	ssub.s32 @p1 s1, s2  }
0x197: {  	s17 =	sor.u32 s11, s0;
	s1 =	sadd.s32 @p1 s11, s1;
	s2 =	sand.u32 @p1 $0xFF, s2  }
0x198: {  	s9 =	rddreg @p1 [dreg:$0x0];
	s1 =	sshll.u32 @p1 s1, $0xA;
	s3 =	sshll.u32 @p1 s2, $0x2  }
0x199: {  	s5 =	sadd.s32 @p1 s9, s1;
	s6 =	sshll.u32 @p1 s2, $0xF;
	s4 =	sor.u32 @p1 $0x1, s3  }
0x19a: {  	[tilespmem:s6], [sflag:s4] =	stream.linear.gather @p1 [hbm4b:s5+s10], $0x2000, $0x38;
	[tilespmem:$0x1C000] =	vst v63  }
0x19b: {  	s26 =	rddreg [dreg:$0x13];
	s0 =	sshll.u32 s17, $0xA;
	s4 =	sand.u32 @p1 $0x1FFFFC00, s1  }
0x19c: {  	s19 =	rddreg [dreg:$0x2];
	s7 =	sor.u32 @p1 $0x2, s3;
	s4 =	sadd.s32 @p1 s9, s4  }
0x19d: {  	s5 =	sor.u32 @p1 $0x2000, s6;
	s1 =	sor.u32 @p1 $0x100000, s1;
	s8 =	sadd.s32 @p1 $0x80000, s4  }
0x19e: {  	[tilespmem:s5], [sflag:s7] =	stream.linear.gather @p1 [hbm4b:s8+s10], $0x2000, $0x38;
	[tilespmem:$0x1C000] =	vst v63  }
0x19f: {  	s2 =	sshllo.u32 @p1 s2, $0x2;
	s1 =	sadd.s32 @p1 s9, s1;
	s5 =	sor.u32 @p1 $0x4000, s6  }
0x1a0: {  	[tilespmem:s5], [sflag:s2] =	stream.linear.gather @p1 [hbm4b:s1+s10], $0x2000, $0x38;
	[tilespmem:$0x1C000] =	vst v63  }
0x1a1: {  	s1 =	sor.u32 @p1 $0x6000, s6;
	s2 =	sadd.s32 @p1 $0x4, s3;
	s3 =	sadd.s32 @p1 $0x180000, s4  }
0x1a2: {  	[tilespmem:s1], [sflag:s2] =	stream.linear.gather @p1 [hbm4b:s3+s10], $0x2000, $0x38;
	[tilespmem:$0x1C000] =	vst v63  }
0x1a3: {  	s22 =	simm.s32 $0x0;
	s29 =	rddreg [dreg:$0x12];
	s21 =	sadd.s32 s19, s0  }
0x1a4: {  	[hbm4b:s21+s22] =	stream.linear.scatter [tilespmem:s23], [sflag:s18], $0x2000, $0x38;
	[tilespmem:$0x1C000] =	vst v63  }
0x1a5: {  	s30 =	rddreg [dreg:$0x14];
	s23 =	sor.u32 $0x80000, s0  }
0x1a6: {  	s28 =	sor.u32 $0x100000, s0;
	s2 =	sadd.s32 $0xD, s26;
	s1 =	sadd.s32 s19, s23  }
0x1a7: {  	[hbm4b:s1+s22] =	stream.linear.scatter [tilespmem:s24], [sflag:s2], $0x2000, $0x38;
	[tilespmem:$0x1C000] =	vst v63  }
0x1a8: {  	s31 =	rddreg [dreg:$0xe];
	s2 =	sadd.s32 $0xD, s29;
	s1 =	sadd.s32 s19, s28  }
0x1a9: {  	[hbm4b:s1+s22] =	stream.linear.scatter [tilespmem:s20], [sflag:s2], $0x2000, $0x38;
	[tilespmem:$0x1C000] =	vst v63  }
0x1aa: {  	s0 =	sadd.s32 s0, s31;
	s1 =	sadd.s32 $0xD, s30  }
0x1ab: {  	[hbm4b:s0+s22] =	stream.linear.scatter [tilespmem:s25], [sflag:s1], $0x2000, $0x38;
	[tilespmem:$0x1C000] =	vst v63  }
0x1ac: {  	s0 =	rddreg [dreg:$0x11]  }
0x1ad: {  	p0 =	sne.s32 s0, $0x10  }
.Ltmp1:
0x1ae: {  	_ = 	snop;
	(pc) =	sbr.rel @p0 .LBB2_2-.Ltmp1, $1  }
0x1af: {  	_ =	sdelay $0x3  }
0x1b0: {  	s0 =	simm.s32 $0xD  }
0x1b1: {  	_ =	swait.ge [sflag:s0], $0x2000  }
0x1b2: {  	[sflag:s0] =	ssyncset.done $0x0  }
0x1b3: {  	s29 =	simm.s32 $0xE;
	[sflag:s0] =	ssyncadd.s32 $0xFFFFE000  }
0x1b4: {  	_ =	swait.ge [sflag:s29], $0x2000  }
0x1b5: {  	[sflag:s29] =	ssyncset.done $0x0  }
0x1b6: {  	s30 =	simm.s32 $0xF;
	[sflag:s29] =	ssyncadd.s32 $0xFFFFE000  }
0x1b7: {  	_ =	swait.ge [sflag:s30], $0x2000  }
0x1b8: {  	[sflag:s30] =	ssyncset.done $0x0  }
0x1b9: {  	s1 =	simm.s32 $0x10;
	[sflag:s30] =	ssyncadd.s32 $0xFFFFE000  }
0x1ba: {  	_ =	swait.ge [sflag:s1], $0x2000  }
0x1bb: {  	s2 =	rddreg [dreg:$0x10]  }
0x1bc: {  	s31 =	rddreg [dreg:$0xf];
	s2 =	sadd.s32 $0x1, s2  }
0x1bd: {  	p0 =	sne.s32 s2, s31  }
.Ltmp2:
0x1be: {  	_ = 	snop;
	(pc) =	sbr.rel @p0 .LBB2_1-.Ltmp2, $3  }
0x1bf: {  	_ =	sdelay $0x1  }
0x1c0: {  	[sflag:s1] =	ssyncset.done $0x0  }
0x1c1: {  	[sflag:s1] =	ssyncadd.s32 $0xFFFFE000  }
0x1c2: {  	_ =	sfence.sel $0x180000  }
0x1c3: {  	[bflag:$0x0] =	sbarrier.arrive $0xFFFF  }
0x1c4: {  	_ =	strace $0x90000047  }
0x1c5: {  	s0 =	stileid.u32;
	[bflag:$0x2] =	sbarrier.arrive $0xFFFF  }
0x1c6: {  	p0 =	sne.s32 s0, $0x0;
	s0 =	rddreg [dreg:$0x3]  }
0x1c7: {  	s0 =	sadd.s32 @!p0 $0x100000, s0  }
0x1c8: {  	[sflag:s0] =	ssyncadd.tile.s32 @!p0 $0x1;
	_ =	shalt  }
.Lfunc_end2:
_tile_overlayer_lowered:
.L_overlay_start_2:
0x1c9: {  	(tag) =	ssettag $0x2  }
0x1ca: {  	s0 =	rddreg [dreg:$0x0];
	s2 =	stileid.u32  }
0x1cb: {  	s1 =	rddreg [dreg:$0x1];
	p0 =	sne.s32 s2, $0x0  }
0x1cc: {  	s3 =	rddreg [dreg:$0x2];
	[bflag:$0x3] =	sbarrier.arrive $0xFFFF;
	s2 =	simm.s32 @!p0 $0x1C1B  }
0x1cd: {  	[timem:s3], [sflag:s2] =	dma.local @!p0 [hbm:s0], s1  }
0x1ce: {  	s0 =	simm.s32 @!p0 $0x1B  }
0x1cf: {  	_ =	swait.ge @!p0 [sflag:s0], s1  }
0x1d0: {  	s1 =	ssub.s32 @!p0 $0x0, s1;
	[sflag:s0] =	ssyncset.done @!p0 $0x0  }
0x1d1: {  	[sflag:s0] =	ssyncadd.s32 @!p0 s1  }
0x1d2: {  	[bflag:$0x3] =	sbarrier.arrive $0xFFFF  }
0x1d3: {  	_ =	shalt  }

</sc_bundles>
